<compile_context>
chip_gen: v7x
topology: tpu7x:2x2x1
jax: 0.10.2.dev20260603
libtpu: 0.0.44.dev20260713+nightly
codegen_flags: <defaults>
</compile_context>

<pallas_src>
import functools

import jax
import jax.numpy as jnp
from jax import lax
from jax.experimental import pallas as pl
from jax.experimental.pallas import tpu as pltpu
from jax.experimental.pallas import tpu_sc as plsc

D_MODEL = 768
B_TOTAL = 4 * 8192
NUM_WORKERS = 32
B_PER_W = B_TOTAL // NUM_WORKERS
CHUNK = 32
N_CHUNKS = B_PER_W // CHUNK
NBUF = 5
LAG = 2

_mesh = plsc.VectorSubcoreMesh(core_axis_name="c", subcore_axis_name="s")


@functools.partial(
    pl.kernel,
    mesh=_mesh,
    out_type=jax.ShapeDtypeStruct((B_TOTAL, D_MODEL), jnp.float32),
    scratch_types=[
        pltpu.VMEM((B_PER_W,), jnp.int32),
        *[pltpu.VMEM((CHUNK, D_MODEL), jnp.float32) for _ in range(NBUF)],
        *[pltpu.SemaphoreType.DMA for _ in range(2 * NBUF)],
    ],
)
def _gather_kernel(idx_hbm, table_hbm, out_hbm, idx_v, *rest):
    bufs = rest[:NBUF]
    gsems = rest[NBUF:2 * NBUF]
    wsems = rest[2 * NBUF:3 * NBUF]
    wid = lax.axis_index("s") * 2 + lax.axis_index("c")
    base = wid * B_PER_W
    row = base // 8192
    col = base % 8192
    pltpu.sync_copy(idx_hbm.at[row, pl.ds(col, B_PER_W)], idx_v)
    g = [None] * NBUF
    w = [None] * NBUF
    for t in range(N_CHUNKS + LAG):
        if t < N_CHUNKS:
            bi = t % NBUF
            if w[bi] is not None:
                w[bi].wait()
            g[bi] = pltpu.async_copy(
                table_hbm.at[idx_v.at[pl.ds(t * CHUNK, CHUNK)]],
                bufs[bi], gsems[bi]
            )
        c = t - LAG
        if c >= 0:
            bi = c % NBUF
            g[bi].wait()
            w[bi] = pltpu.async_copy(
                bufs[bi], out_hbm.at[pl.ds(base + c * CHUNK, CHUNK)], wsems[bi]
            )
    for bi in range(NBUF):
        if w[bi] is not None:
            w[bi].wait()


def kernel(input_ids, word_embeddings):
    b, s = input_ids.shape
    if input_ids.dtype != jnp.int32:
        input_ids = input_ids.astype(jnp.int32)
    out = _gather_kernel(input_ids, word_embeddings)
    return out.reshape(b, s, D_MODEL)

# --- scband reference (transcript-rebuilt; emitter-appended) ---
"""Pipeline reference for scband-bi-mamba-embeddings-40561671143730 (READ-ONLY COPY).

The authoritative reference and input builder live on the scoring server;
editing this copy changes nothing except your own understanding.
"""

import jax, jax.numpy as jnp
import numpy as np

VOCAB = 100000
D_MODEL = 768
BATCH = 4
SEQLEN = 8192

def setup_inputs(seed: int = 0) -> dict:
    key = jax.random.key(seed)
    k_idx, k_tab = jax.random.split(key)
    input_ids = jax.random.randint(k_idx, (BATCH, SEQLEN), 0, VOCAB, dtype=jnp.int64 if jax.config.jax_enable_x64 else jnp.int32)
    word_embeddings = jax.random.normal(k_tab, (VOCAB, D_MODEL), dtype=jnp.float32) * 0.02
    return {"input_ids": input_ids, "word_embeddings": word_embeddings}

def reference(input_ids, word_embeddings):
    # BiMambaEmbeddings.forward: nn.Embedding lookup
    return jnp.take(word_embeddings, input_ids, axis=0)

if __name__ == "__main__":
    import jax
    _d = setup_inputs()
    print(jax.jit(kernel)(*tuple(_d.values())))

</pallas_src>

<mosaic_0001>
#map = affine_map<(d0, d1) -> (0, 0)>
module attributes {stable_mosaic.version = 14 : i64} {
  func.func @_gather_kernel(%arg0: i32, %arg1: i32, %arg2: memref<4x8192xi32, #tpu.memory_space<hbm>>, %arg3: memref<100000x768xf32, #tpu.memory_space<hbm>>, %arg4: memref<32768x768xf32, #tpu.memory_space<hbm>>, %arg5: memref<1024xi32, #tpu.memory_space<vmem>>, %arg6: memref<32x768xf32, #tpu.memory_space<vmem>>, %arg7: memref<32x768xf32, #tpu.memory_space<vmem>>, %arg8: memref<32x768xf32, #tpu.memory_space<vmem>>, %arg9: memref<32x768xf32, #tpu.memory_space<vmem>>, %arg10: memref<32x768xf32, #tpu.memory_space<vmem>>, %arg11: memref<!tpu.dma_semaphore, #tpu.memory_space<semaphore_mem>>, %arg12: memref<!tpu.dma_semaphore, #tpu.memory_space<semaphore_mem>>, %arg13: memref<!tpu.dma_semaphore, #tpu.memory_space<semaphore_mem>>, %arg14: memref<!tpu.dma_semaphore, #tpu.memory_space<semaphore_mem>>, %arg15: memref<!tpu.dma_semaphore, #tpu.memory_space<semaphore_mem>>, %arg16: memref<!tpu.dma_semaphore, #tpu.memory_space<semaphore_mem>>, %arg17: memref<!tpu.dma_semaphore, #tpu.memory_space<semaphore_mem>>, %arg18: memref<!tpu.dma_semaphore, #tpu.memory_space<semaphore_mem>>, %arg19: memref<!tpu.dma_semaphore, #tpu.memory_space<semaphore_mem>>, %arg20: memref<!tpu.dma_semaphore, #tpu.memory_space<semaphore_mem>>) attributes {dimension_semantics = [#tpu.dimension_semantics<core_parallel>, #tpu.dimension_semantics<subcore_parallel>], iteration_bounds = array<i64: 2, 16>, scalar_prefetch = 0 : i64, scratch_operands = 16 : i64, tpu.core_type = #tpu.core_type<sc_vector_subcore>, window_params = [{transform_indices = #map}, {transform_indices = #map}, {transform_indices = #map}]} {
    %mul3A = arith.constant 2 : i32
    %mul3A_0 = arith.muli %arg1, %mul3A : i32
    %add3A = arith.addi %mul3A_0, %arg0 : i32
    %mul3A_1 = arith.constant 1024 : i32
    %mul3A_2 = arith.muli %add3A, %mul3A_1 : i32
    %jit3A = arith.constant 8192 : i32
    %div3A = arith.divsi %mul3A_2, %jit3A : i32
    %sign3A = arith.constant 0 : i32
    %sign3A_3 = arith.cmpi sgt, %mul3A_2, %sign3A : i32
    %sign3A_4 = arith.extui %sign3A_3 : i1 to i32
    %sign3A_5 = arith.constant 0 : i32
    %sign3A_6 = arith.cmpi slt, %mul3A_2, %sign3A_5 : i32
    %sign3A_7 = arith.extui %sign3A_6 : i1 to i32
    %sign3A_8 = arith.subi %sign3A_4, %sign3A_7 : i32
    %sign3A_9 = arith.constant 0 : i32
    %sign3A_10 = arith.cmpi sgt, %jit3A, %sign3A_9 : i32
    %sign3A_11 = arith.extui %sign3A_10 : i1 to i32
    %sign3A_12 = arith.constant 0 : i32
    %sign3A_13 = arith.cmpi slt, %jit3A, %sign3A_12 : i32
    %sign3A_14 = arith.extui %sign3A_13 : i1 to i32
    %sign3A_15 = arith.subi %sign3A_11, %sign3A_14 : i32
    %ne3A = arith.cmpi ne, %sign3A_8, %sign3A_15 : i32
    %rem3A = arith.remsi %mul3A_2, %jit3A : i32
    %ne3A_16 = arith.constant 0 : i32
    %ne3A_17 = arith.cmpi ne, %rem3A, %ne3A_16 : i32
    %and3A = arith.andi %ne3A, %ne3A_17 : i1
    %sub3A = arith.constant 1 : i32
    %sub3A_18 = arith.subi %div3A, %sub3A : i32
    %select_n3A = arith.select %and3A, %sub3A_18, %div3A : i32
    %jit3A_19 = arith.constant 8192 : i32
    %eq3A = arith.constant 0 : i32
    %eq3A_20 = arith.cmpi eq, %jit3A_19, %eq3A : i32
    %jit3A_21 = arith.constant 1 : i32
    %select_n3A_22 = arith.select %eq3A_20, %jit3A_21, %jit3A_19 : i32
    %rem3A_23 = arith.remsi %mul3A_2, %select_n3A_22 : i32
    %ne3A_24 = arith.constant 0 : i32
    %ne3A_25 = arith.cmpi ne, %rem3A_23, %ne3A_24 : i32
    %lt3A = arith.constant 0 : i32
    %lt3A_26 = arith.cmpi slt, %rem3A_23, %lt3A : i32
    %lt3A_27 = arith.constant 0 : i32
    %lt3A_28 = arith.cmpi slt, %select_n3A_22, %lt3A_27 : i32
    %ne3A_29 = arith.xori %lt3A_26, %lt3A_28 : i1
    %and3A_30 = arith.andi %ne3A_29, %ne3A_25 : i1
    %add3A_31 = arith.addi %rem3A_23, %select_n3A_22 : i32
    %select_n3A_32 = arith.select %and3A_30, %add3A_31, %rem3A_23 : i32
    "tpu.region"() ({
      %run_scoped3A = tpu.sem_alloc : memref<!tpu.dma_semaphore, #tpu.memory_space<semaphore_mem>>
      %dma_start3A_671 = tpu.memref_slice %arg2[%select_n3A, %select_n3A_32] : memref<4x8192xi32, #tpu.memory_space<hbm>> -> memref<1x1024xi32, #tpu.memory_space<hbm>>
      %dma_start3A_672 = tpu.memref_squeeze %dma_start3A_671 : memref<1x1024xi32, #tpu.memory_space<hbm>> -> memref<1024xi32, #tpu.memory_space<hbm>>
      %dma_start3A_673 = tpu.memref_slice %arg2[%select_n3A, %select_n3A_32] : memref<4x8192xi32, #tpu.memory_space<hbm>> -> memref<1x1024xi32, #tpu.memory_space<hbm>>
      %dma_start3A_674 = tpu.memref_squeeze %dma_start3A_673 : memref<1x1024xi32, #tpu.memory_space<hbm>> -> memref<1024xi32, #tpu.memory_space<hbm>>
      tpu.enqueue_dma source(%dma_start3A_674 : memref<1024xi32, #tpu.memory_space<hbm>>) target(%arg5 : memref<1024xi32, #tpu.memory_space<vmem>>) target_semaphore(%run_scoped3A : memref<!tpu.dma_semaphore, #tpu.memory_space<semaphore_mem>>)
      %dma_wait3A_675 = tpu.memref_slice %arg2[%select_n3A, %select_n3A_32] : memref<4x8192xi32, #tpu.memory_space<hbm>> -> memref<1x1024xi32, #tpu.memory_space<hbm>>
      %dma_wait3A_676 = tpu.memref_squeeze %dma_wait3A_675 : memref<1x1024xi32, #tpu.memory_space<hbm>> -> memref<1024xi32, #tpu.memory_space<hbm>>
      %dma_wait3A_677 = tpu.memref_slice %arg2[%select_n3A, %select_n3A_32] : memref<4x8192xi32, #tpu.memory_space<hbm>> -> memref<1x1024xi32, #tpu.memory_space<hbm>>
      %dma_wait3A_678 = tpu.memref_squeeze %dma_wait3A_677 : memref<1x1024xi32, #tpu.memory_space<hbm>> -> memref<1024xi32, #tpu.memory_space<hbm>>
      tpu.wait_dma2 semaphore(%run_scoped3A : memref<!tpu.dma_semaphore, #tpu.memory_space<semaphore_mem>>) src(%dma_wait3A_678 : memref<1024xi32, #tpu.memory_space<hbm>>) dst(%arg5 : memref<1024xi32, #tpu.memory_space<vmem>>)
      tpu.yield
    }) : () -> ()
    %dma_start3A = arith.constant 0 : i32
    %dma_start3A_33 = tpu.memref_slice %arg5[%dma_start3A] : memref<1024xi32, #tpu.memory_space<vmem>> -> memref<32xi32, #tpu.memory_space<vmem>>
    %dma_start3A_34 = arith.constant 0 : i32
    %dma_start3A_35 = arith.constant 0 : i32
    %dma_start3A_36 = tpu.memref_slice %arg3[%dma_start3A_34, %dma_start3A_35] : memref<100000x768xf32, #tpu.memory_space<hbm>> -> memref<100000x768xf32, #tpu.memory_space<hbm>>
    tpu.enqueue_indirect_dma source(%dma_start3A_36 : memref<100000x768xf32, #tpu.memory_space<hbm>>) target(%arg6 : memref<32x768xf32, #tpu.memory_space<vmem>>) offsets(%dma_start3A_33 : memref<32xi32, #tpu.memory_space<vmem>>) semaphore(%arg11 : memref<!tpu.dma_semaphore, #tpu.memory_space<semaphore_mem>>)
    %dma_start3A_37 = arith.constant 32 : i32
    %dma_start3A_38 = tpu.memref_slice %arg5[%dma_start3A_37] : memref<1024xi32, #tpu.memory_space<vmem>> -> memref<32xi32, #tpu.memory_space<vmem>>
    %dma_start3A_39 = arith.constant 0 : i32
    %dma_start3A_40 = arith.constant 0 : i32
    %dma_start3A_41 = tpu.memref_slice %arg3[%dma_start3A_39, %dma_start3A_40] : memref<100000x768xf32, #tpu.memory_space<hbm>> -> memref<100000x768xf32, #tpu.memory_space<hbm>>
    tpu.enqueue_indirect_dma source(%dma_start3A_41 : memref<100000x768xf32, #tpu.memory_space<hbm>>) target(%arg7 : memref<32x768xf32, #tpu.memory_space<vmem>>) offsets(%dma_start3A_38 : memref<32xi32, #tpu.memory_space<vmem>>) semaphore(%arg12 : memref<!tpu.dma_semaphore, #tpu.memory_space<semaphore_mem>>)
    %dma_start3A_42 = arith.constant 64 : i32
    %dma_start3A_43 = tpu.memref_slice %arg5[%dma_start3A_42] : memref<1024xi32, #tpu.memory_space<vmem>> -> memref<32xi32, #tpu.memory_space<vmem>>
    %dma_start3A_44 = arith.constant 0 : i32
    %dma_start3A_45 = arith.constant 0 : i32
    %dma_start3A_46 = tpu.memref_slice %arg3[%dma_start3A_44, %dma_start3A_45] : memref<100000x768xf32, #tpu.memory_space<hbm>> -> memref<100000x768xf32, #tpu.memory_space<hbm>>
    tpu.enqueue_indirect_dma source(%dma_start3A_46 : memref<100000x768xf32, #tpu.memory_space<hbm>>) target(%arg8 : memref<32x768xf32, #tpu.memory_space<vmem>>) offsets(%dma_start3A_43 : memref<32xi32, #tpu.memory_space<vmem>>) semaphore(%arg13 : memref<!tpu.dma_semaphore, #tpu.memory_space<semaphore_mem>>)
    %dma_wait3A = arith.constant 0 : i32
    %dma_wait3A_47 = tpu.memref_slice %arg5[%dma_wait3A] : memref<1024xi32, #tpu.memory_space<vmem>> -> memref<32xi32, #tpu.memory_space<vmem>>
    %dma_wait3A_48 = arith.constant 0 : i32
    %dma_wait3A_49 = arith.constant 0 : i32
    %dma_wait3A_50 = tpu.memref_slice %arg3[%dma_wait3A_48, %dma_wait3A_49] : memref<100000x768xf32, #tpu.memory_space<hbm>> -> memref<100000x768xf32, #tpu.memory_space<hbm>>
    tpu.wait_indirect_dma semaphore(%arg11 : memref<!tpu.dma_semaphore, #tpu.memory_space<semaphore_mem>>) src(%dma_wait3A_50 : memref<100000x768xf32, #tpu.memory_space<hbm>>) dst(%arg6 : memref<32x768xf32, #tpu.memory_space<vmem>>)
    %add3A_51 = arith.constant 0 : i32
    %add3A_52 = arith.addi %mul3A_2, %add3A_51 : i32
    %dma_start3A_53 = arith.constant 0 : i32
    %dma_start3A_54 = tpu.memref_slice %arg4[%add3A_52, %dma_start3A_53] : memref<32768x768xf32, #tpu.memory_space<hbm>> -> memref<32x768xf32, #tpu.memory_space<hbm>>
    %dma_start3A_55 = arith.constant 0 : i32
    %dma_start3A_56 = tpu.memref_slice %arg4[%add3A_52, %dma_start3A_55] : memref<32768x768xf32, #tpu.memory_space<hbm>> -> memref<32x768xf32, #tpu.memory_space<hbm>>
    tpu.enqueue_dma source(%arg6 : memref<32x768xf32, #tpu.memory_space<vmem>>) target(%dma_start3A_56 : memref<32x768xf32, #tpu.memory_space<hbm>>) target_semaphore(%arg16 : memref<!tpu.dma_semaphore, #tpu.memory_space<semaphore_mem>>)
    %dma_start3A_57 = arith.constant 96 : i32
    %dma_start3A_58 = tpu.memref_slice %arg5[%dma_start3A_57] : memref<1024xi32, #tpu.memory_space<vmem>> -> memref<32xi32, #tpu.memory_space<vmem>>
    %dma_start3A_59 = arith.constant 0 : i32
    %dma_start3A_60 = arith.constant 0 : i32
    %dma_start3A_61 = tpu.memref_slice %arg3[%dma_start3A_59, %dma_start3A_60] : memref<100000x768xf32, #tpu.memory_space<hbm>> -> memref<100000x768xf32, #tpu.memory_space<hbm>>
    tpu.enqueue_indirect_dma source(%dma_start3A_61 : memref<100000x768xf32, #tpu.memory_space<hbm>>) target(%arg9 : memref<32x768xf32, #tpu.memory_space<vmem>>) offsets(%dma_start3A_58 : memref<32xi32, #tpu.memory_space<vmem>>) semaphore(%arg14 : memref<!tpu.dma_semaphore, #tpu.memory_space<semaphore_mem>>)
    %dma_wait3A_62 = arith.constant 32 : i32
    %dma_wait3A_63 = tpu.memref_slice %arg5[%dma_wait3A_62] : memref<1024xi32, #tpu.memory_space<vmem>> -> memref<32xi32, #tpu.memory_space<vmem>>
    %dma_wait3A_64 = arith.constant 0 : i32
    %dma_wait3A_65 = arith.constant 0 : i32
    %dma_wait3A_66 = tpu.memref_slice %arg3[%dma_wait3A_64, %dma_wait3A_65] : memref<100000x768xf32, #tpu.memory_space<hbm>> -> memref<100000x768xf32, #tpu.memory_space<hbm>>
    tpu.wait_indirect_dma semaphore(%arg12 : memref<!tpu.dma_semaphore, #tpu.memory_space<semaphore_mem>>) src(%dma_wait3A_66 : memref<100000x768xf32, #tpu.memory_space<hbm>>) dst(%arg7 : memref<32x768xf32, #tpu.memory_space<vmem>>)
    %add3A_67 = arith.constant 32 : i32
    %add3A_68 = arith.addi %mul3A_2, %add3A_67 : i32
    %dma_start3A_69 = arith.constant 0 : i32
    %dma_start3A_70 = tpu.memref_slice %arg4[%add3A_68, %dma_start3A_69] : memref<32768x768xf32, #tpu.memory_space<hbm>> -> memref<32x768xf32, #tpu.memory_space<hbm>>
    %dma_start3A_71 = arith.constant 0 : i32
    %dma_start3A_72 = tpu.memref_slice %arg4[%add3A_68, %dma_start3A_71] : memref<32768x768xf32, #tpu.memory_space<hbm>> -> memref<32x768xf32, #tpu.memory_space<hbm>>
    tpu.enqueue_dma source(%arg7 : memref<32x768xf32, #tpu.memory_space<vmem>>) target(%dma_start3A_72 : memref<32x768xf32, #tpu.memory_space<hbm>>) target_semaphore(%arg17 : memref<!tpu.dma_semaphore, #tpu.memory_space<semaphore_mem>>)
    %dma_start3A_73 = arith.constant 128 : i32
    %dma_start3A_74 = tpu.memref_slice %arg5[%dma_start3A_73] : memref<1024xi32, #tpu.memory_space<vmem>> -> memref<32xi32, #tpu.memory_space<vmem>>
    %dma_start3A_75 = arith.constant 0 : i32
    %dma_start3A_76 = arith.constant 0 : i32
    %dma_start3A_77 = tpu.memref_slice %arg3[%dma_start3A_75, %dma_start3A_76] : memref<100000x768xf32, #tpu.memory_space<hbm>> -> memref<100000x768xf32, #tpu.memory_space<hbm>>
    tpu.enqueue_indirect_dma source(%dma_start3A_77 : memref<100000x768xf32, #tpu.memory_space<hbm>>) target(%arg10 : memref<32x768xf32, #tpu.memory_space<vmem>>) offsets(%dma_start3A_74 : memref<32xi32, #tpu.memory_space<vmem>>) semaphore(%arg15 : memref<!tpu.dma_semaphore, #tpu.memory_space<semaphore_mem>>)
    %dma_wait3A_78 = arith.constant 64 : i32
    %dma_wait3A_79 = tpu.memref_slice %arg5[%dma_wait3A_78] : memref<1024xi32, #tpu.memory_space<vmem>> -> memref<32xi32, #tpu.memory_space<vmem>>
    %dma_wait3A_80 = arith.constant 0 : i32
    %dma_wait3A_81 = arith.constant 0 : i32
    %dma_wait3A_82 = tpu.memref_slice %arg3[%dma_wait3A_80, %dma_wait3A_81] : memref<100000x768xf32, #tpu.memory_space<hbm>> -> memref<100000x768xf32, #tpu.memory_space<hbm>>
    tpu.wait_indirect_dma semaphore(%arg13 : memref<!tpu.dma_semaphore, #tpu.memory_space<semaphore_mem>>) src(%dma_wait3A_82 : memref<100000x768xf32, #tpu.memory_space<hbm>>) dst(%arg8 : memref<32x768xf32, #tpu.memory_space<vmem>>)
    %add3A_83 = arith.constant 64 : i32
    %add3A_84 = arith.addi %mul3A_2, %add3A_83 : i32
    %dma_start3A_85 = arith.constant 0 : i32
    %dma_start3A_86 = tpu.memref_slice %arg4[%add3A_84, %dma_start3A_85] : memref<32768x768xf32, #tpu.memory_space<hbm>> -> memref<32x768xf32, #tpu.memory_space<hbm>>
    %dma_start3A_87 = arith.constant 0 : i32
    %dma_start3A_88 = tpu.memref_slice %arg4[%add3A_84, %dma_start3A_87] : memref<32768x768xf32, #tpu.memory_space<hbm>> -> memref<32x768xf32, #tpu.memory_space<hbm>>
    tpu.enqueue_dma source(%arg8 : memref<32x768xf32, #tpu.memory_space<vmem>>) target(%dma_start3A_88 : memref<32x768xf32, #tpu.memory_space<hbm>>) target_semaphore(%arg18 : memref<!tpu.dma_semaphore, #tpu.memory_space<semaphore_mem>>)
    %dma_wait3A_89 = arith.constant 0 : i32
    %dma_wait3A_90 = tpu.memref_slice %arg4[%add3A_52, %dma_wait3A_89] : memref<32768x768xf32, #tpu.memory_space<hbm>> -> memref<32x768xf32, #tpu.memory_space<hbm>>
    %dma_wait3A_91 = arith.constant 0 : i32
    %dma_wait3A_92 = tpu.memref_slice %arg4[%add3A_52, %dma_wait3A_91] : memref<32768x768xf32, #tpu.memory_space<hbm>> -> memref<32x768xf32, #tpu.memory_space<hbm>>
    tpu.wait_dma2 semaphore(%arg16 : memref<!tpu.dma_semaphore, #tpu.memory_space<semaphore_mem>>) src(%arg6 : memref<32x768xf32, #tpu.memory_space<vmem>>) dst(%dma_wait3A_92 : memref<32x768xf32, #tpu.memory_space<hbm>>)
    %dma_start3A_93 = arith.constant 160 : i32
    %dma_start3A_94 = tpu.memref_slice %arg5[%dma_start3A_93] : memref<1024xi32, #tpu.memory_space<vmem>> -> memref<32xi32, #tpu.memory_space<vmem>>
    %dma_start3A_95 = arith.constant 0 : i32
    %dma_start3A_96 = arith.constant 0 : i32
    %dma_start3A_97 = tpu.memref_slice %arg3[%dma_start3A_95, %dma_start3A_96] : memref<100000x768xf32, #tpu.memory_space<hbm>> -> memref<100000x768xf32, #tpu.memory_space<hbm>>
    tpu.enqueue_indirect_dma source(%dma_start3A_97 : memref<100000x768xf32, #tpu.memory_space<hbm>>) target(%arg6 : memref<32x768xf32, #tpu.memory_space<vmem>>) offsets(%dma_start3A_94 : memref<32xi32, #tpu.memory_space<vmem>>) semaphore(%arg11 : memref<!tpu.dma_semaphore, #tpu.memory_space<semaphore_mem>>)
    %dma_wait3A_98 = arith.constant 96 : i32
    %dma_wait3A_99 = tpu.memref_slice %arg5[%dma_wait3A_98] : memref<1024xi32, #tpu.memory_space<vmem>> -> memref<32xi32, #tpu.memory_space<vmem>>
    %dma_wait3A_100 = arith.constant 0 : i32
    %dma_wait3A_101 = arith.constant 0 : i32
    %dma_wait3A_102 = tpu.memref_slice %arg3[%dma_wait3A_100, %dma_wait3A_101] : memref<100000x768xf32, #tpu.memory_space<hbm>> -> memref<100000x768xf32, #tpu.memory_space<hbm>>
    tpu.wait_indirect_dma semaphore(%arg14 : memref<!tpu.dma_semaphore, #tpu.memory_space<semaphore_mem>>) src(%dma_wait3A_102 : memref<100000x768xf32, #tpu.memory_space<hbm>>) dst(%arg9 : memref<32x768xf32, #tpu.memory_space<vmem>>)
    %add3A_103 = arith.constant 96 : i32
    %add3A_104 = arith.addi %mul3A_2, %add3A_103 : i32
    %dma_start3A_105 = arith.constant 0 : i32
    %dma_start3A_106 = tpu.memref_slice %arg4[%add3A_104, %dma_start3A_105] : memref<32768x768xf32, #tpu.memory_space<hbm>> -> memref<32x768xf32, #tpu.memory_space<hbm>>
    %dma_start3A_107 = arith.constant 0 : i32
    %dma_start3A_108 = tpu.memref_slice %arg4[%add3A_104, %dma_start3A_107] : memref<32768x768xf32, #tpu.memory_space<hbm>> -> memref<32x768xf32, #tpu.memory_space<hbm>>
    tpu.enqueue_dma source(%arg9 : memref<32x768xf32, #tpu.memory_space<vmem>>) target(%dma_start3A_108 : memref<32x768xf32, #tpu.memory_space<hbm>>) target_semaphore(%arg19 : memref<!tpu.dma_semaphore, #tpu.memory_space<semaphore_mem>>)
    %dma_wait3A_109 = arith.constant 0 : i32
    %dma_wait3A_110 = tpu.memref_slice %arg4[%add3A_68, %dma_wait3A_109] : memref<32768x768xf32, #tpu.memory_space<hbm>> -> memref<32x768xf32, #tpu.memory_space<hbm>>
    %dma_wait3A_111 = arith.constant 0 : i32
    %dma_wait3A_112 = tpu.memref_slice %arg4[%add3A_68, %dma_wait3A_111] : memref<32768x768xf32, #tpu.memory_space<hbm>> -> memref<32x768xf32, #tpu.memory_space<hbm>>
    tpu.wait_dma2 semaphore(%arg17 : memref<!tpu.dma_semaphore, #tpu.memory_space<semaphore_mem>>) src(%arg7 : memref<32x768xf32, #tpu.memory_space<vmem>>) dst(%dma_wait3A_112 : memref<32x768xf32, #tpu.memory_space<hbm>>)
    %dma_start3A_113 = arith.constant 192 : i32
    %dma_start3A_114 = tpu.memref_slice %arg5[%dma_start3A_113] : memref<1024xi32, #tpu.memory_space<vmem>> -> memref<32xi32, #tpu.memory_space<vmem>>
    %dma_start3A_115 = arith.constant 0 : i32
    %dma_start3A_116 = arith.constant 0 : i32
    %dma_start3A_117 = tpu.memref_slice %arg3[%dma_start3A_115, %dma_start3A_116] : memref<100000x768xf32, #tpu.memory_space<hbm>> -> memref<100000x768xf32, #tpu.memory_space<hbm>>
    tpu.enqueue_indirect_dma source(%dma_start3A_117 : memref<100000x768xf32, #tpu.memory_space<hbm>>) target(%arg7 : memref<32x768xf32, #tpu.memory_space<vmem>>) offsets(%dma_start3A_114 : memref<32xi32, #tpu.memory_space<vmem>>) semaphore(%arg12 : memref<!tpu.dma_semaphore, #tpu.memory_space<semaphore_mem>>)
    %dma_wait3A_118 = arith.constant 128 : i32
    %dma_wait3A_119 = tpu.memref_slice %arg5[%dma_wait3A_118] : memref<1024xi32, #tpu.memory_space<vmem>> -> memref<32xi32, #tpu.memory_space<vmem>>
    %dma_wait3A_120 = arith.constant 0 : i32
    %dma_wait3A_121 = arith.constant 0 : i32
    %dma_wait3A_122 = tpu.memref_slice %arg3[%dma_wait3A_120, %dma_wait3A_121] : memref<100000x768xf32, #tpu.memory_space<hbm>> -> memref<100000x768xf32, #tpu.memory_space<hbm>>
    tpu.wait_indirect_dma semaphore(%arg15 : memref<!tpu.dma_semaphore, #tpu.memory_space<semaphore_mem>>) src(%dma_wait3A_122 : memref<100000x768xf32, #tpu.memory_space<hbm>>) dst(%arg10 : memref<32x768xf32, #tpu.memory_space<vmem>>)
    %add3A_123 = arith.constant 128 : i32
    %add3A_124 = arith.addi %mul3A_2, %add3A_123 : i32
    %dma_start3A_125 = arith.constant 0 : i32
    %dma_start3A_126 = tpu.memref_slice %arg4[%add3A_124, %dma_start3A_125] : memref<32768x768xf32, #tpu.memory_space<hbm>> -> memref<32x768xf32, #tpu.memory_space<hbm>>
    %dma_start3A_127 = arith.constant 0 : i32
    %dma_start3A_128 = tpu.memref_slice %arg4[%add3A_124, %dma_start3A_127] : memref<32768x768xf32, #tpu.memory_space<hbm>> -> memref<32x768xf32, #tpu.memory_space<hbm>>
    tpu.enqueue_dma source(%arg10 : memref<32x768xf32, #tpu.memory_space<vmem>>) target(%dma_start3A_128 : memref<32x768xf32, #tpu.memory_space<hbm>>) target_semaphore(%arg20 : memref<!tpu.dma_semaphore, #tpu.memory_space<semaphore_mem>>)
    %dma_wait3A_129 = arith.constant 0 : i32
    %dma_wait3A_130 = tpu.memref_slice %arg4[%add3A_84, %dma_wait3A_129] : memref<32768x768xf32, #tpu.memory_space<hbm>> -> memref<32x768xf32, #tpu.memory_space<hbm>>
    %dma_wait3A_131 = arith.constant 0 : i32
    %dma_wait3A_132 = tpu.memref_slice %arg4[%add3A_84, %dma_wait3A_131] : memref<32768x768xf32, #tpu.memory_space<hbm>> -> memref<32x768xf32, #tpu.memory_space<hbm>>
    tpu.wait_dma2 semaphore(%arg18 : memref<!tpu.dma_semaphore, #tpu.memory_space<semaphore_mem>>) src(%arg8 : memref<32x768xf32, #tpu.memory_space<vmem>>) dst(%dma_wait3A_132 : memref<32x768xf32, #tpu.memory_space<hbm>>)
    %dma_start3A_133 = arith.constant 224 : i32
    %dma_start3A_134 = tpu.memref_slice %arg5[%dma_start3A_133] : memref<1024xi32, #tpu.memory_space<vmem>> -> memref<32xi32, #tpu.memory_space<vmem>>
    %dma_start3A_135 = arith.constant 0 : i32
    %dma_start3A_136 = arith.constant 0 : i32
    %dma_start3A_137 = tpu.memref_slice %arg3[%dma_start3A_135, %dma_start3A_136] : memref<100000x768xf32, #tpu.memory_space<hbm>> -> memref<100000x768xf32, #tpu.memory_space<hbm>>
    tpu.enqueue_indirect_dma source(%dma_start3A_137 : memref<100000x768xf32, #tpu.memory_space<hbm>>) target(%arg8 : memref<32x768xf32, #tpu.memory_space<vmem>>) offsets(%dma_start3A_134 : memref<32xi32, #tpu.memory_space<vmem>>) semaphore(%arg13 : memref<!tpu.dma_semaphore, #tpu.memory_space<semaphore_mem>>)
    %dma_wait3A_138 = arith.constant 160 : i32
    %dma_wait3A_139 = tpu.memref_slice %arg5[%dma_wait3A_138] : memref<1024xi32, #tpu.memory_space<vmem>> -> memref<32xi32, #tpu.memory_space<vmem>>
    %dma_wait3A_140 = arith.constant 0 : i32
    %dma_wait3A_141 = arith.constant 0 : i32
    %dma_wait3A_142 = tpu.memref_slice %arg3[%dma_wait3A_140, %dma_wait3A_141] : memref<100000x768xf32, #tpu.memory_space<hbm>> -> memref<100000x768xf32, #tpu.memory_space<hbm>>
    tpu.wait_indirect_dma semaphore(%arg11 : memref<!tpu.dma_semaphore, #tpu.memory_space<semaphore_mem>>) src(%dma_wait3A_142 : memref<100000x768xf32, #tpu.memory_space<hbm>>) dst(%arg6 : memref<32x768xf32, #tpu.memory_space<vmem>>)
    %add3A_143 = arith.constant 160 : i32
    %add3A_144 = arith.addi %mul3A_2, %add3A_143 : i32
    %dma_start3A_145 = arith.constant 0 : i32
    %dma_start3A_146 = tpu.memref_slice %arg4[%add3A_144, %dma_start3A_145] : memref<32768x768xf32, #tpu.memory_space<hbm>> -> memref<32x768xf32, #tpu.memory_space<hbm>>
    %dma_start3A_147 = arith.constant 0 : i32
    %dma_start3A_148 = tpu.memref_slice %arg4[%add3A_144, %dma_start3A_147] : memref<32768x768xf32, #tpu.memory_space<hbm>> -> memref<32x768xf32, #tpu.memory_space<hbm>>
    tpu.enqueue_dma source(%arg6 : memref<32x768xf32, #tpu.memory_space<vmem>>) target(%dma_start3A_148 : memref<32x768xf32, #tpu.memory_space<hbm>>) target_semaphore(%arg16 : memref<!tpu.dma_semaphore, #tpu.memory_space<semaphore_mem>>)
    %dma_wait3A_149 = arith.constant 0 : i32
    %dma_wait3A_150 = tpu.memref_slice %arg4[%add3A_104, %dma_wait3A_149] : memref<32768x768xf32, #tpu.memory_space<hbm>> -> memref<32x768xf32, #tpu.memory_space<hbm>>
    %dma_wait3A_151 = arith.constant 0 : i32
    %dma_wait3A_152 = tpu.memref_slice %arg4[%add3A_104, %dma_wait3A_151] : memref<32768x768xf32, #tpu.memory_space<hbm>> -> memref<32x768xf32, #tpu.memory_space<hbm>>
    tpu.wait_dma2 semaphore(%arg19 : memref<!tpu.dma_semaphore, #tpu.memory_space<semaphore_mem>>) src(%arg9 : memref<32x768xf32, #tpu.memory_space<vmem>>) dst(%dma_wait3A_152 : memref<32x768xf32, #tpu.memory_space<hbm>>)
    %dma_start3A_153 = arith.constant 256 : i32
    %dma_start3A_154 = tpu.memref_slice %arg5[%dma_start3A_153] : memref<1024xi32, #tpu.memory_space<vmem>> -> memref<32xi32, #tpu.memory_space<vmem>>
    %dma_start3A_155 = arith.constant 0 : i32
    %dma_start3A_156 = arith.constant 0 : i32
    %dma_start3A_157 = tpu.memref_slice %arg3[%dma_start3A_155, %dma_start3A_156] : memref<100000x768xf32, #tpu.memory_space<hbm>> -> memref<100000x768xf32, #tpu.memory_space<hbm>>
    tpu.enqueue_indirect_dma source(%dma_start3A_157 : memref<100000x768xf32, #tpu.memory_space<hbm>>) target(%arg9 : memref<32x768xf32, #tpu.memory_space<vmem>>) offsets(%dma_start3A_154 : memref<32xi32, #tpu.memory_space<vmem>>) semaphore(%arg14 : memref<!tpu.dma_semaphore, #tpu.memory_space<semaphore_mem>>)
    %dma_wait3A_158 = arith.constant 192 : i32
    %dma_wait3A_159 = tpu.memref_slice %arg5[%dma_wait3A_158] : memref<1024xi32, #tpu.memory_space<vmem>> -> memref<32xi32, #tpu.memory_space<vmem>>
    %dma_wait3A_160 = arith.constant 0 : i32
    %dma_wait3A_161 = arith.constant 0 : i32
    %dma_wait3A_162 = tpu.memref_slice %arg3[%dma_wait3A_160, %dma_wait3A_161] : memref<100000x768xf32, #tpu.memory_space<hbm>> -> memref<100000x768xf32, #tpu.memory_space<hbm>>
    tpu.wait_indirect_dma semaphore(%arg12 : memref<!tpu.dma_semaphore, #tpu.memory_space<semaphore_mem>>) src(%dma_wait3A_162 : memref<100000x768xf32, #tpu.memory_space<hbm>>) dst(%arg7 : memref<32x768xf32, #tpu.memory_space<vmem>>)
    %add3A_163 = arith.constant 192 : i32
    %add3A_164 = arith.addi %mul3A_2, %add3A_163 : i32
    %dma_start3A_165 = arith.constant 0 : i32
    %dma_start3A_166 = tpu.memref_slice %arg4[%add3A_164, %dma_start3A_165] : memref<32768x768xf32, #tpu.memory_space<hbm>> -> memref<32x768xf32, #tpu.memory_space<hbm>>
    %dma_start3A_167 = arith.constant 0 : i32
    %dma_start3A_168 = tpu.memref_slice %arg4[%add3A_164, %dma_start3A_167] : memref<32768x768xf32, #tpu.memory_space<hbm>> -> memref<32x768xf32, #tpu.memory_space<hbm>>
    tpu.enqueue_dma source(%arg7 : memref<32x768xf32, #tpu.memory_space<vmem>>) target(%dma_start3A_168 : memref<32x768xf32, #tpu.memory_space<hbm>>) target_semaphore(%arg17 : memref<!tpu.dma_semaphore, #tpu.memory_space<semaphore_mem>>)
    %dma_wait3A_169 = arith.constant 0 : i32
    %dma_wait3A_170 = tpu.memref_slice %arg4[%add3A_124, %dma_wait3A_169] : memref<32768x768xf32, #tpu.memory_space<hbm>> -> memref<32x768xf32, #tpu.memory_space<hbm>>
    %dma_wait3A_171 = arith.constant 0 : i32
    %dma_wait3A_172 = tpu.memref_slice %arg4[%add3A_124, %dma_wait3A_171] : memref<32768x768xf32, #tpu.memory_space<hbm>> -> memref<32x768xf32, #tpu.memory_space<hbm>>
    tpu.wait_dma2 semaphore(%arg20 : memref<!tpu.dma_semaphore, #tpu.memory_space<semaphore_mem>>) src(%arg10 : memref<32x768xf32, #tpu.memory_space<vmem>>) dst(%dma_wait3A_172 : memref<32x768xf32, #tpu.memory_space<hbm>>)
    %dma_start3A_173 = arith.constant 288 : i32
    %dma_start3A_174 = tpu.memref_slice %arg5[%dma_start3A_173] : memref<1024xi32, #tpu.memory_space<vmem>> -> memref<32xi32, #tpu.memory_space<vmem>>
    %dma_start3A_175 = arith.constant 0 : i32
    %dma_start3A_176 = arith.constant 0 : i32
    %dma_start3A_177 = tpu.memref_slice %arg3[%dma_start3A_175, %dma_start3A_176] : memref<100000x768xf32, #tpu.memory_space<hbm>> -> memref<100000x768xf32, #tpu.memory_space<hbm>>
    tpu.enqueue_indirect_dma source(%dma_start3A_177 : memref<100000x768xf32, #tpu.memory_space<hbm>>) target(%arg10 : memref<32x768xf32, #tpu.memory_space<vmem>>) offsets(%dma_start3A_174 : memref<32xi32, #tpu.memory_space<vmem>>) semaphore(%arg15 : memref<!tpu.dma_semaphore, #tpu.memory_space<semaphore_mem>>)
    %dma_wait3A_178 = arith.constant 224 : i32
    %dma_wait3A_179 = tpu.memref_slice %arg5[%dma_wait3A_178] : memref<1024xi32, #tpu.memory_space<vmem>> -> memref<32xi32, #tpu.memory_space<vmem>>
    %dma_wait3A_180 = arith.constant 0 : i32
    %dma_wait3A_181 = arith.constant 0 : i32
    %dma_wait3A_182 = tpu.memref_slice %arg3[%dma_wait3A_180, %dma_wait3A_181] : memref<100000x768xf32, #tpu.memory_space<hbm>> -> memref<100000x768xf32, #tpu.memory_space<hbm>>
    tpu.wait_indirect_dma semaphore(%arg13 : memref<!tpu.dma_semaphore, #tpu.memory_space<semaphore_mem>>) src(%dma_wait3A_182 : memref<100000x768xf32, #tpu.memory_space<hbm>>) dst(%arg8 : memref<32x768xf32, #tpu.memory_space<vmem>>)
    %add3A_183 = arith.constant 224 : i32
    %add3A_184 = arith.addi %mul3A_2, %add3A_183 : i32
    %dma_start3A_185 = arith.constant 0 : i32
    %dma_start3A_186 = tpu.memref_slice %arg4[%add3A_184, %dma_start3A_185] : memref<32768x768xf32, #tpu.memory_space<hbm>> -> memref<32x768xf32, #tpu.memory_space<hbm>>
    %dma_start3A_187 = arith.constant 0 : i32
    %dma_start3A_188 = tpu.memref_slice %arg4[%add3A_184, %dma_start3A_187] : memref<32768x768xf32, #tpu.memory_space<hbm>> -> memref<32x768xf32, #tpu.memory_space<hbm>>
    tpu.enqueue_dma source(%arg8 : memref<32x768xf32, #tpu.memory_space<vmem>>) target(%dma_start3A_188 : memref<32x768xf32, #tpu.memory_space<hbm>>) target_semaphore(%arg18 : memref<!tpu.dma_semaphore, #tpu.memory_space<semaphore_mem>>)
    %dma_wait3A_189 = arith.constant 0 : i32
    %dma_wait3A_190 = tpu.memref_slice %arg4[%add3A_144, %dma_wait3A_189] : memref<32768x768xf32, #tpu.memory_space<hbm>> -> memref<32x768xf32, #tpu.memory_space<hbm>>
    %dma_wait3A_191 = arith.constant 0 : i32
    %dma_wait3A_192 = tpu.memref_slice %arg4[%add3A_144, %dma_wait3A_191] : memref<32768x768xf32, #tpu.memory_space<hbm>> -> memref<32x768xf32, #tpu.memory_space<hbm>>
    tpu.wait_dma2 semaphore(%arg16 : memref<!tpu.dma_semaphore, #tpu.memory_space<semaphore_mem>>) src(%arg6 : memref<32x768xf32, #tpu.memory_space<vmem>>) dst(%dma_wait3A_192 : memref<32x768xf32, #tpu.memory_space<hbm>>)
    %dma_start3A_193 = arith.constant 320 : i32
    %dma_start3A_194 = tpu.memref_slice %arg5[%dma_start3A_193] : memref<1024xi32, #tpu.memory_space<vmem>> -> memref<32xi32, #tpu.memory_space<vmem>>
    %dma_start3A_195 = arith.constant 0 : i32
    %dma_start3A_196 = arith.constant 0 : i32
    %dma_start3A_197 = tpu.memref_slice %arg3[%dma_start3A_195, %dma_start3A_196] : memref<100000x768xf32, #tpu.memory_space<hbm>> -> memref<100000x768xf32, #tpu.memory_space<hbm>>
    tpu.enqueue_indirect_dma source(%dma_start3A_197 : memref<100000x768xf32, #tpu.memory_space<hbm>>) target(%arg6 : memref<32x768xf32, #tpu.memory_space<vmem>>) offsets(%dma_start3A_194 : memref<32xi32, #tpu.memory_space<vmem>>) semaphore(%arg11 : memref<!tpu.dma_semaphore, #tpu.memory_space<semaphore_mem>>)
    %dma_wait3A_198 = arith.constant 256 : i32
    %dma_wait3A_199 = tpu.memref_slice %arg5[%dma_wait3A_198] : memref<1024xi32, #tpu.memory_space<vmem>> -> memref<32xi32, #tpu.memory_space<vmem>>
    %dma_wait3A_200 = arith.constant 0 : i32
    %dma_wait3A_201 = arith.constant 0 : i32
    %dma_wait3A_202 = tpu.memref_slice %arg3[%dma_wait3A_200, %dma_wait3A_201] : memref<100000x768xf32, #tpu.memory_space<hbm>> -> memref<100000x768xf32, #tpu.memory_space<hbm>>
    tpu.wait_indirect_dma semaphore(%arg14 : memref<!tpu.dma_semaphore, #tpu.memory_space<semaphore_mem>>) src(%dma_wait3A_202 : memref<100000x768xf32, #tpu.memory_space<hbm>>) dst(%arg9 : memref<32x768xf32, #tpu.memory_space<vmem>>)
    %add3A_203 = arith.constant 256 : i32
    %add3A_204 = arith.addi %mul3A_2, %add3A_203 : i32
    %dma_start3A_205 = arith.constant 0 : i32
    %dma_start3A_206 = tpu.memref_slice %arg4[%add3A_204, %dma_start3A_205] : memref<32768x768xf32, #tpu.memory_space<hbm>> -> memref<32x768xf32, #tpu.memory_space<hbm>>
    %dma_start3A_207 = arith.constant 0 : i32
    %dma_start3A_208 = tpu.memref_slice %arg4[%add3A_204, %dma_start3A_207] : memref<32768x768xf32, #tpu.memory_space<hbm>> -> memref<32x768xf32, #tpu.memory_space<hbm>>
    tpu.enqueue_dma source(%arg9 : memref<32x768xf32, #tpu.memory_space<vmem>>) target(%dma_start3A_208 : memref<32x768xf32, #tpu.memory_space<hbm>>) target_semaphore(%arg19 : memref<!tpu.dma_semaphore, #tpu.memory_space<semaphore_mem>>)
    %dma_wait3A_209 = arith.constant 0 : i32
    %dma_wait3A_210 = tpu.memref_slice %arg4[%add3A_164, %dma_wait3A_209] : memref<32768x768xf32, #tpu.memory_space<hbm>> -> memref<32x768xf32, #tpu.memory_space<hbm>>
    %dma_wait3A_211 = arith.constant 0 : i32
    %dma_wait3A_212 = tpu.memref_slice %arg4[%add3A_164, %dma_wait3A_211] : memref<32768x768xf32, #tpu.memory_space<hbm>> -> memref<32x768xf32, #tpu.memory_space<hbm>>
    tpu.wait_dma2 semaphore(%arg17 : memref<!tpu.dma_semaphore, #tpu.memory_space<semaphore_mem>>) src(%arg7 : memref<32x768xf32, #tpu.memory_space<vmem>>) dst(%dma_wait3A_212 : memref<32x768xf32, #tpu.memory_space<hbm>>)
    %dma_start3A_213 = arith.constant 352 : i32
    %dma_start3A_214 = tpu.memref_slice %arg5[%dma_start3A_213] : memref<1024xi32, #tpu.memory_space<vmem>> -> memref<32xi32, #tpu.memory_space<vmem>>
    %dma_start3A_215 = arith.constant 0 : i32
    %dma_start3A_216 = arith.constant 0 : i32
    %dma_start3A_217 = tpu.memref_slice %arg3[%dma_start3A_215, %dma_start3A_216] : memref<100000x768xf32, #tpu.memory_space<hbm>> -> memref<100000x768xf32, #tpu.memory_space<hbm>>
    tpu.enqueue_indirect_dma source(%dma_start3A_217 : memref<100000x768xf32, #tpu.memory_space<hbm>>) target(%arg7 : memref<32x768xf32, #tpu.memory_space<vmem>>) offsets(%dma_start3A_214 : memref<32xi32, #tpu.memory_space<vmem>>) semaphore(%arg12 : memref<!tpu.dma_semaphore, #tpu.memory_space<semaphore_mem>>)
    %dma_wait3A_218 = arith.constant 288 : i32
    %dma_wait3A_219 = tpu.memref_slice %arg5[%dma_wait3A_218] : memref<1024xi32, #tpu.memory_space<vmem>> -> memref<32xi32, #tpu.memory_space<vmem>>
    %dma_wait3A_220 = arith.constant 0 : i32
    %dma_wait3A_221 = arith.constant 0 : i32
    %dma_wait3A_222 = tpu.memref_slice %arg3[%dma_wait3A_220, %dma_wait3A_221] : memref<100000x768xf32, #tpu.memory_space<hbm>> -> memref<100000x768xf32, #tpu.memory_space<hbm>>
    tpu.wait_indirect_dma semaphore(%arg15 : memref<!tpu.dma_semaphore, #tpu.memory_space<semaphore_mem>>) src(%dma_wait3A_222 : memref<100000x768xf32, #tpu.memory_space<hbm>>) dst(%arg10 : memref<32x768xf32, #tpu.memory_space<vmem>>)
    %add3A_223 = arith.constant 288 : i32
    %add3A_224 = arith.addi %mul3A_2, %add3A_223 : i32
    %dma_start3A_225 = arith.constant 0 : i32
    %dma_start3A_226 = tpu.memref_slice %arg4[%add3A_224, %dma_start3A_225] : memref<32768x768xf32, #tpu.memory_space<hbm>> -> memref<32x768xf32, #tpu.memory_space<hbm>>
    %dma_start3A_227 = arith.constant 0 : i32
    %dma_start3A_228 = tpu.memref_slice %arg4[%add3A_224, %dma_start3A_227] : memref<32768x768xf32, #tpu.memory_space<hbm>> -> memref<32x768xf32, #tpu.memory_space<hbm>>
    tpu.enqueue_dma source(%arg10 : memref<32x768xf32, #tpu.memory_space<vmem>>) target(%dma_start3A_228 : memref<32x768xf32, #tpu.memory_space<hbm>>) target_semaphore(%arg20 : memref<!tpu.dma_semaphore, #tpu.memory_space<semaphore_mem>>)
    %dma_wait3A_229 = arith.constant 0 : i32
    %dma_wait3A_230 = tpu.memref_slice %arg4[%add3A_184, %dma_wait3A_229] : memref<32768x768xf32, #tpu.memory_space<hbm>> -> memref<32x768xf32, #tpu.memory_space<hbm>>
    %dma_wait3A_231 = arith.constant 0 : i32
    %dma_wait3A_232 = tpu.memref_slice %arg4[%add3A_184, %dma_wait3A_231] : memref<32768x768xf32, #tpu.memory_space<hbm>> -> memref<32x768xf32, #tpu.memory_space<hbm>>
    tpu.wait_dma2 semaphore(%arg18 : memref<!tpu.dma_semaphore, #tpu.memory_space<semaphore_mem>>) src(%arg8 : memref<32x768xf32, #tpu.memory_space<vmem>>) dst(%dma_wait3A_232 : memref<32x768xf32, #tpu.memory_space<hbm>>)
    %dma_start3A_233 = arith.constant 384 : i32
    %dma_start3A_234 = tpu.memref_slice %arg5[%dma_start3A_233] : memref<1024xi32, #tpu.memory_space<vmem>> -> memref<32xi32, #tpu.memory_space<vmem>>
    %dma_start3A_235 = arith.constant 0 : i32
    %dma_start3A_236 = arith.constant 0 : i32
    %dma_start3A_237 = tpu.memref_slice %arg3[%dma_start3A_235, %dma_start3A_236] : memref<100000x768xf32, #tpu.memory_space<hbm>> -> memref<100000x768xf32, #tpu.memory_space<hbm>>
    tpu.enqueue_indirect_dma source(%dma_start3A_237 : memref<100000x768xf32, #tpu.memory_space<hbm>>) target(%arg8 : memref<32x768xf32, #tpu.memory_space<vmem>>) offsets(%dma_start3A_234 : memref<32xi32, #tpu.memory_space<vmem>>) semaphore(%arg13 : memref<!tpu.dma_semaphore, #tpu.memory_space<semaphore_mem>>)
    %dma_wait3A_238 = arith.constant 320 : i32
    %dma_wait3A_239 = tpu.memref_slice %arg5[%dma_wait3A_238] : memref<1024xi32, #tpu.memory_space<vmem>> -> memref<32xi32, #tpu.memory_space<vmem>>
    %dma_wait3A_240 = arith.constant 0 : i32
    %dma_wait3A_241 = arith.constant 0 : i32
    %dma_wait3A_242 = tpu.memref_slice %arg3[%dma_wait3A_240, %dma_wait3A_241] : memref<100000x768xf32, #tpu.memory_space<hbm>> -> memref<100000x768xf32, #tpu.memory_space<hbm>>
    tpu.wait_indirect_dma semaphore(%arg11 : memref<!tpu.dma_semaphore, #tpu.memory_space<semaphore_mem>>) src(%dma_wait3A_242 : memref<100000x768xf32, #tpu.memory_space<hbm>>) dst(%arg6 : memref<32x768xf32, #tpu.memory_space<vmem>>)
    %add3A_243 = arith.constant 320 : i32
    %add3A_244 = arith.addi %mul3A_2, %add3A_243 : i32
    %dma_start3A_245 = arith.constant 0 : i32
    %dma_start3A_246 = tpu.memref_slice %arg4[%add3A_244, %dma_start3A_245] : memref<32768x768xf32, #tpu.memory_space<hbm>> -> memref<32x768xf32, #tpu.memory_space<hbm>>
    %dma_start3A_247 = arith.constant 0 : i32
    %dma_start3A_248 = tpu.memref_slice %arg4[%add3A_244, %dma_start3A_247] : memref<32768x768xf32, #tpu.memory_space<hbm>> -> memref<32x768xf32, #tpu.memory_space<hbm>>
    tpu.enqueue_dma source(%arg6 : memref<32x768xf32, #tpu.memory_space<vmem>>) target(%dma_start3A_248 : memref<32x768xf32, #tpu.memory_space<hbm>>) target_semaphore(%arg16 : memref<!tpu.dma_semaphore, #tpu.memory_space<semaphore_mem>>)
    %dma_wait3A_249 = arith.constant 0 : i32
    %dma_wait3A_250 = tpu.memref_slice %arg4[%add3A_204, %dma_wait3A_249] : memref<32768x768xf32, #tpu.memory_space<hbm>> -> memref<32x768xf32, #tpu.memory_space<hbm>>
    %dma_wait3A_251 = arith.constant 0 : i32
    %dma_wait3A_252 = tpu.memref_slice %arg4[%add3A_204, %dma_wait3A_251] : memref<32768x768xf32, #tpu.memory_space<hbm>> -> memref<32x768xf32, #tpu.memory_space<hbm>>
    tpu.wait_dma2 semaphore(%arg19 : memref<!tpu.dma_semaphore, #tpu.memory_space<semaphore_mem>>) src(%arg9 : memref<32x768xf32, #tpu.memory_space<vmem>>) dst(%dma_wait3A_252 : memref<32x768xf32, #tpu.memory_space<hbm>>)
    %dma_start3A_253 = arith.constant 416 : i32
    %dma_start3A_254 = tpu.memref_slice %arg5[%dma_start3A_253] : memref<1024xi32, #tpu.memory_space<vmem>> -> memref<32xi32, #tpu.memory_space<vmem>>
    %dma_start3A_255 = arith.constant 0 : i32
    %dma_start3A_256 = arith.constant 0 : i32
    %dma_start3A_257 = tpu.memref_slice %arg3[%dma_start3A_255, %dma_start3A_256] : memref<100000x768xf32, #tpu.memory_space<hbm>> -> memref<100000x768xf32, #tpu.memory_space<hbm>>
    tpu.enqueue_indirect_dma source(%dma_start3A_257 : memref<100000x768xf32, #tpu.memory_space<hbm>>) target(%arg9 : memref<32x768xf32, #tpu.memory_space<vmem>>) offsets(%dma_start3A_254 : memref<32xi32, #tpu.memory_space<vmem>>) semaphore(%arg14 : memref<!tpu.dma_semaphore, #tpu.memory_space<semaphore_mem>>)
    %dma_wait3A_258 = arith.constant 352 : i32
    %dma_wait3A_259 = tpu.memref_slice %arg5[%dma_wait3A_258] : memref<1024xi32, #tpu.memory_space<vmem>> -> memref<32xi32, #tpu.memory_space<vmem>>
    %dma_wait3A_260 = arith.constant 0 : i32
    %dma_wait3A_261 = arith.constant 0 : i32
    %dma_wait3A_262 = tpu.memref_slice %arg3[%dma_wait3A_260, %dma_wait3A_261] : memref<100000x768xf32, #tpu.memory_space<hbm>> -> memref<100000x768xf32, #tpu.memory_space<hbm>>
    tpu.wait_indirect_dma semaphore(%arg12 : memref<!tpu.dma_semaphore, #tpu.memory_space<semaphore_mem>>) src(%dma_wait3A_262 : memref<100000x768xf32, #tpu.memory_space<hbm>>) dst(%arg7 : memref<32x768xf32, #tpu.memory_space<vmem>>)
    %add3A_263 = arith.constant 352 : i32
    %add3A_264 = arith.addi %mul3A_2, %add3A_263 : i32
    %dma_start3A_265 = arith.constant 0 : i32
    %dma_start3A_266 = tpu.memref_slice %arg4[%add3A_264, %dma_start3A_265] : memref<32768x768xf32, #tpu.memory_space<hbm>> -> memref<32x768xf32, #tpu.memory_space<hbm>>
    %dma_start3A_267 = arith.constant 0 : i32
    %dma_start3A_268 = tpu.memref_slice %arg4[%add3A_264, %dma_start3A_267] : memref<32768x768xf32, #tpu.memory_space<hbm>> -> memref<32x768xf32, #tpu.memory_space<hbm>>
    tpu.enqueue_dma source(%arg7 : memref<32x768xf32, #tpu.memory_space<vmem>>) target(%dma_start3A_268 : memref<32x768xf32, #tpu.memory_space<hbm>>) target_semaphore(%arg17 : memref<!tpu.dma_semaphore, #tpu.memory_space<semaphore_mem>>)
    %dma_wait3A_269 = arith.constant 0 : i32
    %dma_wait3A_270 = tpu.memref_slice %arg4[%add3A_224, %dma_wait3A_269] : memref<32768x768xf32, #tpu.memory_space<hbm>> -> memref<32x768xf32, #tpu.memory_space<hbm>>
    %dma_wait3A_271 = arith.constant 0 : i32
    %dma_wait3A_272 = tpu.memref_slice %arg4[%add3A_224, %dma_wait3A_271] : memref<32768x768xf32, #tpu.memory_space<hbm>> -> memref<32x768xf32, #tpu.memory_space<hbm>>
    tpu.wait_dma2 semaphore(%arg20 : memref<!tpu.dma_semaphore, #tpu.memory_space<semaphore_mem>>) src(%arg10 : memref<32x768xf32, #tpu.memory_space<vmem>>) dst(%dma_wait3A_272 : memref<32x768xf32, #tpu.memory_space<hbm>>)
    %dma_start3A_273 = arith.constant 448 : i32
    %dma_start3A_274 = tpu.memref_slice %arg5[%dma_start3A_273] : memref<1024xi32, #tpu.memory_space<vmem>> -> memref<32xi32, #tpu.memory_space<vmem>>
    %dma_start3A_275 = arith.constant 0 : i32
    %dma_start3A_276 = arith.constant 0 : i32
    %dma_start3A_277 = tpu.memref_slice %arg3[%dma_start3A_275, %dma_start3A_276] : memref<100000x768xf32, #tpu.memory_space<hbm>> -> memref<100000x768xf32, #tpu.memory_space<hbm>>
    tpu.enqueue_indirect_dma source(%dma_start3A_277 : memref<100000x768xf32, #tpu.memory_space<hbm>>) target(%arg10 : memref<32x768xf32, #tpu.memory_space<vmem>>) offsets(%dma_start3A_274 : memref<32xi32, #tpu.memory_space<vmem>>) semaphore(%arg15 : memref<!tpu.dma_semaphore, #tpu.memory_space<semaphore_mem>>)
    %dma_wait3A_278 = arith.constant 384 : i32
    %dma_wait3A_279 = tpu.memref_slice %arg5[%dma_wait3A_278] : memref<1024xi32, #tpu.memory_space<vmem>> -> memref<32xi32, #tpu.memory_space<vmem>>
    %dma_wait3A_280 = arith.constant 0 : i32
    %dma_wait3A_281 = arith.constant 0 : i32
    %dma_wait3A_282 = tpu.memref_slice %arg3[%dma_wait3A_280, %dma_wait3A_281] : memref<100000x768xf32, #tpu.memory_space<hbm>> -> memref<100000x768xf32, #tpu.memory_space<hbm>>
    tpu.wait_indirect_dma semaphore(%arg13 : memref<!tpu.dma_semaphore, #tpu.memory_space<semaphore_mem>>) src(%dma_wait3A_282 : memref<100000x768xf32, #tpu.memory_space<hbm>>) dst(%arg8 : memref<32x768xf32, #tpu.memory_space<vmem>>)
    %add3A_283 = arith.constant 384 : i32
    %add3A_284 = arith.addi %mul3A_2, %add3A_283 : i32
    %dma_start3A_285 = arith.constant 0 : i32
    %dma_start3A_286 = tpu.memref_slice %arg4[%add3A_284, %dma_start3A_285] : memref<32768x768xf32, #tpu.memory_space<hbm>> -> memref<32x768xf32, #tpu.memory_space<hbm>>
    %dma_start3A_287 = arith.constant 0 : i32
    %dma_start3A_288 = tpu.memref_slice %arg4[%add3A_284, %dma_start3A_287] : memref<32768x768xf32, #tpu.memory_space<hbm>> -> memref<32x768xf32, #tpu.memory_space<hbm>>
    tpu.enqueue_dma source(%arg8 : memref<32x768xf32, #tpu.memory_space<vmem>>) target(%dma_start3A_288 : memref<32x768xf32, #tpu.memory_space<hbm>>) target_semaphore(%arg18 : memref<!tpu.dma_semaphore, #tpu.memory_space<semaphore_mem>>)
    %dma_wait3A_289 = arith.constant 0 : i32
    %dma_wait3A_290 = tpu.memref_slice %arg4[%add3A_244, %dma_wait3A_289] : memref<32768x768xf32, #tpu.memory_space<hbm>> -> memref<32x768xf32, #tpu.memory_space<hbm>>
    %dma_wait3A_291 = arith.constant 0 : i32
    %dma_wait3A_292 = tpu.memref_slice %arg4[%add3A_244, %dma_wait3A_291] : memref<32768x768xf32, #tpu.memory_space<hbm>> -> memref<32x768xf32, #tpu.memory_space<hbm>>
    tpu.wait_dma2 semaphore(%arg16 : memref<!tpu.dma_semaphore, #tpu.memory_space<semaphore_mem>>) src(%arg6 : memref<32x768xf32, #tpu.memory_space<vmem>>) dst(%dma_wait3A_292 : memref<32x768xf32, #tpu.memory_space<hbm>>)
    %dma_start3A_293 = arith.constant 480 : i32
    %dma_start3A_294 = tpu.memref_slice %arg5[%dma_start3A_293] : memref<1024xi32, #tpu.memory_space<vmem>> -> memref<32xi32, #tpu.memory_space<vmem>>
    %dma_start3A_295 = arith.constant 0 : i32
    %dma_start3A_296 = arith.constant 0 : i32
    %dma_start3A_297 = tpu.memref_slice %arg3[%dma_start3A_295, %dma_start3A_296] : memref<100000x768xf32, #tpu.memory_space<hbm>> -> memref<100000x768xf32, #tpu.memory_space<hbm>>
    tpu.enqueue_indirect_dma source(%dma_start3A_297 : memref<100000x768xf32, #tpu.memory_space<hbm>>) target(%arg6 : memref<32x768xf32, #tpu.memory_space<vmem>>) offsets(%dma_start3A_294 : memref<32xi32, #tpu.memory_space<vmem>>) semaphore(%arg11 : memref<!tpu.dma_semaphore, #tpu.memory_space<semaphore_mem>>)
    %dma_wait3A_298 = arith.constant 416 : i32
    %dma_wait3A_299 = tpu.memref_slice %arg5[%dma_wait3A_298] : memref<1024xi32, #tpu.memory_space<vmem>> -> memref<32xi32, #tpu.memory_space<vmem>>
    %dma_wait3A_300 = arith.constant 0 : i32
    %dma_wait3A_301 = arith.constant 0 : i32
    %dma_wait3A_302 = tpu.memref_slice %arg3[%dma_wait3A_300, %dma_wait3A_301] : memref<100000x768xf32, #tpu.memory_space<hbm>> -> memref<100000x768xf32, #tpu.memory_space<hbm>>
    tpu.wait_indirect_dma semaphore(%arg14 : memref<!tpu.dma_semaphore, #tpu.memory_space<semaphore_mem>>) src(%dma_wait3A_302 : memref<100000x768xf32, #tpu.memory_space<hbm>>) dst(%arg9 : memref<32x768xf32, #tpu.memory_space<vmem>>)
    %add3A_303 = arith.constant 416 : i32
    %add3A_304 = arith.addi %mul3A_2, %add3A_303 : i32
    %dma_start3A_305 = arith.constant 0 : i32
    %dma_start3A_306 = tpu.memref_slice %arg4[%add3A_304, %dma_start3A_305] : memref<32768x768xf32, #tpu.memory_space<hbm>> -> memref<32x768xf32, #tpu.memory_space<hbm>>
    %dma_start3A_307 = arith.constant 0 : i32
    %dma_start3A_308 = tpu.memref_slice %arg4[%add3A_304, %dma_start3A_307] : memref<32768x768xf32, #tpu.memory_space<hbm>> -> memref<32x768xf32, #tpu.memory_space<hbm>>
    tpu.enqueue_dma source(%arg9 : memref<32x768xf32, #tpu.memory_space<vmem>>) target(%dma_start3A_308 : memref<32x768xf32, #tpu.memory_space<hbm>>) target_semaphore(%arg19 : memref<!tpu.dma_semaphore, #tpu.memory_space<semaphore_mem>>)
    %dma_wait3A_309 = arith.constant 0 : i32
    %dma_wait3A_310 = tpu.memref_slice %arg4[%add3A_264, %dma_wait3A_309] : memref<32768x768xf32, #tpu.memory_space<hbm>> -> memref<32x768xf32, #tpu.memory_space<hbm>>
    %dma_wait3A_311 = arith.constant 0 : i32
    %dma_wait3A_312 = tpu.memref_slice %arg4[%add3A_264, %dma_wait3A_311] : memref<32768x768xf32, #tpu.memory_space<hbm>> -> memref<32x768xf32, #tpu.memory_space<hbm>>
    tpu.wait_dma2 semaphore(%arg17 : memref<!tpu.dma_semaphore, #tpu.memory_space<semaphore_mem>>) src(%arg7 : memref<32x768xf32, #tpu.memory_space<vmem>>) dst(%dma_wait3A_312 : memref<32x768xf32, #tpu.memory_space<hbm>>)
    %dma_start3A_313 = arith.constant 512 : i32
    %dma_start3A_314 = tpu.memref_slice %arg5[%dma_start3A_313] : memref<1024xi32, #tpu.memory_space<vmem>> -> memref<32xi32, #tpu.memory_space<vmem>>
    %dma_start3A_315 = arith.constant 0 : i32
    %dma_start3A_316 = arith.constant 0 : i32
    %dma_start3A_317 = tpu.memref_slice %arg3[%dma_start3A_315, %dma_start3A_316] : memref<100000x768xf32, #tpu.memory_space<hbm>> -> memref<100000x768xf32, #tpu.memory_space<hbm>>
    tpu.enqueue_indirect_dma source(%dma_start3A_317 : memref<100000x768xf32, #tpu.memory_space<hbm>>) target(%arg7 : memref<32x768xf32, #tpu.memory_space<vmem>>) offsets(%dma_start3A_314 : memref<32xi32, #tpu.memory_space<vmem>>) semaphore(%arg12 : memref<!tpu.dma_semaphore, #tpu.memory_space<semaphore_mem>>)
    %dma_wait3A_318 = arith.constant 448 : i32
    %dma_wait3A_319 = tpu.memref_slice %arg5[%dma_wait3A_318] : memref<1024xi32, #tpu.memory_space<vmem>> -> memref<32xi32, #tpu.memory_space<vmem>>
    %dma_wait3A_320 = arith.constant 0 : i32
    %dma_wait3A_321 = arith.constant 0 : i32
    %dma_wait3A_322 = tpu.memref_slice %arg3[%dma_wait3A_320, %dma_wait3A_321] : memref<100000x768xf32, #tpu.memory_space<hbm>> -> memref<100000x768xf32, #tpu.memory_space<hbm>>
    tpu.wait_indirect_dma semaphore(%arg15 : memref<!tpu.dma_semaphore, #tpu.memory_space<semaphore_mem>>) src(%dma_wait3A_322 : memref<100000x768xf32, #tpu.memory_space<hbm>>) dst(%arg10 : memref<32x768xf32, #tpu.memory_space<vmem>>)
    %add3A_323 = arith.constant 448 : i32
    %add3A_324 = arith.addi %mul3A_2, %add3A_323 : i32
    %dma_start3A_325 = arith.constant 0 : i32
    %dma_start3A_326 = tpu.memref_slice %arg4[%add3A_324, %dma_start3A_325] : memref<32768x768xf32, #tpu.memory_space<hbm>> -> memref<32x768xf32, #tpu.memory_space<hbm>>
    %dma_start3A_327 = arith.constant 0 : i32
    %dma_start3A_328 = tpu.memref_slice %arg4[%add3A_324, %dma_start3A_327] : memref<32768x768xf32, #tpu.memory_space<hbm>> -> memref<32x768xf32, #tpu.memory_space<hbm>>
    tpu.enqueue_dma source(%arg10 : memref<32x768xf32, #tpu.memory_space<vmem>>) target(%dma_start3A_328 : memref<32x768xf32, #tpu.memory_space<hbm>>) target_semaphore(%arg20 : memref<!tpu.dma_semaphore, #tpu.memory_space<semaphore_mem>>)
    %dma_wait3A_329 = arith.constant 0 : i32
    %dma_wait3A_330 = tpu.memref_slice %arg4[%add3A_284, %dma_wait3A_329] : memref<32768x768xf32, #tpu.memory_space<hbm>> -> memref<32x768xf32, #tpu.memory_space<hbm>>
    %dma_wait3A_331 = arith.constant 0 : i32
    %dma_wait3A_332 = tpu.memref_slice %arg4[%add3A_284, %dma_wait3A_331] : memref<32768x768xf32, #tpu.memory_space<hbm>> -> memref<32x768xf32, #tpu.memory_space<hbm>>
    tpu.wait_dma2 semaphore(%arg18 : memref<!tpu.dma_semaphore, #tpu.memory_space<semaphore_mem>>) src(%arg8 : memref<32x768xf32, #tpu.memory_space<vmem>>) dst(%dma_wait3A_332 : memref<32x768xf32, #tpu.memory_space<hbm>>)
    %dma_start3A_333 = arith.constant 544 : i32
    %dma_start3A_334 = tpu.memref_slice %arg5[%dma_start3A_333] : memref<1024xi32, #tpu.memory_space<vmem>> -> memref<32xi32, #tpu.memory_space<vmem>>
    %dma_start3A_335 = arith.constant 0 : i32
    %dma_start3A_336 = arith.constant 0 : i32
    %dma_start3A_337 = tpu.memref_slice %arg3[%dma_start3A_335, %dma_start3A_336] : memref<100000x768xf32, #tpu.memory_space<hbm>> -> memref<100000x768xf32, #tpu.memory_space<hbm>>
    tpu.enqueue_indirect_dma source(%dma_start3A_337 : memref<100000x768xf32, #tpu.memory_space<hbm>>) target(%arg8 : memref<32x768xf32, #tpu.memory_space<vmem>>) offsets(%dma_start3A_334 : memref<32xi32, #tpu.memory_space<vmem>>) semaphore(%arg13 : memref<!tpu.dma_semaphore, #tpu.memory_space<semaphore_mem>>)
    %dma_wait3A_338 = arith.constant 480 : i32
    %dma_wait3A_339 = tpu.memref_slice %arg5[%dma_wait3A_338] : memref<1024xi32, #tpu.memory_space<vmem>> -> memref<32xi32, #tpu.memory_space<vmem>>
    %dma_wait3A_340 = arith.constant 0 : i32
    %dma_wait3A_341 = arith.constant 0 : i32
    %dma_wait3A_342 = tpu.memref_slice %arg3[%dma_wait3A_340, %dma_wait3A_341] : memref<100000x768xf32, #tpu.memory_space<hbm>> -> memref<100000x768xf32, #tpu.memory_space<hbm>>
    tpu.wait_indirect_dma semaphore(%arg11 : memref<!tpu.dma_semaphore, #tpu.memory_space<semaphore_mem>>) src(%dma_wait3A_342 : memref<100000x768xf32, #tpu.memory_space<hbm>>) dst(%arg6 : memref<32x768xf32, #tpu.memory_space<vmem>>)
    %add3A_343 = arith.constant 480 : i32
    %add3A_344 = arith.addi %mul3A_2, %add3A_343 : i32
    %dma_start3A_345 = arith.constant 0 : i32
    %dma_start3A_346 = tpu.memref_slice %arg4[%add3A_344, %dma_start3A_345] : memref<32768x768xf32, #tpu.memory_space<hbm>> -> memref<32x768xf32, #tpu.memory_space<hbm>>
    %dma_start3A_347 = arith.constant 0 : i32
    %dma_start3A_348 = tpu.memref_slice %arg4[%add3A_344, %dma_start3A_347] : memref<32768x768xf32, #tpu.memory_space<hbm>> -> memref<32x768xf32, #tpu.memory_space<hbm>>
    tpu.enqueue_dma source(%arg6 : memref<32x768xf32, #tpu.memory_space<vmem>>) target(%dma_start3A_348 : memref<32x768xf32, #tpu.memory_space<hbm>>) target_semaphore(%arg16 : memref<!tpu.dma_semaphore, #tpu.memory_space<semaphore_mem>>)
    %dma_wait3A_349 = arith.constant 0 : i32
    %dma_wait3A_350 = tpu.memref_slice %arg4[%add3A_304, %dma_wait3A_349] : memref<32768x768xf32, #tpu.memory_space<hbm>> -> memref<32x768xf32, #tpu.memory_space<hbm>>
    %dma_wait3A_351 = arith.constant 0 : i32
    %dma_wait3A_352 = tpu.memref_slice %arg4[%add3A_304, %dma_wait3A_351] : memref<32768x768xf32, #tpu.memory_space<hbm>> -> memref<32x768xf32, #tpu.memory_space<hbm>>
    tpu.wait_dma2 semaphore(%arg19 : memref<!tpu.dma_semaphore, #tpu.memory_space<semaphore_mem>>) src(%arg9 : memref<32x768xf32, #tpu.memory_space<vmem>>) dst(%dma_wait3A_352 : memref<32x768xf32, #tpu.memory_space<hbm>>)
    %dma_start3A_353 = arith.constant 576 : i32
    %dma_start3A_354 = tpu.memref_slice %arg5[%dma_start3A_353] : memref<1024xi32, #tpu.memory_space<vmem>> -> memref<32xi32, #tpu.memory_space<vmem>>
    %dma_start3A_355 = arith.constant 0 : i32
    %dma_start3A_356 = arith.constant 0 : i32
    %dma_start3A_357 = tpu.memref_slice %arg3[%dma_start3A_355, %dma_start3A_356] : memref<100000x768xf32, #tpu.memory_space<hbm>> -> memref<100000x768xf32, #tpu.memory_space<hbm>>
    tpu.enqueue_indirect_dma source(%dma_start3A_357 : memref<100000x768xf32, #tpu.memory_space<hbm>>) target(%arg9 : memref<32x768xf32, #tpu.memory_space<vmem>>) offsets(%dma_start3A_354 : memref<32xi32, #tpu.memory_space<vmem>>) semaphore(%arg14 : memref<!tpu.dma_semaphore, #tpu.memory_space<semaphore_mem>>)
    %dma_wait3A_358 = arith.constant 512 : i32
    %dma_wait3A_359 = tpu.memref_slice %arg5[%dma_wait3A_358] : memref<1024xi32, #tpu.memory_space<vmem>> -> memref<32xi32, #tpu.memory_space<vmem>>
    %dma_wait3A_360 = arith.constant 0 : i32
    %dma_wait3A_361 = arith.constant 0 : i32
    %dma_wait3A_362 = tpu.memref_slice %arg3[%dma_wait3A_360, %dma_wait3A_361] : memref<100000x768xf32, #tpu.memory_space<hbm>> -> memref<100000x768xf32, #tpu.memory_space<hbm>>
    tpu.wait_indirect_dma semaphore(%arg12 : memref<!tpu.dma_semaphore, #tpu.memory_space<semaphore_mem>>) src(%dma_wait3A_362 : memref<100000x768xf32, #tpu.memory_space<hbm>>) dst(%arg7 : memref<32x768xf32, #tpu.memory_space<vmem>>)
    %add3A_363 = arith.constant 512 : i32
    %add3A_364 = arith.addi %mul3A_2, %add3A_363 : i32
    %dma_start3A_365 = arith.constant 0 : i32
    %dma_start3A_366 = tpu.memref_slice %arg4[%add3A_364, %dma_start3A_365] : memref<32768x768xf32, #tpu.memory_space<hbm>> -> memref<32x768xf32, #tpu.memory_space<hbm>>
    %dma_start3A_367 = arith.constant 0 : i32
    %dma_start3A_368 = tpu.memref_slice %arg4[%add3A_364, %dma_start3A_367] : memref<32768x768xf32, #tpu.memory_space<hbm>> -> memref<32x768xf32, #tpu.memory_space<hbm>>
    tpu.enqueue_dma source(%arg7 : memref<32x768xf32, #tpu.memory_space<vmem>>) target(%dma_start3A_368 : memref<32x768xf32, #tpu.memory_space<hbm>>) target_semaphore(%arg17 : memref<!tpu.dma_semaphore, #tpu.memory_space<semaphore_mem>>)
    %dma_wait3A_369 = arith.constant 0 : i32
    %dma_wait3A_370 = tpu.memref_slice %arg4[%add3A_324, %dma_wait3A_369] : memref<32768x768xf32, #tpu.memory_space<hbm>> -> memref<32x768xf32, #tpu.memory_space<hbm>>
    %dma_wait3A_371 = arith.constant 0 : i32
    %dma_wait3A_372 = tpu.memref_slice %arg4[%add3A_324, %dma_wait3A_371] : memref<32768x768xf32, #tpu.memory_space<hbm>> -> memref<32x768xf32, #tpu.memory_space<hbm>>
    tpu.wait_dma2 semaphore(%arg20 : memref<!tpu.dma_semaphore, #tpu.memory_space<semaphore_mem>>) src(%arg10 : memref<32x768xf32, #tpu.memory_space<vmem>>) dst(%dma_wait3A_372 : memref<32x768xf32, #tpu.memory_space<hbm>>)
    %dma_start3A_373 = arith.constant 608 : i32
    %dma_start3A_374 = tpu.memref_slice %arg5[%dma_start3A_373] : memref<1024xi32, #tpu.memory_space<vmem>> -> memref<32xi32, #tpu.memory_space<vmem>>
    %dma_start3A_375 = arith.constant 0 : i32
    %dma_start3A_376 = arith.constant 0 : i32
    %dma_start3A_377 = tpu.memref_slice %arg3[%dma_start3A_375, %dma_start3A_376] : memref<100000x768xf32, #tpu.memory_space<hbm>> -> memref<100000x768xf32, #tpu.memory_space<hbm>>
    tpu.enqueue_indirect_dma source(%dma_start3A_377 : memref<100000x768xf32, #tpu.memory_space<hbm>>) target(%arg10 : memref<32x768xf32, #tpu.memory_space<vmem>>) offsets(%dma_start3A_374 : memref<32xi32, #tpu.memory_space<vmem>>) semaphore(%arg15 : memref<!tpu.dma_semaphore, #tpu.memory_space<semaphore_mem>>)
    %dma_wait3A_378 = arith.constant 544 : i32
    %dma_wait3A_379 = tpu.memref_slice %arg5[%dma_wait3A_378] : memref<1024xi32, #tpu.memory_space<vmem>> -> memref<32xi32, #tpu.memory_space<vmem>>
    %dma_wait3A_380 = arith.constant 0 : i32
    %dma_wait3A_381 = arith.constant 0 : i32
    %dma_wait3A_382 = tpu.memref_slice %arg3[%dma_wait3A_380, %dma_wait3A_381] : memref<100000x768xf32, #tpu.memory_space<hbm>> -> memref<100000x768xf32, #tpu.memory_space<hbm>>
    tpu.wait_indirect_dma semaphore(%arg13 : memref<!tpu.dma_semaphore, #tpu.memory_space<semaphore_mem>>) src(%dma_wait3A_382 : memref<100000x768xf32, #tpu.memory_space<hbm>>) dst(%arg8 : memref<32x768xf32, #tpu.memory_space<vmem>>)
    %add3A_383 = arith.constant 544 : i32
    %add3A_384 = arith.addi %mul3A_2, %add3A_383 : i32
    %dma_start3A_385 = arith.constant 0 : i32
    %dma_start3A_386 = tpu.memref_slice %arg4[%add3A_384, %dma_start3A_385] : memref<32768x768xf32, #tpu.memory_space<hbm>> -> memref<32x768xf32, #tpu.memory_space<hbm>>
    %dma_start3A_387 = arith.constant 0 : i32
    %dma_start3A_388 = tpu.memref_slice %arg4[%add3A_384, %dma_start3A_387] : memref<32768x768xf32, #tpu.memory_space<hbm>> -> memref<32x768xf32, #tpu.memory_space<hbm>>
    tpu.enqueue_dma source(%arg8 : memref<32x768xf32, #tpu.memory_space<vmem>>) target(%dma_start3A_388 : memref<32x768xf32, #tpu.memory_space<hbm>>) target_semaphore(%arg18 : memref<!tpu.dma_semaphore, #tpu.memory_space<semaphore_mem>>)
    %dma_wait3A_389 = arith.constant 0 : i32
    %dma_wait3A_390 = tpu.memref_slice %arg4[%add3A_344, %dma_wait3A_389] : memref<32768x768xf32, #tpu.memory_space<hbm>> -> memref<32x768xf32, #tpu.memory_space<hbm>>
    %dma_wait3A_391 = arith.constant 0 : i32
    %dma_wait3A_392 = tpu.memref_slice %arg4[%add3A_344, %dma_wait3A_391] : memref<32768x768xf32, #tpu.memory_space<hbm>> -> memref<32x768xf32, #tpu.memory_space<hbm>>
    tpu.wait_dma2 semaphore(%arg16 : memref<!tpu.dma_semaphore, #tpu.memory_space<semaphore_mem>>) src(%arg6 : memref<32x768xf32, #tpu.memory_space<vmem>>) dst(%dma_wait3A_392 : memref<32x768xf32, #tpu.memory_space<hbm>>)
    %dma_start3A_393 = arith.constant 640 : i32
    %dma_start3A_394 = tpu.memref_slice %arg5[%dma_start3A_393] : memref<1024xi32, #tpu.memory_space<vmem>> -> memref<32xi32, #tpu.memory_space<vmem>>
    %dma_start3A_395 = arith.constant 0 : i32
    %dma_start3A_396 = arith.constant 0 : i32
    %dma_start3A_397 = tpu.memref_slice %arg3[%dma_start3A_395, %dma_start3A_396] : memref<100000x768xf32, #tpu.memory_space<hbm>> -> memref<100000x768xf32, #tpu.memory_space<hbm>>
    tpu.enqueue_indirect_dma source(%dma_start3A_397 : memref<100000x768xf32, #tpu.memory_space<hbm>>) target(%arg6 : memref<32x768xf32, #tpu.memory_space<vmem>>) offsets(%dma_start3A_394 : memref<32xi32, #tpu.memory_space<vmem>>) semaphore(%arg11 : memref<!tpu.dma_semaphore, #tpu.memory_space<semaphore_mem>>)
    %dma_wait3A_398 = arith.constant 576 : i32
    %dma_wait3A_399 = tpu.memref_slice %arg5[%dma_wait3A_398] : memref<1024xi32, #tpu.memory_space<vmem>> -> memref<32xi32, #tpu.memory_space<vmem>>
    %dma_wait3A_400 = arith.constant 0 : i32
    %dma_wait3A_401 = arith.constant 0 : i32
    %dma_wait3A_402 = tpu.memref_slice %arg3[%dma_wait3A_400, %dma_wait3A_401] : memref<100000x768xf32, #tpu.memory_space<hbm>> -> memref<100000x768xf32, #tpu.memory_space<hbm>>
    tpu.wait_indirect_dma semaphore(%arg14 : memref<!tpu.dma_semaphore, #tpu.memory_space<semaphore_mem>>) src(%dma_wait3A_402 : memref<100000x768xf32, #tpu.memory_space<hbm>>) dst(%arg9 : memref<32x768xf32, #tpu.memory_space<vmem>>)
    %add3A_403 = arith.constant 576 : i32
    %add3A_404 = arith.addi %mul3A_2, %add3A_403 : i32
    %dma_start3A_405 = arith.constant 0 : i32
    %dma_start3A_406 = tpu.memref_slice %arg4[%add3A_404, %dma_start3A_405] : memref<32768x768xf32, #tpu.memory_space<hbm>> -> memref<32x768xf32, #tpu.memory_space<hbm>>
    %dma_start3A_407 = arith.constant 0 : i32
    %dma_start3A_408 = tpu.memref_slice %arg4[%add3A_404, %dma_start3A_407] : memref<32768x768xf32, #tpu.memory_space<hbm>> -> memref<32x768xf32, #tpu.memory_space<hbm>>
    tpu.enqueue_dma source(%arg9 : memref<32x768xf32, #tpu.memory_space<vmem>>) target(%dma_start3A_408 : memref<32x768xf32, #tpu.memory_space<hbm>>) target_semaphore(%arg19 : memref<!tpu.dma_semaphore, #tpu.memory_space<semaphore_mem>>)
    %dma_wait3A_409 = arith.constant 0 : i32
    %dma_wait3A_410 = tpu.memref_slice %arg4[%add3A_364, %dma_wait3A_409] : memref<32768x768xf32, #tpu.memory_space<hbm>> -> memref<32x768xf32, #tpu.memory_space<hbm>>
    %dma_wait3A_411 = arith.constant 0 : i32
    %dma_wait3A_412 = tpu.memref_slice %arg4[%add3A_364, %dma_wait3A_411] : memref<32768x768xf32, #tpu.memory_space<hbm>> -> memref<32x768xf32, #tpu.memory_space<hbm>>
    tpu.wait_dma2 semaphore(%arg17 : memref<!tpu.dma_semaphore, #tpu.memory_space<semaphore_mem>>) src(%arg7 : memref<32x768xf32, #tpu.memory_space<vmem>>) dst(%dma_wait3A_412 : memref<32x768xf32, #tpu.memory_space<hbm>>)
    %dma_start3A_413 = arith.constant 672 : i32
    %dma_start3A_414 = tpu.memref_slice %arg5[%dma_start3A_413] : memref<1024xi32, #tpu.memory_space<vmem>> -> memref<32xi32, #tpu.memory_space<vmem>>
    %dma_start3A_415 = arith.constant 0 : i32
    %dma_start3A_416 = arith.constant 0 : i32
    %dma_start3A_417 = tpu.memref_slice %arg3[%dma_start3A_415, %dma_start3A_416] : memref<100000x768xf32, #tpu.memory_space<hbm>> -> memref<100000x768xf32, #tpu.memory_space<hbm>>
    tpu.enqueue_indirect_dma source(%dma_start3A_417 : memref<100000x768xf32, #tpu.memory_space<hbm>>) target(%arg7 : memref<32x768xf32, #tpu.memory_space<vmem>>) offsets(%dma_start3A_414 : memref<32xi32, #tpu.memory_space<vmem>>) semaphore(%arg12 : memref<!tpu.dma_semaphore, #tpu.memory_space<semaphore_mem>>)
    %dma_wait3A_418 = arith.constant 608 : i32
    %dma_wait3A_419 = tpu.memref_slice %arg5[%dma_wait3A_418] : memref<1024xi32, #tpu.memory_space<vmem>> -> memref<32xi32, #tpu.memory_space<vmem>>
    %dma_wait3A_420 = arith.constant 0 : i32
    %dma_wait3A_421 = arith.constant 0 : i32
    %dma_wait3A_422 = tpu.memref_slice %arg3[%dma_wait3A_420, %dma_wait3A_421] : memref<100000x768xf32, #tpu.memory_space<hbm>> -> memref<100000x768xf32, #tpu.memory_space<hbm>>
    tpu.wait_indirect_dma semaphore(%arg15 : memref<!tpu.dma_semaphore, #tpu.memory_space<semaphore_mem>>) src(%dma_wait3A_422 : memref<100000x768xf32, #tpu.memory_space<hbm>>) dst(%arg10 : memref<32x768xf32, #tpu.memory_space<vmem>>)
    %add3A_423 = arith.constant 608 : i32
    %add3A_424 = arith.addi %mul3A_2, %add3A_423 : i32
    %dma_start3A_425 = arith.constant 0 : i32
    %dma_start3A_426 = tpu.memref_slice %arg4[%add3A_424, %dma_start3A_425] : memref<32768x768xf32, #tpu.memory_space<hbm>> -> memref<32x768xf32, #tpu.memory_space<hbm>>
    %dma_start3A_427 = arith.constant 0 : i32
    %dma_start3A_428 = tpu.memref_slice %arg4[%add3A_424, %dma_start3A_427] : memref<32768x768xf32, #tpu.memory_space<hbm>> -> memref<32x768xf32, #tpu.memory_space<hbm>>
    tpu.enqueue_dma source(%arg10 : memref<32x768xf32, #tpu.memory_space<vmem>>) target(%dma_start3A_428 : memref<32x768xf32, #tpu.memory_space<hbm>>) target_semaphore(%arg20 : memref<!tpu.dma_semaphore, #tpu.memory_space<semaphore_mem>>)
    %dma_wait3A_429 = arith.constant 0 : i32
    %dma_wait3A_430 = tpu.memref_slice %arg4[%add3A_384, %dma_wait3A_429] : memref<32768x768xf32, #tpu.memory_space<hbm>> -> memref<32x768xf32, #tpu.memory_space<hbm>>
    %dma_wait3A_431 = arith.constant 0 : i32
    %dma_wait3A_432 = tpu.memref_slice %arg4[%add3A_384, %dma_wait3A_431] : memref<32768x768xf32, #tpu.memory_space<hbm>> -> memref<32x768xf32, #tpu.memory_space<hbm>>
    tpu.wait_dma2 semaphore(%arg18 : memref<!tpu.dma_semaphore, #tpu.memory_space<semaphore_mem>>) src(%arg8 : memref<32x768xf32, #tpu.memory_space<vmem>>) dst(%dma_wait3A_432 : memref<32x768xf32, #tpu.memory_space<hbm>>)
    %dma_start3A_433 = arith.constant 704 : i32
    %dma_start3A_434 = tpu.memref_slice %arg5[%dma_start3A_433] : memref<1024xi32, #tpu.memory_space<vmem>> -> memref<32xi32, #tpu.memory_space<vmem>>
    %dma_start3A_435 = arith.constant 0 : i32
    %dma_start3A_436 = arith.constant 0 : i32
    %dma_start3A_437 = tpu.memref_slice %arg3[%dma_start3A_435, %dma_start3A_436] : memref<100000x768xf32, #tpu.memory_space<hbm>> -> memref<100000x768xf32, #tpu.memory_space<hbm>>
    tpu.enqueue_indirect_dma source(%dma_start3A_437 : memref<100000x768xf32, #tpu.memory_space<hbm>>) target(%arg8 : memref<32x768xf32, #tpu.memory_space<vmem>>) offsets(%dma_start3A_434 : memref<32xi32, #tpu.memory_space<vmem>>) semaphore(%arg13 : memref<!tpu.dma_semaphore, #tpu.memory_space<semaphore_mem>>)
    %dma_wait3A_438 = arith.constant 640 : i32
    %dma_wait3A_439 = tpu.memref_slice %arg5[%dma_wait3A_438] : memref<1024xi32, #tpu.memory_space<vmem>> -> memref<32xi32, #tpu.memory_space<vmem>>
    %dma_wait3A_440 = arith.constant 0 : i32
    %dma_wait3A_441 = arith.constant 0 : i32
    %dma_wait3A_442 = tpu.memref_slice %arg3[%dma_wait3A_440, %dma_wait3A_441] : memref<100000x768xf32, #tpu.memory_space<hbm>> -> memref<100000x768xf32, #tpu.memory_space<hbm>>
    tpu.wait_indirect_dma semaphore(%arg11 : memref<!tpu.dma_semaphore, #tpu.memory_space<semaphore_mem>>) src(%dma_wait3A_442 : memref<100000x768xf32, #tpu.memory_space<hbm>>) dst(%arg6 : memref<32x768xf32, #tpu.memory_space<vmem>>)
    %add3A_443 = arith.constant 640 : i32
    %add3A_444 = arith.addi %mul3A_2, %add3A_443 : i32
    %dma_start3A_445 = arith.constant 0 : i32
    %dma_start3A_446 = tpu.memref_slice %arg4[%add3A_444, %dma_start3A_445] : memref<32768x768xf32, #tpu.memory_space<hbm>> -> memref<32x768xf32, #tpu.memory_space<hbm>>
    %dma_start3A_447 = arith.constant 0 : i32
    %dma_start3A_448 = tpu.memref_slice %arg4[%add3A_444, %dma_start3A_447] : memref<32768x768xf32, #tpu.memory_space<hbm>> -> memref<32x768xf32, #tpu.memory_space<hbm>>
    tpu.enqueue_dma source(%arg6 : memref<32x768xf32, #tpu.memory_space<vmem>>) target(%dma_start3A_448 : memref<32x768xf32, #tpu.memory_space<hbm>>) target_semaphore(%arg16 : memref<!tpu.dma_semaphore, #tpu.memory_space<semaphore_mem>>)
    %dma_wait3A_449 = arith.constant 0 : i32
    %dma_wait3A_450 = tpu.memref_slice %arg4[%add3A_404, %dma_wait3A_449] : memref<32768x768xf32, #tpu.memory_space<hbm>> -> memref<32x768xf32, #tpu.memory_space<hbm>>
    %dma_wait3A_451 = arith.constant 0 : i32
    %dma_wait3A_452 = tpu.memref_slice %arg4[%add3A_404, %dma_wait3A_451] : memref<32768x768xf32, #tpu.memory_space<hbm>> -> memref<32x768xf32, #tpu.memory_space<hbm>>
    tpu.wait_dma2 semaphore(%arg19 : memref<!tpu.dma_semaphore, #tpu.memory_space<semaphore_mem>>) src(%arg9 : memref<32x768xf32, #tpu.memory_space<vmem>>) dst(%dma_wait3A_452 : memref<32x768xf32, #tpu.memory_space<hbm>>)
    %dma_start3A_453 = arith.constant 736 : i32
    %dma_start3A_454 = tpu.memref_slice %arg5[%dma_start3A_453] : memref<1024xi32, #tpu.memory_space<vmem>> -> memref<32xi32, #tpu.memory_space<vmem>>
    %dma_start3A_455 = arith.constant 0 : i32
    %dma_start3A_456 = arith.constant 0 : i32
    %dma_start3A_457 = tpu.memref_slice %arg3[%dma_start3A_455, %dma_start3A_456] : memref<100000x768xf32, #tpu.memory_space<hbm>> -> memref<100000x768xf32, #tpu.memory_space<hbm>>
    tpu.enqueue_indirect_dma source(%dma_start3A_457 : memref<100000x768xf32, #tpu.memory_space<hbm>>) target(%arg9 : memref<32x768xf32, #tpu.memory_space<vmem>>) offsets(%dma_start3A_454 : memref<32xi32, #tpu.memory_space<vmem>>) semaphore(%arg14 : memref<!tpu.dma_semaphore, #tpu.memory_space<semaphore_mem>>)
    %dma_wait3A_458 = arith.constant 672 : i32
    %dma_wait3A_459 = tpu.memref_slice %arg5[%dma_wait3A_458] : memref<1024xi32, #tpu.memory_space<vmem>> -> memref<32xi32, #tpu.memory_space<vmem>>
    %dma_wait3A_460 = arith.constant 0 : i32
    %dma_wait3A_461 = arith.constant 0 : i32
    %dma_wait3A_462 = tpu.memref_slice %arg3[%dma_wait3A_460, %dma_wait3A_461] : memref<100000x768xf32, #tpu.memory_space<hbm>> -> memref<100000x768xf32, #tpu.memory_space<hbm>>
    tpu.wait_indirect_dma semaphore(%arg12 : memref<!tpu.dma_semaphore, #tpu.memory_space<semaphore_mem>>) src(%dma_wait3A_462 : memref<100000x768xf32, #tpu.memory_space<hbm>>) dst(%arg7 : memref<32x768xf32, #tpu.memory_space<vmem>>)
    %add3A_463 = arith.constant 672 : i32
    %add3A_464 = arith.addi %mul3A_2, %add3A_463 : i32
    %dma_start3A_465 = arith.constant 0 : i32
    %dma_start3A_466 = tpu.memref_slice %arg4[%add3A_464, %dma_start3A_465] : memref<32768x768xf32, #tpu.memory_space<hbm>> -> memref<32x768xf32, #tpu.memory_space<hbm>>
    %dma_start3A_467 = arith.constant 0 : i32
    %dma_start3A_468 = tpu.memref_slice %arg4[%add3A_464, %dma_start3A_467] : memref<32768x768xf32, #tpu.memory_space<hbm>> -> memref<32x768xf32, #tpu.memory_space<hbm>>
    tpu.enqueue_dma source(%arg7 : memref<32x768xf32, #tpu.memory_space<vmem>>) target(%dma_start3A_468 : memref<32x768xf32, #tpu.memory_space<hbm>>) target_semaphore(%arg17 : memref<!tpu.dma_semaphore, #tpu.memory_space<semaphore_mem>>)
    %dma_wait3A_469 = arith.constant 0 : i32
    %dma_wait3A_470 = tpu.memref_slice %arg4[%add3A_424, %dma_wait3A_469] : memref<32768x768xf32, #tpu.memory_space<hbm>> -> memref<32x768xf32, #tpu.memory_space<hbm>>
    %dma_wait3A_471 = arith.constant 0 : i32
    %dma_wait3A_472 = tpu.memref_slice %arg4[%add3A_424, %dma_wait3A_471] : memref<32768x768xf32, #tpu.memory_space<hbm>> -> memref<32x768xf32, #tpu.memory_space<hbm>>
    tpu.wait_dma2 semaphore(%arg20 : memref<!tpu.dma_semaphore, #tpu.memory_space<semaphore_mem>>) src(%arg10 : memref<32x768xf32, #tpu.memory_space<vmem>>) dst(%dma_wait3A_472 : memref<32x768xf32, #tpu.memory_space<hbm>>)
    %dma_start3A_473 = arith.constant 768 : i32
    %dma_start3A_474 = tpu.memref_slice %arg5[%dma_start3A_473] : memref<1024xi32, #tpu.memory_space<vmem>> -> memref<32xi32, #tpu.memory_space<vmem>>
    %dma_start3A_475 = arith.constant 0 : i32
    %dma_start3A_476 = arith.constant 0 : i32
    %dma_start3A_477 = tpu.memref_slice %arg3[%dma_start3A_475, %dma_start3A_476] : memref<100000x768xf32, #tpu.memory_space<hbm>> -> memref<100000x768xf32, #tpu.memory_space<hbm>>
    tpu.enqueue_indirect_dma source(%dma_start3A_477 : memref<100000x768xf32, #tpu.memory_space<hbm>>) target(%arg10 : memref<32x768xf32, #tpu.memory_space<vmem>>) offsets(%dma_start3A_474 : memref<32xi32, #tpu.memory_space<vmem>>) semaphore(%arg15 : memref<!tpu.dma_semaphore, #tpu.memory_space<semaphore_mem>>)
    %dma_wait3A_478 = arith.constant 704 : i32
    %dma_wait3A_479 = tpu.memref_slice %arg5[%dma_wait3A_478] : memref<1024xi32, #tpu.memory_space<vmem>> -> memref<32xi32, #tpu.memory_space<vmem>>
    %dma_wait3A_480 = arith.constant 0 : i32
    %dma_wait3A_481 = arith.constant 0 : i32
    %dma_wait3A_482 = tpu.memref_slice %arg3[%dma_wait3A_480, %dma_wait3A_481] : memref<100000x768xf32, #tpu.memory_space<hbm>> -> memref<100000x768xf32, #tpu.memory_space<hbm>>
    tpu.wait_indirect_dma semaphore(%arg13 : memref<!tpu.dma_semaphore, #tpu.memory_space<semaphore_mem>>) src(%dma_wait3A_482 : memref<100000x768xf32, #tpu.memory_space<hbm>>) dst(%arg8 : memref<32x768xf32, #tpu.memory_space<vmem>>)
    %add3A_483 = arith.constant 704 : i32
    %add3A_484 = arith.addi %mul3A_2, %add3A_483 : i32
    %dma_start3A_485 = arith.constant 0 : i32
    %dma_start3A_486 = tpu.memref_slice %arg4[%add3A_484, %dma_start3A_485] : memref<32768x768xf32, #tpu.memory_space<hbm>> -> memref<32x768xf32, #tpu.memory_space<hbm>>
    %dma_start3A_487 = arith.constant 0 : i32
    %dma_start3A_488 = tpu.memref_slice %arg4[%add3A_484, %dma_start3A_487] : memref<32768x768xf32, #tpu.memory_space<hbm>> -> memref<32x768xf32, #tpu.memory_space<hbm>>
    tpu.enqueue_dma source(%arg8 : memref<32x768xf32, #tpu.memory_space<vmem>>) target(%dma_start3A_488 : memref<32x768xf32, #tpu.memory_space<hbm>>) target_semaphore(%arg18 : memref<!tpu.dma_semaphore, #tpu.memory_space<semaphore_mem>>)
    %dma_wait3A_489 = arith.constant 0 : i32
    %dma_wait3A_490 = tpu.memref_slice %arg4[%add3A_444, %dma_wait3A_489] : memref<32768x768xf32, #tpu.memory_space<hbm>> -> memref<32x768xf32, #tpu.memory_space<hbm>>
    %dma_wait3A_491 = arith.constant 0 : i32
    %dma_wait3A_492 = tpu.memref_slice %arg4[%add3A_444, %dma_wait3A_491] : memref<32768x768xf32, #tpu.memory_space<hbm>> -> memref<32x768xf32, #tpu.memory_space<hbm>>
    tpu.wait_dma2 semaphore(%arg16 : memref<!tpu.dma_semaphore, #tpu.memory_space<semaphore_mem>>) src(%arg6 : memref<32x768xf32, #tpu.memory_space<vmem>>) dst(%dma_wait3A_492 : memref<32x768xf32, #tpu.memory_space<hbm>>)
    %dma_start3A_493 = arith.constant 800 : i32
    %dma_start3A_494 = tpu.memref_slice %arg5[%dma_start3A_493] : memref<1024xi32, #tpu.memory_space<vmem>> -> memref<32xi32, #tpu.memory_space<vmem>>
    %dma_start3A_495 = arith.constant 0 : i32
    %dma_start3A_496 = arith.constant 0 : i32
    %dma_start3A_497 = tpu.memref_slice %arg3[%dma_start3A_495, %dma_start3A_496] : memref<100000x768xf32, #tpu.memory_space<hbm>> -> memref<100000x768xf32, #tpu.memory_space<hbm>>
    tpu.enqueue_indirect_dma source(%dma_start3A_497 : memref<100000x768xf32, #tpu.memory_space<hbm>>) target(%arg6 : memref<32x768xf32, #tpu.memory_space<vmem>>) offsets(%dma_start3A_494 : memref<32xi32, #tpu.memory_space<vmem>>) semaphore(%arg11 : memref<!tpu.dma_semaphore, #tpu.memory_space<semaphore_mem>>)
    %dma_wait3A_498 = arith.constant 736 : i32
    %dma_wait3A_499 = tpu.memref_slice %arg5[%dma_wait3A_498] : memref<1024xi32, #tpu.memory_space<vmem>> -> memref<32xi32, #tpu.memory_space<vmem>>
    %dma_wait3A_500 = arith.constant 0 : i32
    %dma_wait3A_501 = arith.constant 0 : i32
    %dma_wait3A_502 = tpu.memref_slice %arg3[%dma_wait3A_500, %dma_wait3A_501] : memref<100000x768xf32, #tpu.memory_space<hbm>> -> memref<100000x768xf32, #tpu.memory_space<hbm>>
    tpu.wait_indirect_dma semaphore(%arg14 : memref<!tpu.dma_semaphore, #tpu.memory_space<semaphore_mem>>) src(%dma_wait3A_502 : memref<100000x768xf32, #tpu.memory_space<hbm>>) dst(%arg9 : memref<32x768xf32, #tpu.memory_space<vmem>>)
    %add3A_503 = arith.constant 736 : i32
    %add3A_504 = arith.addi %mul3A_2, %add3A_503 : i32
    %dma_start3A_505 = arith.constant 0 : i32
    %dma_start3A_506 = tpu.memref_slice %arg4[%add3A_504, %dma_start3A_505] : memref<32768x768xf32, #tpu.memory_space<hbm>> -> memref<32x768xf32, #tpu.memory_space<hbm>>
    %dma_start3A_507 = arith.constant 0 : i32
    %dma_start3A_508 = tpu.memref_slice %arg4[%add3A_504, %dma_start3A_507] : memref<32768x768xf32, #tpu.memory_space<hbm>> -> memref<32x768xf32, #tpu.memory_space<hbm>>
    tpu.enqueue_dma source(%arg9 : memref<32x768xf32, #tpu.memory_space<vmem>>) target(%dma_start3A_508 : memref<32x768xf32, #tpu.memory_space<hbm>>) target_semaphore(%arg19 : memref<!tpu.dma_semaphore, #tpu.memory_space<semaphore_mem>>)
    %dma_wait3A_509 = arith.constant 0 : i32
    %dma_wait3A_510 = tpu.memref_slice %arg4[%add3A_464, %dma_wait3A_509] : memref<32768x768xf32, #tpu.memory_space<hbm>> -> memref<32x768xf32, #tpu.memory_space<hbm>>
    %dma_wait3A_511 = arith.constant 0 : i32
    %dma_wait3A_512 = tpu.memref_slice %arg4[%add3A_464, %dma_wait3A_511] : memref<32768x768xf32, #tpu.memory_space<hbm>> -> memref<32x768xf32, #tpu.memory_space<hbm>>
    tpu.wait_dma2 semaphore(%arg17 : memref<!tpu.dma_semaphore, #tpu.memory_space<semaphore_mem>>) src(%arg7 : memref<32x768xf32, #tpu.memory_space<vmem>>) dst(%dma_wait3A_512 : memref<32x768xf32, #tpu.memory_space<hbm>>)
    %dma_start3A_513 = arith.constant 832 : i32
    %dma_start3A_514 = tpu.memref_slice %arg5[%dma_start3A_513] : memref<1024xi32, #tpu.memory_space<vmem>> -> memref<32xi32, #tpu.memory_space<vmem>>
    %dma_start3A_515 = arith.constant 0 : i32
    %dma_start3A_516 = arith.constant 0 : i32
    %dma_start3A_517 = tpu.memref_slice %arg3[%dma_start3A_515, %dma_start3A_516] : memref<100000x768xf32, #tpu.memory_space<hbm>> -> memref<100000x768xf32, #tpu.memory_space<hbm>>
    tpu.enqueue_indirect_dma source(%dma_start3A_517 : memref<100000x768xf32, #tpu.memory_space<hbm>>) target(%arg7 : memref<32x768xf32, #tpu.memory_space<vmem>>) offsets(%dma_start3A_514 : memref<32xi32, #tpu.memory_space<vmem>>) semaphore(%arg12 : memref<!tpu.dma_semaphore, #tpu.memory_space<semaphore_mem>>)
    %dma_wait3A_518 = arith.constant 768 : i32
    %dma_wait3A_519 = tpu.memref_slice %arg5[%dma_wait3A_518] : memref<1024xi32, #tpu.memory_space<vmem>> -> memref<32xi32, #tpu.memory_space<vmem>>
    %dma_wait3A_520 = arith.constant 0 : i32
    %dma_wait3A_521 = arith.constant 0 : i32
    %dma_wait3A_522 = tpu.memref_slice %arg3[%dma_wait3A_520, %dma_wait3A_521] : memref<100000x768xf32, #tpu.memory_space<hbm>> -> memref<100000x768xf32, #tpu.memory_space<hbm>>
    tpu.wait_indirect_dma semaphore(%arg15 : memref<!tpu.dma_semaphore, #tpu.memory_space<semaphore_mem>>) src(%dma_wait3A_522 : memref<100000x768xf32, #tpu.memory_space<hbm>>) dst(%arg10 : memref<32x768xf32, #tpu.memory_space<vmem>>)
    %add3A_523 = arith.constant 768 : i32
    %add3A_524 = arith.addi %mul3A_2, %add3A_523 : i32
    %dma_start3A_525 = arith.constant 0 : i32
    %dma_start3A_526 = tpu.memref_slice %arg4[%add3A_524, %dma_start3A_525] : memref<32768x768xf32, #tpu.memory_space<hbm>> -> memref<32x768xf32, #tpu.memory_space<hbm>>
    %dma_start3A_527 = arith.constant 0 : i32
    %dma_start3A_528 = tpu.memref_slice %arg4[%add3A_524, %dma_start3A_527] : memref<32768x768xf32, #tpu.memory_space<hbm>> -> memref<32x768xf32, #tpu.memory_space<hbm>>
    tpu.enqueue_dma source(%arg10 : memref<32x768xf32, #tpu.memory_space<vmem>>) target(%dma_start3A_528 : memref<32x768xf32, #tpu.memory_space<hbm>>) target_semaphore(%arg20 : memref<!tpu.dma_semaphore, #tpu.memory_space<semaphore_mem>>)
    %dma_wait3A_529 = arith.constant 0 : i32
    %dma_wait3A_530 = tpu.memref_slice %arg4[%add3A_484, %dma_wait3A_529] : memref<32768x768xf32, #tpu.memory_space<hbm>> -> memref<32x768xf32, #tpu.memory_space<hbm>>
    %dma_wait3A_531 = arith.constant 0 : i32
    %dma_wait3A_532 = tpu.memref_slice %arg4[%add3A_484, %dma_wait3A_531] : memref<32768x768xf32, #tpu.memory_space<hbm>> -> memref<32x768xf32, #tpu.memory_space<hbm>>
    tpu.wait_dma2 semaphore(%arg18 : memref<!tpu.dma_semaphore, #tpu.memory_space<semaphore_mem>>) src(%arg8 : memref<32x768xf32, #tpu.memory_space<vmem>>) dst(%dma_wait3A_532 : memref<32x768xf32, #tpu.memory_space<hbm>>)
    %dma_start3A_533 = arith.constant 864 : i32
    %dma_start3A_534 = tpu.memref_slice %arg5[%dma_start3A_533] : memref<1024xi32, #tpu.memory_space<vmem>> -> memref<32xi32, #tpu.memory_space<vmem>>
    %dma_start3A_535 = arith.constant 0 : i32
    %dma_start3A_536 = arith.constant 0 : i32
    %dma_start3A_537 = tpu.memref_slice %arg3[%dma_start3A_535, %dma_start3A_536] : memref<100000x768xf32, #tpu.memory_space<hbm>> -> memref<100000x768xf32, #tpu.memory_space<hbm>>
    tpu.enqueue_indirect_dma source(%dma_start3A_537 : memref<100000x768xf32, #tpu.memory_space<hbm>>) target(%arg8 : memref<32x768xf32, #tpu.memory_space<vmem>>) offsets(%dma_start3A_534 : memref<32xi32, #tpu.memory_space<vmem>>) semaphore(%arg13 : memref<!tpu.dma_semaphore, #tpu.memory_space<semaphore_mem>>)
    %dma_wait3A_538 = arith.constant 800 : i32
    %dma_wait3A_539 = tpu.memref_slice %arg5[%dma_wait3A_538] : memref<1024xi32, #tpu.memory_space<vmem>> -> memref<32xi32, #tpu.memory_space<vmem>>
    %dma_wait3A_540 = arith.constant 0 : i32
    %dma_wait3A_541 = arith.constant 0 : i32
    %dma_wait3A_542 = tpu.memref_slice %arg3[%dma_wait3A_540, %dma_wait3A_541] : memref<100000x768xf32, #tpu.memory_space<hbm>> -> memref<100000x768xf32, #tpu.memory_space<hbm>>
    tpu.wait_indirect_dma semaphore(%arg11 : memref<!tpu.dma_semaphore, #tpu.memory_space<semaphore_mem>>) src(%dma_wait3A_542 : memref<100000x768xf32, #tpu.memory_space<hbm>>) dst(%arg6 : memref<32x768xf32, #tpu.memory_space<vmem>>)
    %add3A_543 = arith.constant 800 : i32
    %add3A_544 = arith.addi %mul3A_2, %add3A_543 : i32
    %dma_start3A_545 = arith.constant 0 : i32
    %dma_start3A_546 = tpu.memref_slice %arg4[%add3A_544, %dma_start3A_545] : memref<32768x768xf32, #tpu.memory_space<hbm>> -> memref<32x768xf32, #tpu.memory_space<hbm>>
    %dma_start3A_547 = arith.constant 0 : i32
    %dma_start3A_548 = tpu.memref_slice %arg4[%add3A_544, %dma_start3A_547] : memref<32768x768xf32, #tpu.memory_space<hbm>> -> memref<32x768xf32, #tpu.memory_space<hbm>>
    tpu.enqueue_dma source(%arg6 : memref<32x768xf32, #tpu.memory_space<vmem>>) target(%dma_start3A_548 : memref<32x768xf32, #tpu.memory_space<hbm>>) target_semaphore(%arg16 : memref<!tpu.dma_semaphore, #tpu.memory_space<semaphore_mem>>)
    %dma_wait3A_549 = arith.constant 0 : i32
    %dma_wait3A_550 = tpu.memref_slice %arg4[%add3A_504, %dma_wait3A_549] : memref<32768x768xf32, #tpu.memory_space<hbm>> -> memref<32x768xf32, #tpu.memory_space<hbm>>
    %dma_wait3A_551 = arith.constant 0 : i32
    %dma_wait3A_552 = tpu.memref_slice %arg4[%add3A_504, %dma_wait3A_551] : memref<32768x768xf32, #tpu.memory_space<hbm>> -> memref<32x768xf32, #tpu.memory_space<hbm>>
    tpu.wait_dma2 semaphore(%arg19 : memref<!tpu.dma_semaphore, #tpu.memory_space<semaphore_mem>>) src(%arg9 : memref<32x768xf32, #tpu.memory_space<vmem>>) dst(%dma_wait3A_552 : memref<32x768xf32, #tpu.memory_space<hbm>>)
    %dma_start3A_553 = arith.constant 896 : i32
    %dma_start3A_554 = tpu.memref_slice %arg5[%dma_start3A_553] : memref<1024xi32, #tpu.memory_space<vmem>> -> memref<32xi32, #tpu.memory_space<vmem>>
    %dma_start3A_555 = arith.constant 0 : i32
    %dma_start3A_556 = arith.constant 0 : i32
    %dma_start3A_557 = tpu.memref_slice %arg3[%dma_start3A_555, %dma_start3A_556] : memref<100000x768xf32, #tpu.memory_space<hbm>> -> memref<100000x768xf32, #tpu.memory_space<hbm>>
    tpu.enqueue_indirect_dma source(%dma_start3A_557 : memref<100000x768xf32, #tpu.memory_space<hbm>>) target(%arg9 : memref<32x768xf32, #tpu.memory_space<vmem>>) offsets(%dma_start3A_554 : memref<32xi32, #tpu.memory_space<vmem>>) semaphore(%arg14 : memref<!tpu.dma_semaphore, #tpu.memory_space<semaphore_mem>>)
    %dma_wait3A_558 = arith.constant 832 : i32
    %dma_wait3A_559 = tpu.memref_slice %arg5[%dma_wait3A_558] : memref<1024xi32, #tpu.memory_space<vmem>> -> memref<32xi32, #tpu.memory_space<vmem>>
    %dma_wait3A_560 = arith.constant 0 : i32
    %dma_wait3A_561 = arith.constant 0 : i32
    %dma_wait3A_562 = tpu.memref_slice %arg3[%dma_wait3A_560, %dma_wait3A_561] : memref<100000x768xf32, #tpu.memory_space<hbm>> -> memref<100000x768xf32, #tpu.memory_space<hbm>>
    tpu.wait_indirect_dma semaphore(%arg12 : memref<!tpu.dma_semaphore, #tpu.memory_space<semaphore_mem>>) src(%dma_wait3A_562 : memref<100000x768xf32, #tpu.memory_space<hbm>>) dst(%arg7 : memref<32x768xf32, #tpu.memory_space<vmem>>)
    %add3A_563 = arith.constant 832 : i32
    %add3A_564 = arith.addi %mul3A_2, %add3A_563 : i32
    %dma_start3A_565 = arith.constant 0 : i32
    %dma_start3A_566 = tpu.memref_slice %arg4[%add3A_564, %dma_start3A_565] : memref<32768x768xf32, #tpu.memory_space<hbm>> -> memref<32x768xf32, #tpu.memory_space<hbm>>
    %dma_start3A_567 = arith.constant 0 : i32
    %dma_start3A_568 = tpu.memref_slice %arg4[%add3A_564, %dma_start3A_567] : memref<32768x768xf32, #tpu.memory_space<hbm>> -> memref<32x768xf32, #tpu.memory_space<hbm>>
    tpu.enqueue_dma source(%arg7 : memref<32x768xf32, #tpu.memory_space<vmem>>) target(%dma_start3A_568 : memref<32x768xf32, #tpu.memory_space<hbm>>) target_semaphore(%arg17 : memref<!tpu.dma_semaphore, #tpu.memory_space<semaphore_mem>>)
    %dma_wait3A_569 = arith.constant 0 : i32
    %dma_wait3A_570 = tpu.memref_slice %arg4[%add3A_524, %dma_wait3A_569] : memref<32768x768xf32, #tpu.memory_space<hbm>> -> memref<32x768xf32, #tpu.memory_space<hbm>>
    %dma_wait3A_571 = arith.constant 0 : i32
    %dma_wait3A_572 = tpu.memref_slice %arg4[%add3A_524, %dma_wait3A_571] : memref<32768x768xf32, #tpu.memory_space<hbm>> -> memref<32x768xf32, #tpu.memory_space<hbm>>
    tpu.wait_dma2 semaphore(%arg20 : memref<!tpu.dma_semaphore, #tpu.memory_space<semaphore_mem>>) src(%arg10 : memref<32x768xf32, #tpu.memory_space<vmem>>) dst(%dma_wait3A_572 : memref<32x768xf32, #tpu.memory_space<hbm>>)
    %dma_start3A_573 = arith.constant 928 : i32
    %dma_start3A_574 = tpu.memref_slice %arg5[%dma_start3A_573] : memref<1024xi32, #tpu.memory_space<vmem>> -> memref<32xi32, #tpu.memory_space<vmem>>
    %dma_start3A_575 = arith.constant 0 : i32
    %dma_start3A_576 = arith.constant 0 : i32
    %dma_start3A_577 = tpu.memref_slice %arg3[%dma_start3A_575, %dma_start3A_576] : memref<100000x768xf32, #tpu.memory_space<hbm>> -> memref<100000x768xf32, #tpu.memory_space<hbm>>
    tpu.enqueue_indirect_dma source(%dma_start3A_577 : memref<100000x768xf32, #tpu.memory_space<hbm>>) target(%arg10 : memref<32x768xf32, #tpu.memory_space<vmem>>) offsets(%dma_start3A_574 : memref<32xi32, #tpu.memory_space<vmem>>) semaphore(%arg15 : memref<!tpu.dma_semaphore, #tpu.memory_space<semaphore_mem>>)
    %dma_wait3A_578 = arith.constant 864 : i32
    %dma_wait3A_579 = tpu.memref_slice %arg5[%dma_wait3A_578] : memref<1024xi32, #tpu.memory_space<vmem>> -> memref<32xi32, #tpu.memory_space<vmem>>
    %dma_wait3A_580 = arith.constant 0 : i32
    %dma_wait3A_581 = arith.constant 0 : i32
    %dma_wait3A_582 = tpu.memref_slice %arg3[%dma_wait3A_580, %dma_wait3A_581] : memref<100000x768xf32, #tpu.memory_space<hbm>> -> memref<100000x768xf32, #tpu.memory_space<hbm>>
    tpu.wait_indirect_dma semaphore(%arg13 : memref<!tpu.dma_semaphore, #tpu.memory_space<semaphore_mem>>) src(%dma_wait3A_582 : memref<100000x768xf32, #tpu.memory_space<hbm>>) dst(%arg8 : memref<32x768xf32, #tpu.memory_space<vmem>>)
    %add3A_583 = arith.constant 864 : i32
    %add3A_584 = arith.addi %mul3A_2, %add3A_583 : i32
    %dma_start3A_585 = arith.constant 0 : i32
    %dma_start3A_586 = tpu.memref_slice %arg4[%add3A_584, %dma_start3A_585] : memref<32768x768xf32, #tpu.memory_space<hbm>> -> memref<32x768xf32, #tpu.memory_space<hbm>>
    %dma_start3A_587 = arith.constant 0 : i32
    %dma_start3A_588 = tpu.memref_slice %arg4[%add3A_584, %dma_start3A_587] : memref<32768x768xf32, #tpu.memory_space<hbm>> -> memref<32x768xf32, #tpu.memory_space<hbm>>
    tpu.enqueue_dma source(%arg8 : memref<32x768xf32, #tpu.memory_space<vmem>>) target(%dma_start3A_588 : memref<32x768xf32, #tpu.memory_space<hbm>>) target_semaphore(%arg18 : memref<!tpu.dma_semaphore, #tpu.memory_space<semaphore_mem>>)
    %dma_wait3A_589 = arith.constant 0 : i32
    %dma_wait3A_590 = tpu.memref_slice %arg4[%add3A_544, %dma_wait3A_589] : memref<32768x768xf32, #tpu.memory_space<hbm>> -> memref<32x768xf32, #tpu.memory_space<hbm>>
    %dma_wait3A_591 = arith.constant 0 : i32
    %dma_wait3A_592 = tpu.memref_slice %arg4[%add3A_544, %dma_wait3A_591] : memref<32768x768xf32, #tpu.memory_space<hbm>> -> memref<32x768xf32, #tpu.memory_space<hbm>>
    tpu.wait_dma2 semaphore(%arg16 : memref<!tpu.dma_semaphore, #tpu.memory_space<semaphore_mem>>) src(%arg6 : memref<32x768xf32, #tpu.memory_space<vmem>>) dst(%dma_wait3A_592 : memref<32x768xf32, #tpu.memory_space<hbm>>)
    %dma_start3A_593 = arith.constant 960 : i32
    %dma_start3A_594 = tpu.memref_slice %arg5[%dma_start3A_593] : memref<1024xi32, #tpu.memory_space<vmem>> -> memref<32xi32, #tpu.memory_space<vmem>>
    %dma_start3A_595 = arith.constant 0 : i32
    %dma_start3A_596 = arith.constant 0 : i32
    %dma_start3A_597 = tpu.memref_slice %arg3[%dma_start3A_595, %dma_start3A_596] : memref<100000x768xf32, #tpu.memory_space<hbm>> -> memref<100000x768xf32, #tpu.memory_space<hbm>>
    tpu.enqueue_indirect_dma source(%dma_start3A_597 : memref<100000x768xf32, #tpu.memory_space<hbm>>) target(%arg6 : memref<32x768xf32, #tpu.memory_space<vmem>>) offsets(%dma_start3A_594 : memref<32xi32, #tpu.memory_space<vmem>>) semaphore(%arg11 : memref<!tpu.dma_semaphore, #tpu.memory_space<semaphore_mem>>)
    %dma_wait3A_598 = arith.constant 896 : i32
    %dma_wait3A_599 = tpu.memref_slice %arg5[%dma_wait3A_598] : memref<1024xi32, #tpu.memory_space<vmem>> -> memref<32xi32, #tpu.memory_space<vmem>>
    %dma_wait3A_600 = arith.constant 0 : i32
    %dma_wait3A_601 = arith.constant 0 : i32
    %dma_wait3A_602 = tpu.memref_slice %arg3[%dma_wait3A_600, %dma_wait3A_601] : memref<100000x768xf32, #tpu.memory_space<hbm>> -> memref<100000x768xf32, #tpu.memory_space<hbm>>
    tpu.wait_indirect_dma semaphore(%arg14 : memref<!tpu.dma_semaphore, #tpu.memory_space<semaphore_mem>>) src(%dma_wait3A_602 : memref<100000x768xf32, #tpu.memory_space<hbm>>) dst(%arg9 : memref<32x768xf32, #tpu.memory_space<vmem>>)
    %add3A_603 = arith.constant 896 : i32
    %add3A_604 = arith.addi %mul3A_2, %add3A_603 : i32
    %dma_start3A_605 = arith.constant 0 : i32
    %dma_start3A_606 = tpu.memref_slice %arg4[%add3A_604, %dma_start3A_605] : memref<32768x768xf32, #tpu.memory_space<hbm>> -> memref<32x768xf32, #tpu.memory_space<hbm>>
    %dma_start3A_607 = arith.constant 0 : i32
    %dma_start3A_608 = tpu.memref_slice %arg4[%add3A_604, %dma_start3A_607] : memref<32768x768xf32, #tpu.memory_space<hbm>> -> memref<32x768xf32, #tpu.memory_space<hbm>>
    tpu.enqueue_dma source(%arg9 : memref<32x768xf32, #tpu.memory_space<vmem>>) target(%dma_start3A_608 : memref<32x768xf32, #tpu.memory_space<hbm>>) target_semaphore(%arg19 : memref<!tpu.dma_semaphore, #tpu.memory_space<semaphore_mem>>)
    %dma_wait3A_609 = arith.constant 0 : i32
    %dma_wait3A_610 = tpu.memref_slice %arg4[%add3A_564, %dma_wait3A_609] : memref<32768x768xf32, #tpu.memory_space<hbm>> -> memref<32x768xf32, #tpu.memory_space<hbm>>
    %dma_wait3A_611 = arith.constant 0 : i32
    %dma_wait3A_612 = tpu.memref_slice %arg4[%add3A_564, %dma_wait3A_611] : memref<32768x768xf32, #tpu.memory_space<hbm>> -> memref<32x768xf32, #tpu.memory_space<hbm>>
    tpu.wait_dma2 semaphore(%arg17 : memref<!tpu.dma_semaphore, #tpu.memory_space<semaphore_mem>>) src(%arg7 : memref<32x768xf32, #tpu.memory_space<vmem>>) dst(%dma_wait3A_612 : memref<32x768xf32, #tpu.memory_space<hbm>>)
    %dma_start3A_613 = arith.constant 992 : i32
    %dma_start3A_614 = tpu.memref_slice %arg5[%dma_start3A_613] : memref<1024xi32, #tpu.memory_space<vmem>> -> memref<32xi32, #tpu.memory_space<vmem>>
    %dma_start3A_615 = arith.constant 0 : i32
    %dma_start3A_616 = arith.constant 0 : i32
    %dma_start3A_617 = tpu.memref_slice %arg3[%dma_start3A_615, %dma_start3A_616] : memref<100000x768xf32, #tpu.memory_space<hbm>> -> memref<100000x768xf32, #tpu.memory_space<hbm>>
    tpu.enqueue_indirect_dma source(%dma_start3A_617 : memref<100000x768xf32, #tpu.memory_space<hbm>>) target(%arg7 : memref<32x768xf32, #tpu.memory_space<vmem>>) offsets(%dma_start3A_614 : memref<32xi32, #tpu.memory_space<vmem>>) semaphore(%arg12 : memref<!tpu.dma_semaphore, #tpu.memory_space<semaphore_mem>>)
    %dma_wait3A_618 = arith.constant 928 : i32
    %dma_wait3A_619 = tpu.memref_slice %arg5[%dma_wait3A_618] : memref<1024xi32, #tpu.memory_space<vmem>> -> memref<32xi32, #tpu.memory_space<vmem>>
    %dma_wait3A_620 = arith.constant 0 : i32
    %dma_wait3A_621 = arith.constant 0 : i32
    %dma_wait3A_622 = tpu.memref_slice %arg3[%dma_wait3A_620, %dma_wait3A_621] : memref<100000x768xf32, #tpu.memory_space<hbm>> -> memref<100000x768xf32, #tpu.memory_space<hbm>>
    tpu.wait_indirect_dma semaphore(%arg15 : memref<!tpu.dma_semaphore, #tpu.memory_space<semaphore_mem>>) src(%dma_wait3A_622 : memref<100000x768xf32, #tpu.memory_space<hbm>>) dst(%arg10 : memref<32x768xf32, #tpu.memory_space<vmem>>)
    %add3A_623 = arith.constant 928 : i32
    %add3A_624 = arith.addi %mul3A_2, %add3A_623 : i32
    %dma_start3A_625 = arith.constant 0 : i32
    %dma_start3A_626 = tpu.memref_slice %arg4[%add3A_624, %dma_start3A_625] : memref<32768x768xf32, #tpu.memory_space<hbm>> -> memref<32x768xf32, #tpu.memory_space<hbm>>
    %dma_start3A_627 = arith.constant 0 : i32
    %dma_start3A_628 = tpu.memref_slice %arg4[%add3A_624, %dma_start3A_627] : memref<32768x768xf32, #tpu.memory_space<hbm>> -> memref<32x768xf32, #tpu.memory_space<hbm>>
    tpu.enqueue_dma source(%arg10 : memref<32x768xf32, #tpu.memory_space<vmem>>) target(%dma_start3A_628 : memref<32x768xf32, #tpu.memory_space<hbm>>) target_semaphore(%arg20 : memref<!tpu.dma_semaphore, #tpu.memory_space<semaphore_mem>>)
    %dma_wait3A_629 = arith.constant 960 : i32
    %dma_wait3A_630 = tpu.memref_slice %arg5[%dma_wait3A_629] : memref<1024xi32, #tpu.memory_space<vmem>> -> memref<32xi32, #tpu.memory_space<vmem>>
    %dma_wait3A_631 = arith.constant 0 : i32
    %dma_wait3A_632 = arith.constant 0 : i32
    %dma_wait3A_633 = tpu.memref_slice %arg3[%dma_wait3A_631, %dma_wait3A_632] : memref<100000x768xf32, #tpu.memory_space<hbm>> -> memref<100000x768xf32, #tpu.memory_space<hbm>>
    tpu.wait_indirect_dma semaphore(%arg11 : memref<!tpu.dma_semaphore, #tpu.memory_space<semaphore_mem>>) src(%dma_wait3A_633 : memref<100000x768xf32, #tpu.memory_space<hbm>>) dst(%arg6 : memref<32x768xf32, #tpu.memory_space<vmem>>)
    %add3A_634 = arith.constant 960 : i32
    %add3A_635 = arith.addi %mul3A_2, %add3A_634 : i32
    %dma_start3A_636 = arith.constant 0 : i32
    %dma_start3A_637 = tpu.memref_slice %arg4[%add3A_635, %dma_start3A_636] : memref<32768x768xf32, #tpu.memory_space<hbm>> -> memref<32x768xf32, #tpu.memory_space<hbm>>
    %dma_start3A_638 = arith.constant 0 : i32
    %dma_start3A_639 = tpu.memref_slice %arg4[%add3A_635, %dma_start3A_638] : memref<32768x768xf32, #tpu.memory_space<hbm>> -> memref<32x768xf32, #tpu.memory_space<hbm>>
    tpu.enqueue_dma source(%arg6 : memref<32x768xf32, #tpu.memory_space<vmem>>) target(%dma_start3A_639 : memref<32x768xf32, #tpu.memory_space<hbm>>) target_semaphore(%arg16 : memref<!tpu.dma_semaphore, #tpu.memory_space<semaphore_mem>>)
    %dma_wait3A_640 = arith.constant 992 : i32
    %dma_wait3A_641 = tpu.memref_slice %arg5[%dma_wait3A_640] : memref<1024xi32, #tpu.memory_space<vmem>> -> memref<32xi32, #tpu.memory_space<vmem>>
    %dma_wait3A_642 = arith.constant 0 : i32
    %dma_wait3A_643 = arith.constant 0 : i32
    %dma_wait3A_644 = tpu.memref_slice %arg3[%dma_wait3A_642, %dma_wait3A_643] : memref<100000x768xf32, #tpu.memory_space<hbm>> -> memref<100000x768xf32, #tpu.memory_space<hbm>>
    tpu.wait_indirect_dma semaphore(%arg12 : memref<!tpu.dma_semaphore, #tpu.memory_space<semaphore_mem>>) src(%dma_wait3A_644 : memref<100000x768xf32, #tpu.memory_space<hbm>>) dst(%arg7 : memref<32x768xf32, #tpu.memory_space<vmem>>)
    %add3A_645 = arith.constant 992 : i32
    %add3A_646 = arith.addi %mul3A_2, %add3A_645 : i32
    %dma_start3A_647 = arith.constant 0 : i32
    %dma_start3A_648 = tpu.memref_slice %arg4[%add3A_646, %dma_start3A_647] : memref<32768x768xf32, #tpu.memory_space<hbm>> -> memref<32x768xf32, #tpu.memory_space<hbm>>
    %dma_start3A_649 = arith.constant 0 : i32
    %dma_start3A_650 = tpu.memref_slice %arg4[%add3A_646, %dma_start3A_649] : memref<32768x768xf32, #tpu.memory_space<hbm>> -> memref<32x768xf32, #tpu.memory_space<hbm>>
    tpu.enqueue_dma source(%arg7 : memref<32x768xf32, #tpu.memory_space<vmem>>) target(%dma_start3A_650 : memref<32x768xf32, #tpu.memory_space<hbm>>) target_semaphore(%arg17 : memref<!tpu.dma_semaphore, #tpu.memory_space<semaphore_mem>>)
    %dma_wait3A_651 = arith.constant 0 : i32
    %dma_wait3A_652 = tpu.memref_slice %arg4[%add3A_635, %dma_wait3A_651] : memref<32768x768xf32, #tpu.memory_space<hbm>> -> memref<32x768xf32, #tpu.memory_space<hbm>>
    %dma_wait3A_653 = arith.constant 0 : i32
    %dma_wait3A_654 = tpu.memref_slice %arg4[%add3A_635, %dma_wait3A_653] : memref<32768x768xf32, #tpu.memory_space<hbm>> -> memref<32x768xf32, #tpu.memory_space<hbm>>
    tpu.wait_dma2 semaphore(%arg16 : memref<!tpu.dma_semaphore, #tpu.memory_space<semaphore_mem>>) src(%arg6 : memref<32x768xf32, #tpu.memory_space<vmem>>) dst(%dma_wait3A_654 : memref<32x768xf32, #tpu.memory_space<hbm>>)
    %dma_wait3A_655 = arith.constant 0 : i32
    %dma_wait3A_656 = tpu.memref_slice %arg4[%add3A_646, %dma_wait3A_655] : memref<32768x768xf32, #tpu.memory_space<hbm>> -> memref<32x768xf32, #tpu.memory_space<hbm>>
    %dma_wait3A_657 = arith.constant 0 : i32
    %dma_wait3A_658 = tpu.memref_slice %arg4[%add3A_646, %dma_wait3A_657] : memref<32768x768xf32, #tpu.memory_space<hbm>> -> memref<32x768xf32, #tpu.memory_space<hbm>>
    tpu.wait_dma2 semaphore(%arg17 : memref<!tpu.dma_semaphore, #tpu.memory_space<semaphore_mem>>) src(%arg7 : memref<32x768xf32, #tpu.memory_space<vmem>>) dst(%dma_wait3A_658 : memref<32x768xf32, #tpu.memory_space<hbm>>)
    %dma_wait3A_659 = arith.constant 0 : i32
    %dma_wait3A_660 = tpu.memref_slice %arg4[%add3A_584, %dma_wait3A_659] : memref<32768x768xf32, #tpu.memory_space<hbm>> -> memref<32x768xf32, #tpu.memory_space<hbm>>
    %dma_wait3A_661 = arith.constant 0 : i32
    %dma_wait3A_662 = tpu.memref_slice %arg4[%add3A_584, %dma_wait3A_661] : memref<32768x768xf32, #tpu.memory_space<hbm>> -> memref<32x768xf32, #tpu.memory_space<hbm>>
    tpu.wait_dma2 semaphore(%arg18 : memref<!tpu.dma_semaphore, #tpu.memory_space<semaphore_mem>>) src(%arg8 : memref<32x768xf32, #tpu.memory_space<vmem>>) dst(%dma_wait3A_662 : memref<32x768xf32, #tpu.memory_space<hbm>>)
    %dma_wait3A_663 = arith.constant 0 : i32
    %dma_wait3A_664 = tpu.memref_slice %arg4[%add3A_604, %dma_wait3A_663] : memref<32768x768xf32, #tpu.memory_space<hbm>> -> memref<32x768xf32, #tpu.memory_space<hbm>>
    %dma_wait3A_665 = arith.constant 0 : i32
    %dma_wait3A_666 = tpu.memref_slice %arg4[%add3A_604, %dma_wait3A_665] : memref<32768x768xf32, #tpu.memory_space<hbm>> -> memref<32x768xf32, #tpu.memory_space<hbm>>
    tpu.wait_dma2 semaphore(%arg19 : memref<!tpu.dma_semaphore, #tpu.memory_space<semaphore_mem>>) src(%arg9 : memref<32x768xf32, #tpu.memory_space<vmem>>) dst(%dma_wait3A_666 : memref<32x768xf32, #tpu.memory_space<hbm>>)
    %dma_wait3A_667 = arith.constant 0 : i32
    %dma_wait3A_668 = tpu.memref_slice %arg4[%add3A_624, %dma_wait3A_667] : memref<32768x768xf32, #tpu.memory_space<hbm>> -> memref<32x768xf32, #tpu.memory_space<hbm>>
    %dma_wait3A_669 = arith.constant 0 : i32
    %dma_wait3A_670 = tpu.memref_slice %arg4[%add3A_624, %dma_wait3A_669] : memref<32768x768xf32, #tpu.memory_space<hbm>> -> memref<32x768xf32, #tpu.memory_space<hbm>>
    tpu.wait_dma2 semaphore(%arg20 : memref<!tpu.dma_semaphore, #tpu.memory_space<semaphore_mem>>) src(%arg10 : memref<32x768xf32, #tpu.memory_space<vmem>>) dst(%dma_wait3A_670 : memref<32x768xf32, #tpu.memory_space<hbm>>)
    return
  }
}

</mosaic_0001>

<sc_bundles>
// kernel: kernel.3.cloned.1.call-start
scs
__scs_entry_jumppad:
0x0: {  	(pc) =	sbr.rel $0x88, $3  }
0x1: {  	(tag) =	ssettag $0x0;
	lr =	simm.s32 $0x1  }
0x2: {  	[smem:$0x3F9F] =	sst lr;
	_ =	strace $0xD0000000  }
0x3: {  	_ = 	snop  }
0x4: {  	_ = 	snop  }
0x5: {  	_ = 	snop  }
0x6: {  	_ = 	snop  }
0x7: {  	_ = 	snop  }
__scs_overlays_trampoline_lowered:
0x8: {  	[smem:$0x3FAE] =	sst s0  }
0x9: {  	[smem:$0x3FAF] =	sst s1  }
0xa: {  	[smem:$0x3FB0] =	sst s2  }
0xb: {  	[smem:$0x3FB1] =	sst s3  }
0xc: {  	[smem:$0x3FB2] =	sst s4  }
0xd: {  	[smem:$0x3FB3] =	sst s5  }
0xe: {  	[smem:$0x3FB4] =	sst s6  }
0xf: {  	[smem:$0x3FB5] =	sst s7  }
0x10: {  	[smem:$0x3FB6] =	sst s8  }
0x11: {  	[smem:$0x3FB7] =	sst s9;
	s0 =	simm.s32 @!p0 $0x0  }
0x12: {  	s1 =	sld [smem:$0x3F9D];
	s0 =	simm.s32 @p0 $0x1  }
0x13: {  	[smem:$0x3FB8] =	sst s0;
	s0 =	simm.s32 @!p1 $0x0  }
0x14: {  	s2 =	sld [smem:$0x3F9C];
	s0 =	simm.s32 @p1 $0x1  }
0x15: {  	[smem:$0x3FB9] =	sst s0;
	s0 =	simm.s32 @!p2 $0x0  }
0x16: {  	s3 =	sld [smem:$0x3FDB];
	s0 =	simm.s32 @p2 $0x1  }
0x17: {  	s4 =	simm.s32 $0x1BF5;
	[smem:$0x3FBB] =	sst s0  }
0x18: {  	s0 =	sld [smem:$0x3F9E];
	_ =	swait.ge [sflag:s4], $0x0  }
0x19: {  	s7 =	sld [smem:$0x3F9F]  }
0x1a: {  	s8 =	sadd.s32 $0xFFFFE003, lr  }
0x1b: {  	s9 =	sadd.s32 $0xFFFFFEF7, lr;
	s5 =	simm.s32 $0xFFFFFFFF;
	p2 =	slt.u32 s8, $0xFFFFF086  }
0x1c: {  	p1 =	slt.u32 s9, $0xF7A;
	s5 =	simm.s32 @!p2 $0x0  }
0x1d: {  	s5 =	simm.s32 @p1 $0x1;
	p0 =	seq.s32 s7, s2  }
0x1e: {  	s7 =	smul.u32 @!p0 $0xF7A, s2;
	p2 =	seq.s32 @!p0 s5, $0x0  }
0x1f: {  	s9 =	smul.u32 $0xF7A, s1;
	s8 =	simm.s32 @!p0 $0x1BF5;
	p2 =	por !p2, p0  }
0x20: {  	[sflag:s8] =	ssyncset.s32 @!p0 $0xFFFFF086;
	s6 =	sadd.s32 @!p0 s3, s7;
	s7 =	simm.s32 @!p0 $0x108  }
0x21: {  	s3 =	sadd.s32 s3, s9;
	s6 =	sadd.s32 @!p0 $0x88, s6;
	s7 =	simm.s32 @p2 $0x1082  }
0x22: {  	[simem:s7], [sflag:s8] =	dma.local @!p0 [hbm:s6], $0xF7A  }
0x23: {  	s9 =	sor.u32 $0xD0000000, s2;
	s6 =	simm.s32 $0x108;
	_ =	swait.ge @!p0 [sflag:s8], $0x0  }
0x24: {  	s3 =	sadd.s32 $0x88, s3;
	s6 =	simm.s32 @!p1 $0x1082;
	[sflag:s4] =	ssyncset.s32 $0xFFFFF086  }
0x25: {  	[simem:s6], [sflag:s4] =	dma.local [hbm:s3], $0xF7A  }
0x26: {  	[smem:$0x3F9F] =	sst s1;
	(tag) =	ssettag s2;
	_ =	strace s9  }
0x27: {  	s1 =	sld [smem:$0x3FAF]  }
0x28: {  	s2 =	sld [smem:$0x3FB0]  }
0x29: {  	s4 =	sld [smem:$0x3FB2]  }
0x2a: {  	p0 =	seq.s32 s5, $0x0;
	s5 =	sld [smem:$0x3FB3]  }
0x2b: {  	s6 =	sld [smem:$0x3FB4]  }
0x2c: {  	s7 =	sld [smem:$0x3FB5]  }
0x2d: {  	s3 =	simm.s32 $0x108;
	s8 =	sld [smem:$0x3FB6]  }
0x2e: {  	s3 =	simm.s32 @!p0 $0x1082;
	s9 =	sld [smem:$0x3FB7]  }
0x2f: {  	lr =	sadd.s32 s0, s3;
	s0 =	sld [smem:$0x3FAE]  }
0x30: {  	s3 =	sld [smem:$0x3FB1]  }
0x31: {  	[smem:$0x3FBA] =	sst s10  }
0x32: {  	s10 =	sld [smem:$0x3FB8];
	_ =	sdelay $0x3  }
0x33: {  	p0 =	seq.s32 s10, $0x1;
	s10 =	sld [smem:$0x3FBA];
	_ =	sdelay $0x3  }
0x34: {  	[smem:$0x3FBA] =	sst s10  }
0x35: {  	s10 =	sld [smem:$0x3FB9];
	_ =	sdelay $0x3  }
0x36: {  	p1 =	seq.s32 s10, $0x1;
	s10 =	sld [smem:$0x3FBA];
	_ =	sdelay $0x3  }
0x37: {  	[smem:$0x3FBA] =	sst s10  }
0x38: {  	s10 =	sld [smem:$0x3FBB]  }
0x39: {  	_ = 	snop;
	(pc) =	sbr.ind lr, $3  }
0x3a: {  	_ = 	snop  }
0x3b: {  	_ = 	snop  }
0x3c: {  	p2 =	seq.s32 s10, $0x1;
	s10 =	sld [smem:$0x3FBA]  }
0x3d: {  	_ =	shalt  }
0x3e: {  	_ =	shalt  }
0x3f: {  	_ =	shalt  }
0x40: {  	_ =	shalt  }
0x41: {  	_ =	shalt  }
0x42: {  	_ =	shalt  }
0x43: {  	_ =	shalt  }
0x44: {  	_ =	shalt  }
0x45: {  	_ =	shalt  }
0x46: {  	_ =	shalt  }
0x47: {  	_ =	shalt  }
0x48: {  	_ =	shalt  }
0x49: {  	_ =	shalt  }
0x4a: {  	_ =	shalt  }
0x4b: {  	_ =	shalt  }
0x4c: {  	_ =	shalt  }
0x4d: {  	_ =	shalt  }
0x4e: {  	_ =	shalt  }
0x4f: {  	_ =	shalt  }
0x50: {  	_ =	shalt  }
0x51: {  	_ =	shalt  }
0x52: {  	_ =	shalt  }
0x53: {  	_ =	shalt  }
0x54: {  	_ =	shalt  }
0x55: {  	_ =	shalt  }
0x56: {  	_ =	shalt  }
0x57: {  	_ =	shalt  }
0x58: {  	_ =	shalt  }
0x59: {  	_ =	shalt  }
0x5a: {  	_ =	shalt  }
0x5b: {  	_ =	shalt  }
0x5c: {  	_ =	shalt  }
0x5d: {  	_ =	shalt  }
0x5e: {  	_ =	shalt  }
0x5f: {  	_ =	shalt  }
0x60: {  	_ =	shalt  }
0x61: {  	_ =	shalt  }
0x62: {  	_ =	shalt  }
0x63: {  	_ =	shalt  }
0x64: {  	_ =	shalt  }
0x65: {  	_ =	shalt  }
0x66: {  	_ =	shalt  }
0x67: {  	_ =	shalt  }
0x68: {  	_ =	shalt  }
0x69: {  	_ =	shalt  }
0x6a: {  	_ =	shalt  }
0x6b: {  	_ =	shalt  }
0x6c: {  	_ =	shalt  }
0x6d: {  	_ =	shalt  }
0x6e: {  	_ =	shalt  }
0x6f: {  	_ =	shalt  }
0x70: {  	_ =	shalt  }
0x71: {  	_ =	shalt  }
0x72: {  	_ =	shalt  }
0x73: {  	_ =	shalt  }
0x74: {  	_ =	shalt  }
0x75: {  	_ =	shalt  }
0x76: {  	_ =	shalt  }
0x77: {  	_ =	shalt  }
0x78: {  	_ =	shalt  }
0x79: {  	_ =	shalt  }
0x7a: {  	_ =	shalt  }
0x7b: {  	_ =	shalt  }
0x7c: {  	_ =	shalt  }
0x7d: {  	_ =	shalt  }
0x7e: {  	_ =	shalt  }
0x7f: {  	_ =	shalt  }
0x80: {  	_ =	shalt  }
0x81: {  	_ =	shalt  }
0x82: {  	_ =	shalt  }
0x83: {  	_ =	shalt  }
0x84: {  	_ =	shalt  }
0x85: {  	_ =	shalt  }
0x86: {  	_ =	shalt  }
0x87: {  	_ =	shalt  }
.Lfunc_end0:
.L_simem_size_0:
called_computation_lowered:
.L_overlay_start_0:
0x88: {  	s2 =	sld [smem:$0x3FD9]  }
0x89: {  	s3 =	sld [smem:$0x3FFE];
	_ =	sdelay $0x1  }
0x8a: {  	s1 =	srdreg.scid  }
0x8b: {  	s0 =	sand.u32 $0x1, s1  }
0x8c: {  	s18 =	sshll.u32 s0, $0xA;
	s2 =	sadd.s32 s3, s2  }
0x8d: {  	s2 =	sadd.s32 s2, s18  }
0x8e: {  	[smem:$0x3FC6] =	sst s2  }
0x8f: {  	_ = 	snop  }
0x90: {  	s2 =	sld [smem:$0x3FC9]  }
0x91: {  	s19 =	sld [smem:$0x3FC8]  }
0x92: {  	s4 =	sld [smem:$0x3FD0];
	(tm) =	ssettm $0x1  }
0x93: {  	s5 =	sld [smem:$0x3FFB];
	_ =	sdelay $0x3  }
0x94: {  	_ =	strace s5  }
0x95: {  	s5 =	sld [smem:$0x3FFC];
	_ =	sdelay $0x3  }
0x96: {  	_ =	strace s5  }
0x97: {  	s5 =	sld [smem:$0x3FFD];
	_ =	sdelay $0x3  }
0x98: {  	_ =	strace s5  }
0x99: {  	_ =	strace $0x8FFFFFFF  }
0x9a: {  	s20 =	sld [smem:$0x3FDB];
	_ =	sdelay $0x1  }
0x9b: {  	s6 =	simm.s32 $_scs_section_size  }
0x9c: {  	s7 =	simm.s32 $_size__tile_overlayer_lowered;
	s8 =	simm.s32 $_tile_overlayer_lowered  }
0x9d: {  	s23 =	simm.s32 $0x1BFF;
	s22 =	sshll.u32 s8, $0x1;
	s5 =	sadd.s32 s6, s20  }
0x9e: {  	s9 =	simm.s32 $0x0;
	s21 =	sshll.u32 s7, $0x1;
	s7 =	sadd.s32 s22, s5  }
0x9f: {  	[timem:s9], [sflag:s23] =	dma.local [hbm:s7], s21  }
0xa0: {  	_ =	swait.ge [sflag:s23], s21  }
0xa1: {  	s6 =	ssub.s32 $0x0, s21;
	[sflag:s23] =	ssyncset.done $0x0  }
0xa2: {  	[sflag:s23] =	ssyncadd.s32 s6;
	_ =	sdelay $0x1  }
0xa3: {  	s24 =	simm.s32 $0x1B8B  }
0xa4: {  	_ =	swait.ge [sflag:s24], $0x1  }
0xa5: {  	[sflag:s24] =	ssyncset.done $0x0  }
0xa6: {  	s25 =	simm.s32 $0x1B8E;
	[sflag:s24] =	ssyncadd.s32 $0xFFFFFFFF  }
0xa7: {  	s26 =	simm.s32 $execute0_lowered;
	[smem:$0x3FD2] =	sst s25  }
0xa8: {  	s6 =	sshll.u32 s26, $0x1;
	_ =	strace $0x80000046;
	[dreg:$0x1] =	wrdreg $0xFFFFFFFF  }
0xa9: {  	s28 =	simm.s32 $_size_execute0_lowered;
	s5 =	sadd.s32 s5, s6;
	[dreg:$0x0] =	wrdreg $0x0  }
0xaa: {  	s6 =	sshll.u32 s28, $0x1;
	[dreg:$0x2] =	wrdreg s5  }
0xab: {  	[dreg:$0x3] =	wrdreg s6  }
0xac: {  	[dreg:$0x4] =	wrdreg $0xC0  }
0xad: {  	_ =	task [dreg:s9], $0x5FFFF  }
0xae: {  	[dreg:$0x1] =	wrdreg $0xFFFFFFFF  }
0xaf: {  	[dreg:$0x0] =	wrdreg $0x60  }
0xb0: {  	[dreg:$0x2] =	wrdreg s2  }
0xb1: {  	[dreg:$0x3] =	wrdreg s19  }
0xb2: {  	[dreg:$0x4] =	wrdreg s4  }
0xb3: {  	[dreg:$0x5] =	wrdreg $0x9  }
0xb4: {  	_ =	task.clear_ibuf [dreg:s9], $0x6FFFF;
	_ =	strace $0x90000046  }
0xb5: {  	s29 =	simm.s32 $0x9;
	_ =	strace $0x80000048  }
0xb6: {  	_ =	swait.ge [sflag:s29], $0x1  }
0xb7: {  	[sflag:s29] =	ssyncadd.s32 $0xFFFFFFFF  }
0xb8: {  	_ =	strace $0x90000048  }
0xb9: {  	_ =	sfence  }
0xba: {  	s30 =	sld [smem:$0x0];
	_ =	sdelay $0x2  }
0xbb: {  	s31 =	sshll.u32 s1, $0xD;
	s1 =	sshrl.u32 s1, $0x2  }
0xbc: {  	s3 =	sand.u32 $0x4000, s31;
	s1 =	sadd.s32 s1, s30  }
0xbd: {  	s0 =	sor.u32 s3, s0;
	s1 =	sshll.u32 s1, $0x11  }
0xbe: {  	s0 =	sor.u32 s1, s0  }
0xbf: {  	s0 =	sadd.s32 $0x8F2B, s0  }
0xc0: {  	[sflag:s0] =	ssyncadd.remote.s32 $0x1  }
0xc1: {  	_ =	sfence.sel $0xFFFF  }
0xc2: {  	[dreg:$0x0] =	wrdreg $0xFFFFFFFF;
	(pc) =	sbr.abs _section_cstart, $3  }
0xc3: {  	[dreg:$0x1] =	wrdreg $0xFFFFFFFF  }
0xc4: {  	_ =	task.clear_ibuf [dreg:s9], $0x2FFFF;
	_ =	strace $0x9FFFFFFF  }
0xc5: {  	(tm) =	ssettm $0x7FFFFFFF  }
tec
execute0_lowered:
.L_overlay_start_1:
0x0: {  	(tag) =	ssettag $0x1  }
0x1: {  	s0 =	srdreg.scid  }
0x2: {  	s6 =	stileid.u32;
	s0 =	sand.u32 $0x1, s0  }
0x3: {  	s3 =	sshll.u32 s6, $0xB;
	s4 =	sshll.u32 s0, $0xA  }
0x4: {  	s1 =	rddreg [dreg:$0x0];
	s3 =	sor.u32 s4, s3  }
0x5: {  	s6 =	sshll.u32 s6, $0x5;
	s5 =	sshll.u32 s3, $0x2;
	s18 =	sshrl.u32 s3, $0x3  }
0x6: {  	s2 =	rddreg [dreg:$0x1];
	s5 =	sor.u32 s6, s5;
	s7 =	smul.u32 $0x300, s18  }
0x7: {  	s17 =	rddreg [dreg:$0x2];
	s3 =	simm.s32 $0x0;
	s5 =	sand.u32 $0x7180, s5  }
0x8: {  	[smem:$0x7FF] =	sst s3;
	s5 =	sshrl.u32 s5, $0x3;
	s7 =	sadd.s32 s17, s7  }
0x9: {  	_ =	strace $0x80000047;
	s1 =	sadd.s32 s1, s5;
	[smem:$0x7F7] =	sst s7  }
0xa: {  	s19 =	sadd.s32 $0xC00, s7;
	[dreg:$0x4] =	wrdreg s1  }
0xb: {  	s20 =	sadd.s32 $0x1800, s7;
	[dreg:$0x5] =	wrdreg s19  }
0xc: {  	s21 =	sadd.s32 $0x2400, s7;
	[dreg:$0x6] =	wrdreg s20  }
0xd: {  	s22 =	sadd.s32 $0x3000, s7;
	[dreg:$0x7] =	wrdreg s21  }
0xe: {  	s23 =	sadd.s32 $0x3C00, s7;
	[dreg:$0x8] =	wrdreg s22  }
0xf: {  	s24 =	sadd.s32 $0x4800, s7;
	[dreg:$0x9] =	wrdreg s23  }
0x10: {  	s25 =	sadd.s32 $0x5400, s7;
	[dreg:$0xa] =	wrdreg s24  }
0x11: {  	s29 =	sadd.s32 $0x6000, s7;
	[dreg:$0xb] =	wrdreg s25  }
0x12: {  	s26 =	smul.u32 $0x1800, s18;
	s30 =	sadd.s32 $0x6C00, s7;
	[dreg:$0xc] =	wrdreg s29  }
0x13: {  	s31 =	sadd.s32 $0x7800, s7;
	[dreg:$0xd] =	wrdreg s30  }
0x14: {  	s5 =	sshrl.u32 s26, $0x3;
	[dreg:$0xe] =	wrdreg s31;
	s30 =	simm.s32 $0x80  }
0x15: {  	s4 =	sadd.s32 s17, s5;
	s31 =	simm.s32 $0x200;
	[smem:$0x7FC] =	sst s30  }
0x16: {  	s6 =	sadd.s32 $0x8400, s4;
	[smem:$0x7FD] =	sst s31  }
0x17: {  	s7 =	sadd.s32 $0x9000, s4;
	[dreg:$0xf] =	wrdreg s6  }
0x18: {  	s8 =	sadd.s32 $0x9C00, s4;
	[dreg:$0x10] =	wrdreg s7  }
0x19: {  	s9 =	sadd.s32 $0xA800, s4;
	[dreg:$0x11] =	wrdreg s8  }
0x1a: {  	s10 =	sadd.s32 $0xB400, s4;
	[dreg:$0x12] =	wrdreg s9  }
0x1b: {  	s11 =	sadd.s32 $0xC000, s4;
	[dreg:$0x13] =	wrdreg s10  }
0x1c: {  	s12 =	sadd.s32 $0xCC00, s4;
	[dreg:$0x14] =	wrdreg s11  }
0x1d: {  	s13 =	sadd.s32 $0xD800, s4;
	[dreg:$0x15] =	wrdreg s12  }
0x1e: {  	s14 =	sadd.s32 $0xE400, s4;
	[dreg:$0x16] =	wrdreg s13  }
0x1f: {  	s15 =	sadd.s32 $0xF000, s4;
	[dreg:$0x17] =	wrdreg s14  }
0x20: {  	s16 =	sadd.s32 $0xFC00, s4;
	[dreg:$0x18] =	wrdreg s15  }
0x21: {  	s17 =	sadd.s32 $0x10800, s4;
	[dreg:$0x19] =	wrdreg s16  }
0x22: {  	s18 =	sadd.s32 $0x11400, s4;
	[dreg:$0x1a] =	wrdreg s17  }
0x23: {  	s19 =	sadd.s32 $0x12000, s4;
	[dreg:$0x1b] =	wrdreg s18  }
0x24: {  	s20 =	sadd.s32 $0x12C00, s4;
	[dreg:$0x1c] =	wrdreg s19  }
0x25: {  	s21 =	sadd.s32 $0x13800, s4;
	[dreg:$0x1d] =	wrdreg s20  }
0x26: {  	s28 =	simm.s32 $0x3;
	s22 =	sadd.s32 $0x14400, s4;
	[dreg:$0x1e] =	wrdreg s21  }
0x27: {  	s0 =	ssub.s32 $0x2, s0;
	s23 =	sadd.s32 $0x15000, s4;
	[dreg:$0x1f] =	wrdreg s22  }
0x28: {  	s24 =	sshrl.u32 s0, $0x1;
	s25 =	sadd.s32 $0x15C00, s4;
	[smem:$0x7F8] =	sst s23  }
0x29: {  	s5 =	sadd.s32 $0x100, s2;
	s26 =	sadd.s32 $0x16800, s4;
	[smem:$0x7F9] =	sst s25  }
0x2a: {  	s0 =	ssub.s32 s0, s24;
	s29 =	sadd.s32 $0x17400, s4;
	[smem:$0x7FA] =	sst s26  }
0x2b: {  	s6 =	sadd.s32 $0x200, s2;
	[smem:$0x7FB] =	sst s29;
	s4 =	smax.u32 s0, $0x1  }
0x2c: {  	v2 =	vlaneseq.u32;
	s8 =	simm.s32 $0x1;
	s11 =	simm.s32 $0x2;
	s14 =	simm.s32 $0x6  }
0x2d: {  	vm0 =	vmmov $0xffff;
	v1 =	vshrl.u32 v2, $0x3;
	s15 =	simm.s32 $0x4;
	s16 =	simm.s32 $0x7;
	s17 =	simm.s32 $0x5  }
0x2e: {  	v0 =	vand.u32 $0x7, v2;
	v2 =	vor.u32 $0x8, v2;
	v1 =	vmul.u32 $0x8, v1;
	s18 =	simm.s32 $0x8;
	s19 =	simm.s32 $0x9;
	s20 =	simm.s32 $0xA  }
.LBB2_1:
0x2f: {  	s23 =	sld [smem:$0x7FC]  }
0x30: {  	s24 =	sld [smem:$0x7FD]  }
0x31: {  	[smem:$0x7F6] =	sst s4  }
0x32: {  	s22 =	rddreg [dreg:$0x4];
	s26 =	simm.s32 $0xB  }
0x33: {  	[tilespmem:s3], [sflag:$0xB] =	stream.strided.gather [hbm4b:s22+s23], $0x400, s24, s23, $0x38;
	[tilespmem:$0x1E400] =	vst v63  }
0x34: {  	_ =	swait.ge [sflag:s26], $0x400  }
0x35: {  	[sflag:s26] =	ssyncset.done $0x0  }
0x36: {  	[sflag:s26] =	ssyncadd.s32 $0xFFFFFC00  }
0x37: {  	v3 =	vld [tilespmem:$0x0];
	_ =	sdelay $0x4  }
0x38: {  	v4 =	vshrl.u32 v3, $0x3  }
0x39: {  	v4 =	vmul.u32 $0x30, v4  }
0x3a: {  	v3 =	vand.u32 $0x7, v3  }
0x3b: {  	v3 =	vor.u32 v3, v4  }
0x3c: {  	v4 =	vperm.xlane v3, v0;
	_ =	sdelay $0x1  }
0x3d: {  	v4 =	vadd.s32 v1, v4;
	_ =	sdelay $0x3  }
0x3e: {  	s0 =	simm.s32 $0x400;
	v3 =	vperm.xlane v3, v2  }
0x3f: {  	[tilespmem:s0], [sflag:$0x1] =	stream.indirect_vreg.gather [hbm4b:s2+s3], $0x80, v4, vm0, $0xb8;
	[tilespmem:$0x1E400] =	vst v63  }
0x40: {  	s29 =	simm.s32 $0xC00;
	v3 =	vadd.s32 v1, v3  }
0x41: {  	[tilespmem:s29], [sflag:$0x1] =	stream.indirect_vreg.gather [hbm4b:s5+s3], $0x80, v4, vm0, $0xb8;
	[tilespmem:$0x1E400] =	vst v63  }
0x42: {  	s30 =	simm.s32 $0x1400  }
0x43: {  	[tilespmem:s30], [sflag:$0x1] =	stream.indirect_vreg.gather [hbm4b:s6+s3], $0x80, v4, vm0, $0xb8;
	[tilespmem:$0x1E400] =	vst v63  }
0x44: {  	s31 =	simm.s32 $0x1C00  }
0x45: {  	[tilespmem:s31], [sflag:$0x1] =	stream.indirect_vreg.gather [hbm4b:s2+s3], $0x80, v3, vm0, $0xb8;
	[tilespmem:$0x1E400] =	vst v63  }
0x46: {  	s1 =	simm.s32 $0x2400  }
0x47: {  	[tilespmem:s1], [sflag:$0x1] =	stream.indirect_vreg.gather [hbm4b:s5+s3], $0x80, v3, vm0, $0xb8;
	[tilespmem:$0x1E400] =	vst v63  }
0x48: {  	s4 =	simm.s32 $0x2C00  }
0x49: {  	[tilespmem:s4], [sflag:$0x1] =	stream.indirect_vreg.gather [hbm4b:s6+s3], $0x80, v3, vm0, $0xb8;
	[tilespmem:$0x1E400] =	vst v63  }
0x4a: {  	v3 =	vld [tilespmem:$0x10];
	_ =	sdelay $0x4  }
0x4b: {  	v57 =	vshrl.u32 v3, $0x3  }
0x4c: {  	v4 =	vmul.u32 $0x30, v57  }
0x4d: {  	v3 =	vand.u32 $0x7, v3  }
0x4e: {  	v3 =	vor.u32 v3, v4  }
0x4f: {  	v4 =	vperm.xlane v3, v0;
	_ =	sdelay $0x1  }
0x50: {  	v4 =	vadd.s32 v1, v4;
	_ =	sdelay $0x3  }
0x51: {  	s9 =	simm.s32 $0x3400;
	v3 =	vperm.xlane v3, v2  }
0x52: {  	[tilespmem:s9], [sflag:$0x1] =	stream.indirect_vreg.gather [hbm4b:s2+s3], $0x80, v4, vm0, $0xb8;
	[tilespmem:$0x1E400] =	vst v63  }
0x53: {  	s10 =	simm.s32 $0x3C00;
	v3 =	vadd.s32 v1, v3  }
0x54: {  	[tilespmem:s10], [sflag:$0x1] =	stream.indirect_vreg.gather [hbm4b:s5+s3], $0x80, v4, vm0, $0xb8;
	[tilespmem:$0x1E400] =	vst v63  }
0x55: {  	s12 =	simm.s32 $0x4400  }
0x56: {  	[tilespmem:s12], [sflag:$0x1] =	stream.indirect_vreg.gather [hbm4b:s6+s3], $0x80, v4, vm0, $0xb8;
	[tilespmem:$0x1E400] =	vst v63  }
0x57: {  	s13 =	simm.s32 $0x4C00  }
0x58: {  	[tilespmem:s13], [sflag:$0x1] =	stream.indirect_vreg.gather [hbm4b:s2+s3], $0x80, v3, vm0, $0xb8;
	[tilespmem:$0x1E400] =	vst v63  }
0x59: {  	s21 =	simm.s32 $0x5400  }
0x5a: {  	[tilespmem:s21], [sflag:$0x1] =	stream.indirect_vreg.gather [hbm4b:s5+s3], $0x80, v3, vm0, $0xb8;
	[tilespmem:$0x1E400] =	vst v63  }
0x5b: {  	s22 =	simm.s32 $0x5C00  }
0x5c: {  	[tilespmem:s22], [sflag:$0x1] =	stream.indirect_vreg.gather [hbm4b:s6+s3], $0x80, v3, vm0, $0xb8;
	[tilespmem:$0x1E400] =	vst v63  }
0x5d: {  	v3 =	vld [tilespmem:$0x20];
	_ =	sdelay $0x4  }
0x5e: {  	v58 =	vshrl.u32 v3, $0x3  }
0x5f: {  	v4 =	vmul.u32 $0x30, v58  }
0x60: {  	v3 =	vand.u32 $0x7, v3  }
0x61: {  	v3 =	vor.u32 v3, v4  }
0x62: {  	v4 =	vperm.xlane v3, v0;
	_ =	sdelay $0x1  }
0x63: {  	v4 =	vadd.s32 v1, v4;
	_ =	sdelay $0x3  }
0x64: {  	s23 =	simm.s32 $0x6400;
	v3 =	vperm.xlane v3, v2  }
0x65: {  	[tilespmem:s23], [sflag:$0x2] =	stream.indirect_vreg.gather [hbm4b:s2+s3], $0x80, v4, vm0, $0xb8;
	[tilespmem:$0x1E400] =	vst v63  }
0x66: {  	s24 =	simm.s32 $0x6C00;
	v3 =	vadd.s32 v1, v3  }
0x67: {  	[tilespmem:s24], [sflag:$0x2] =	stream.indirect_vreg.gather [hbm4b:s5+s3], $0x80, v4, vm0, $0xb8;
	[tilespmem:$0x1E400] =	vst v63  }
0x68: {  	s25 =	simm.s32 $0x7400  }
0x69: {  	[tilespmem:s25], [sflag:$0x2] =	stream.indirect_vreg.gather [hbm4b:s6+s3], $0x80, v4, vm0, $0xb8;
	[tilespmem:$0x1E400] =	vst v63  }
0x6a: {  	s26 =	simm.s32 $0x7C00  }
0x6b: {  	[tilespmem:s26], [sflag:$0x2] =	stream.indirect_vreg.gather [hbm4b:s2+s3], $0x80, v3, vm0, $0xb8;
	[tilespmem:$0x1E400] =	vst v63  }
0x6c: {  	s30 =	simm.s32 $0x8400  }
0x6d: {  	[tilespmem:s30], [sflag:$0x2] =	stream.indirect_vreg.gather [hbm4b:s5+s3], $0x80, v3, vm0, $0xb8;
	[tilespmem:$0x1E400] =	vst v63  }
0x6e: {  	s31 =	simm.s32 $0x8C00  }
0x6f: {  	[tilespmem:s31], [sflag:$0x2] =	stream.indirect_vreg.gather [hbm4b:s6+s3], $0x80, v3, vm0, $0xb8;
	[tilespmem:$0x1E400] =	vst v63  }
0x70: {  	v3 =	vld [tilespmem:$0x30];
	_ =	sdelay $0x4  }
0x71: {  	v59 =	vshrl.u32 v3, $0x3  }
0x72: {  	v4 =	vmul.u32 $0x30, v59  }
0x73: {  	v3 =	vand.u32 $0x7, v3  }
0x74: {  	v3 =	vor.u32 v3, v4  }
0x75: {  	v4 =	vperm.xlane v3, v0;
	_ =	sdelay $0x1  }
0x76: {  	v4 =	vadd.s32 v1, v4;
	_ =	sdelay $0x3  }
0x77: {  	s1 =	simm.s32 $0x9400;
	v3 =	vperm.xlane v3, v2  }
0x78: {  	[tilespmem:s1], [sflag:$0x2] =	stream.indirect_vreg.gather [hbm4b:s2+s3], $0x80, v4, vm0, $0xb8;
	[tilespmem:$0x1E400] =	vst v63  }
0x79: {  	s10 =	simm.s32 $0x9C00;
	v3 =	vadd.s32 v1, v3  }
0x7a: {  	[tilespmem:s10], [sflag:$0x2] =	stream.indirect_vreg.gather [hbm4b:s5+s3], $0x80, v4, vm0, $0xb8;
	[tilespmem:$0x1E400] =	vst v63  }
0x7b: {  	s12 =	simm.s32 $0xA400  }
0x7c: {  	[tilespmem:s12], [sflag:$0x2] =	stream.indirect_vreg.gather [hbm4b:s6+s3], $0x80, v4, vm0, $0xb8;
	[tilespmem:$0x1E400] =	vst v63  }
0x7d: {  	s13 =	simm.s32 $0xAC00  }
0x7e: {  	[tilespmem:s13], [sflag:$0x2] =	stream.indirect_vreg.gather [hbm4b:s2+s3], $0x80, v3, vm0, $0xb8;
	[tilespmem:$0x1E400] =	vst v63  }
0x7f: {  	s21 =	simm.s32 $0xB400  }
0x80: {  	[tilespmem:s21], [sflag:$0x2] =	stream.indirect_vreg.gather [hbm4b:s5+s3], $0x80, v3, vm0, $0xb8;
	[tilespmem:$0x1E400] =	vst v63  }
0x81: {  	s22 =	simm.s32 $0xBC00  }
0x82: {  	[tilespmem:s22], [sflag:$0x2] =	stream.indirect_vreg.gather [hbm4b:s6+s3], $0x80, v3, vm0, $0xb8;
	[tilespmem:$0x1E400] =	vst v63  }
0x83: {  	v3 =	vld [tilespmem:$0x40];
	_ =	sdelay $0x4  }
0x84: {  	v60 =	vshrl.u32 v3, $0x3  }
0x85: {  	v4 =	vmul.u32 $0x30, v60  }
0x86: {  	v3 =	vand.u32 $0x7, v3  }
0x87: {  	v3 =	vor.u32 v3, v4  }
0x88: {  	v4 =	vperm.xlane v3, v0;
	_ =	sdelay $0x1  }
0x89: {  	v4 =	vadd.s32 v1, v4;
	_ =	sdelay $0x3  }
0x8a: {  	s23 =	simm.s32 $0xC400;
	v3 =	vperm.xlane v3, v2  }
0x8b: {  	[tilespmem:s23], [sflag:$0x3] =	stream.indirect_vreg.gather [hbm4b:s2+s3], $0x80, v4, vm0, $0xb8;
	[tilespmem:$0x1E400] =	vst v63  }
0x8c: {  	s24 =	simm.s32 $0xCC00;
	v3 =	vadd.s32 v1, v3  }
0x8d: {  	[tilespmem:s24], [sflag:$0x3] =	stream.indirect_vreg.gather [hbm4b:s5+s3], $0x80, v4, vm0, $0xb8;
	[tilespmem:$0x1E400] =	vst v63  }
0x8e: {  	s25 =	simm.s32 $0xD400  }
0x8f: {  	[tilespmem:s25], [sflag:$0x3] =	stream.indirect_vreg.gather [hbm4b:s6+s3], $0x80, v4, vm0, $0xb8;
	[tilespmem:$0x1E400] =	vst v63  }
0x90: {  	s26 =	simm.s32 $0xDC00  }
0x91: {  	[tilespmem:s26], [sflag:$0x3] =	stream.indirect_vreg.gather [hbm4b:s2+s3], $0x80, v3, vm0, $0xb8;
	[tilespmem:$0x1E400] =	vst v63  }
0x92: {  	s30 =	simm.s32 $0xE400  }
0x93: {  	[tilespmem:s30], [sflag:$0x3] =	stream.indirect_vreg.gather [hbm4b:s5+s3], $0x80, v3, vm0, $0xb8;
	[tilespmem:$0x1E400] =	vst v63  }
0x94: {  	s31 =	simm.s32 $0xEC00  }
0x95: {  	[tilespmem:s31], [sflag:$0x3] =	stream.indirect_vreg.gather [hbm4b:s6+s3], $0x80, v3, vm0, $0xb8;
	[tilespmem:$0x1E400] =	vst v63  }
0x96: {  	v3 =	vld [tilespmem:$0x50];
	_ =	sdelay $0x4  }
0x97: {  	v61 =	vshrl.u32 v3, $0x3  }
0x98: {  	v4 =	vmul.u32 $0x30, v61  }
0x99: {  	v3 =	vand.u32 $0x7, v3  }
0x9a: {  	v3 =	vor.u32 v3, v4  }
0x9b: {  	v4 =	vperm.xlane v3, v0;
	_ =	sdelay $0x1  }
0x9c: {  	v4 =	vadd.s32 v1, v4;
	_ =	sdelay $0x3  }
0x9d: {  	s10 =	simm.s32 $0xF400;
	v3 =	vperm.xlane v3, v2  }
0x9e: {  	[tilespmem:s10], [sflag:$0x3] =	stream.indirect_vreg.gather [hbm4b:s2+s3], $0x80, v4, vm0, $0xb8;
	[tilespmem:$0x1E400] =	vst v63  }
0x9f: {  	s12 =	simm.s32 $0xFC00;
	v3 =	vadd.s32 v1, v3  }
0xa0: {  	[tilespmem:s12], [sflag:$0x3] =	stream.indirect_vreg.gather [hbm4b:s5+s3], $0x80, v4, vm0, $0xb8;
	[tilespmem:$0x1E400] =	vst v63  }
0xa1: {  	s13 =	simm.s32 $0x10400  }
0xa2: {  	[tilespmem:s13], [sflag:$0x3] =	stream.indirect_vreg.gather [hbm4b:s6+s3], $0x80, v4, vm0, $0xb8;
	[tilespmem:$0x1E400] =	vst v63  }
0xa3: {  	s21 =	simm.s32 $0x10C00  }
0xa4: {  	[tilespmem:s21], [sflag:$0x3] =	stream.indirect_vreg.gather [hbm4b:s2+s3], $0x80, v3, vm0, $0xb8;
	[tilespmem:$0x1E400] =	vst v63  }
0xa5: {  	s22 =	simm.s32 $0x11400  }
0xa6: {  	[tilespmem:s22], [sflag:$0x3] =	stream.indirect_vreg.gather [hbm4b:s5+s3], $0x80, v3, vm0, $0xb8;
	[tilespmem:$0x1E400] =	vst v63  }
0xa7: {  	s23 =	simm.s32 $0x11C00  }
0xa8: {  	[tilespmem:s23], [sflag:$0x3] =	stream.indirect_vreg.gather [hbm4b:s6+s3], $0x80, v3, vm0, $0xb8;
	[tilespmem:$0x1E400] =	vst v63  }
0xa9: {  	_ =	swait.ge [sflag:s8], $0x6000  }
0xaa: {  	s24 =	sld [smem:$0x7F7]  }
0xab: {  	[sflag:s8] =	ssyncset.done $0x0  }
0xac: {  	s7 =	simm.s32 $0x400;
	[sflag:s8] =	ssyncadd.s32 $0xFFFFA000  }
0xad: {  	[hbm4b:s24+s3] =	stream.linear.scatter [tilespmem:s7], [sflag:$0x6], $0x6000, $0x38;
	[tilespmem:$0x1E400] =	vst v63  }
0xae: {  	v3 =	vld [tilespmem:$0x60];
	_ =	sdelay $0x4  }
0xaf: {  	v62 =	vshrl.u32 v3, $0x3  }
0xb0: {  	v4 =	vmul.u32 $0x30, v62  }
0xb1: {  	v3 =	vand.u32 $0x7, v3  }
0xb2: {  	v3 =	vor.u32 v3, v4  }
0xb3: {  	v4 =	vperm.xlane v3, v0;
	_ =	sdelay $0x1  }
0xb4: {  	v4 =	vadd.s32 v1, v4;
	_ =	sdelay $0x3  }
0xb5: {  	s25 =	simm.s32 $0x12400;
	v3 =	vperm.xlane v3, v2  }
0xb6: {  	[tilespmem:s25], [sflag:$0x4] =	stream.indirect_vreg.gather [hbm4b:s2+s3], $0x80, v4, vm0, $0xb8;
	[tilespmem:$0x1E400] =	vst v63  }
0xb7: {  	s26 =	simm.s32 $0x12C00;
	v3 =	vadd.s32 v1, v3  }
0xb8: {  	[tilespmem:s26], [sflag:$0x4] =	stream.indirect_vreg.gather [hbm4b:s5+s3], $0x80, v4, vm0, $0xb8;
	[tilespmem:$0x1E400] =	vst v63  }
0xb9: {  	s30 =	simm.s32 $0x13400  }
0xba: {  	[tilespmem:s30], [sflag:$0x4] =	stream.indirect_vreg.gather [hbm4b:s6+s3], $0x80, v4, vm0, $0xb8;
	[tilespmem:$0x1E400] =	vst v63  }
0xbb: {  	s31 =	simm.s32 $0x13C00  }
0xbc: {  	[tilespmem:s31], [sflag:$0x4] =	stream.indirect_vreg.gather [hbm4b:s2+s3], $0x80, v3, vm0, $0xb8;
	[tilespmem:$0x1E400] =	vst v63  }
0xbd: {  	s10 =	simm.s32 $0x14400  }
0xbe: {  	[tilespmem:s10], [sflag:$0x4] =	stream.indirect_vreg.gather [hbm4b:s5+s3], $0x80, v3, vm0, $0xb8;
	[tilespmem:$0x1E400] =	vst v63  }
0xbf: {  	s12 =	simm.s32 $0x14C00  }
0xc0: {  	[tilespmem:s12], [sflag:$0x4] =	stream.indirect_vreg.gather [hbm4b:s6+s3], $0x80, v3, vm0, $0xb8;
	[tilespmem:$0x1E400] =	vst v63  }
0xc1: {  	v3 =	vld [tilespmem:$0x70];
	_ =	sdelay $0x4  }
0xc2: {  	v63 =	vshrl.u32 v3, $0x3  }
0xc3: {  	v4 =	vmul.u32 $0x30, v63  }
0xc4: {  	v3 =	vand.u32 $0x7, v3  }
0xc5: {  	v3 =	vor.u32 v3, v4  }
0xc6: {  	v4 =	vperm.xlane v3, v0;
	_ =	sdelay $0x1  }
0xc7: {  	v4 =	vadd.s32 v1, v4;
	_ =	sdelay $0x3  }
0xc8: {  	s13 =	simm.s32 $0x15400;
	v3 =	vperm.xlane v3, v2  }
0xc9: {  	[tilespmem:s13], [sflag:$0x4] =	stream.indirect_vreg.gather [hbm4b:s2+s3], $0x80, v4, vm0, $0xb8;
	[tilespmem:$0x1E400] =	vst v63  }
0xca: {  	s21 =	simm.s32 $0x15C00;
	v3 =	vadd.s32 v1, v3  }
0xcb: {  	[tilespmem:s21], [sflag:$0x4] =	stream.indirect_vreg.gather [hbm4b:s5+s3], $0x80, v4, vm0, $0xb8;
	[tilespmem:$0x1E400] =	vst v63  }
0xcc: {  	s22 =	simm.s32 $0x16400  }
0xcd: {  	[tilespmem:s22], [sflag:$0x4] =	stream.indirect_vreg.gather [hbm4b:s6+s3], $0x80, v4, vm0, $0xb8;
	[tilespmem:$0x1E400] =	vst v63  }
0xce: {  	s23 =	simm.s32 $0x16C00  }
0xcf: {  	[tilespmem:s23], [sflag:$0x4] =	stream.indirect_vreg.gather [hbm4b:s2+s3], $0x80, v3, vm0, $0xb8;
	[tilespmem:$0x1E400] =	vst v63  }
0xd0: {  	s24 =	simm.s32 $0x17400  }
0xd1: {  	[tilespmem:s24], [sflag:$0x4] =	stream.indirect_vreg.gather [hbm4b:s5+s3], $0x80, v3, vm0, $0xb8;
	[tilespmem:$0x1E400] =	vst v63  }
0xd2: {  	s25 =	simm.s32 $0x17C00  }
0xd3: {  	[tilespmem:s25], [sflag:$0x4] =	stream.indirect_vreg.gather [hbm4b:s6+s3], $0x80, v3, vm0, $0xb8;
	[tilespmem:$0x1E400] =	vst v63  }
0xd4: {  	_ =	swait.ge [sflag:s11], $0x6000  }
0xd5: {  	[sflag:s11] =	ssyncset.done $0x0  }
0xd6: {  	s9 =	simm.s32 $0x6400;
	s26 =	rddreg [dreg:$0x5];
	[sflag:s11] =	ssyncadd.s32 $0xFFFFA000  }
0xd7: {  	[hbm4b:s26+s3] =	stream.linear.scatter [tilespmem:s9], [sflag:$0x7], $0x6000, $0x38;
	[tilespmem:$0x1E400] =	vst v63  }
0xd8: {  	v3 =	vld [tilespmem:$0x80];
	_ =	sdelay $0x4  }
0xd9: {  	v8 =	vshrl.u32 v3, $0x3  }
0xda: {  	v4 =	vmul.u32 $0x30, v8  }
0xdb: {  	v3 =	vand.u32 $0x7, v3  }
0xdc: {  	v3 =	vor.u32 v3, v4  }
0xdd: {  	v4 =	vperm.xlane v3, v0;
	_ =	sdelay $0x1  }
0xde: {  	v4 =	vadd.s32 v1, v4;
	_ =	sdelay $0x3  }
0xdf: {  	s30 =	simm.s32 $0x18400;
	v3 =	vperm.xlane v3, v2  }
0xe0: {  	[tilespmem:s30], [sflag:$0x5] =	stream.indirect_vreg.gather [hbm4b:s2+s3], $0x80, v4, vm0, $0xb8;
	[tilespmem:$0x1E400] =	vst v63  }
0xe1: {  	s31 =	simm.s32 $0x18C00;
	v3 =	vadd.s32 v1, v3  }
0xe2: {  	[tilespmem:s31], [sflag:$0x5] =	stream.indirect_vreg.gather [hbm4b:s5+s3], $0x80, v4, vm0, $0xb8;
	[tilespmem:$0x1E400] =	vst v63  }
0xe3: {  	s9 =	simm.s32 $0x19400  }
0xe4: {  	[tilespmem:s9], [sflag:$0x5] =	stream.indirect_vreg.gather [hbm4b:s6+s3], $0x80, v4, vm0, $0xb8;
	[tilespmem:$0x1E400] =	vst v63  }
0xe5: {  	s10 =	simm.s32 $0x19C00  }
0xe6: {  	[tilespmem:s10], [sflag:$0x5] =	stream.indirect_vreg.gather [hbm4b:s2+s3], $0x80, v3, vm0, $0xb8;
	[tilespmem:$0x1E400] =	vst v63  }
0xe7: {  	s12 =	simm.s32 $0x1A400  }
0xe8: {  	[tilespmem:s12], [sflag:$0x5] =	stream.indirect_vreg.gather [hbm4b:s5+s3], $0x80, v3, vm0, $0xb8;
	[tilespmem:$0x1E400] =	vst v63  }
0xe9: {  	s13 =	simm.s32 $0x1AC00  }
0xea: {  	[tilespmem:s13], [sflag:$0x5] =	stream.indirect_vreg.gather [hbm4b:s6+s3], $0x80, v3, vm0, $0xb8;
	[tilespmem:$0x1E400] =	vst v63  }
0xeb: {  	v3 =	vld [tilespmem:$0x90];
	_ =	sdelay $0x4  }
0xec: {  	v9 =	vshrl.u32 v3, $0x3  }
0xed: {  	v4 =	vmul.u32 $0x30, v9  }
0xee: {  	v3 =	vand.u32 $0x7, v3  }
0xef: {  	v3 =	vor.u32 v3, v4  }
0xf0: {  	v4 =	vperm.xlane v3, v0;
	_ =	sdelay $0x1  }
0xf1: {  	v4 =	vadd.s32 v1, v4;
	_ =	sdelay $0x3  }
0xf2: {  	s21 =	simm.s32 $0x1B400;
	v3 =	vperm.xlane v3, v2  }
0xf3: {  	[tilespmem:s21], [sflag:$0x5] =	stream.indirect_vreg.gather [hbm4b:s2+s3], $0x80, v4, vm0, $0xb8;
	[tilespmem:$0x1E400] =	vst v63  }
0xf4: {  	s22 =	simm.s32 $0x1BC00;
	v3 =	vadd.s32 v1, v3  }
0xf5: {  	[tilespmem:s22], [sflag:$0x5] =	stream.indirect_vreg.gather [hbm4b:s5+s3], $0x80, v4, vm0, $0xb8;
	[tilespmem:$0x1E400] =	vst v63  }
0xf6: {  	s25 =	simm.s32 $0x1C400  }
0xf7: {  	[tilespmem:s25], [sflag:$0x5] =	stream.indirect_vreg.gather [hbm4b:s6+s3], $0x80, v4, vm0, $0xb8;
	[tilespmem:$0x1E400] =	vst v63  }
0xf8: {  	s26 =	simm.s32 $0x1CC00  }
0xf9: {  	[tilespmem:s26], [sflag:$0x5] =	stream.indirect_vreg.gather [hbm4b:s2+s3], $0x80, v3, vm0, $0xb8;
	[tilespmem:$0x1E400] =	vst v63  }
0xfa: {  	s30 =	simm.s32 $0x1D400  }
0xfb: {  	[tilespmem:s30], [sflag:$0x5] =	stream.indirect_vreg.gather [hbm4b:s5+s3], $0x80, v3, vm0, $0xb8;
	[tilespmem:$0x1E400] =	vst v63  }
0xfc: {  	s31 =	simm.s32 $0x1DC00  }
0xfd: {  	[tilespmem:s31], [sflag:$0x5] =	stream.indirect_vreg.gather [hbm4b:s6+s3], $0x80, v3, vm0, $0xb8;
	[tilespmem:$0x1E400] =	vst v63  }
0xfe: {  	_ =	swait.ge [sflag:s28], $0x6000  }
0xff: {  	[sflag:s28] =	ssyncset.done $0x0  }
0x100: {  	s12 =	simm.s32 $0xC400;
	s0 =	rddreg [dreg:$0x6];
	[sflag:s28] =	ssyncadd.s32 $0xFFFFA000  }
0x101: {  	[hbm4b:s0+s3] =	stream.linear.scatter [tilespmem:s12], [sflag:$0x8], $0x6000, $0x38;
	[tilespmem:$0x1E400] =	vst v63  }
0x102: {  	_ =	swait.ge [sflag:s14], $0x6000  }
0x103: {  	[sflag:s14] =	ssyncset.done $0x0  }
0x104: {  	[sflag:s14] =	ssyncadd.s32 $0xFFFFA000  }
0x105: {  	v3 =	vld [tilespmem:$0xA0];
	_ =	sdelay $0x4  }
0x106: {  	v10 =	vshrl.u32 v3, $0x3  }
0x107: {  	v4 =	vmul.u32 $0x30, v10  }
0x108: {  	v3 =	vand.u32 $0x7, v3  }
0x109: {  	v3 =	vor.u32 v3, v4  }
0x10a: {  	v4 =	vperm.xlane v3, v0;
	_ =	sdelay $0x1  }
0x10b: {  	v4 =	vadd.s32 v1, v4;
	_ =	sdelay $0x3  }
0x10c: {  	s7 =	simm.s32 $0x400;
	v3 =	vperm.xlane v3, v2  }
0x10d: {  	[tilespmem:s7], [sflag:$0x1] =	stream.indirect_vreg.gather [hbm4b:s2+s3], $0x80, v4, vm0, $0xb8;
	[tilespmem:$0x1E400] =	vst v63  }
0x10e: {  	v3 =	vadd.s32 v1, v3;
	s7 =	simm.s32 $0xC00  }
0x10f: {  	[tilespmem:s7], [sflag:$0x1] =	stream.indirect_vreg.gather [hbm4b:s5+s3], $0x80, v4, vm0, $0xb8;
	[tilespmem:$0x1E400] =	vst v63  }
0x110: {  	s13 =	simm.s32 $0x1400  }
0x111: {  	[tilespmem:s13], [sflag:$0x1] =	stream.indirect_vreg.gather [hbm4b:s6+s3], $0x80, v4, vm0, $0xb8;
	[tilespmem:$0x1E400] =	vst v63  }
0x112: {  	s25 =	simm.s32 $0x1C00  }
0x113: {  	[tilespmem:s25], [sflag:$0x1] =	stream.indirect_vreg.gather [hbm4b:s2+s3], $0x80, v3, vm0, $0xb8;
	[tilespmem:$0x1E400] =	vst v63  }
0x114: {  	s9 =	simm.s32 $0x2400  }
0x115: {  	[tilespmem:s9], [sflag:$0x1] =	stream.indirect_vreg.gather [hbm4b:s5+s3], $0x80, v3, vm0, $0xb8;
	[tilespmem:$0x1E400] =	vst v63  }
0x116: {  	s4 =	simm.s32 $0x2C00  }
0x117: {  	[tilespmem:s4], [sflag:$0x1] =	stream.indirect_vreg.gather [hbm4b:s6+s3], $0x80, v3, vm0, $0xb8;
	[tilespmem:$0x1E400] =	vst v63  }
0x118: {  	v3 =	vld [tilespmem:$0xB0];
	_ =	sdelay $0x4  }
0x119: {  	v11 =	vshrl.u32 v3, $0x3  }
0x11a: {  	v4 =	vmul.u32 $0x30, v11  }
0x11b: {  	v3 =	vand.u32 $0x7, v3  }
0x11c: {  	v3 =	vor.u32 v3, v4  }
0x11d: {  	v4 =	vperm.xlane v3, v0;
	_ =	sdelay $0x1  }
0x11e: {  	v4 =	vadd.s32 v1, v4;
	_ =	sdelay $0x3  }
0x11f: {  	s29 =	simm.s32 $0x3400;
	v3 =	vperm.xlane v3, v2  }
0x120: {  	[tilespmem:s29], [sflag:$0x1] =	stream.indirect_vreg.gather [hbm4b:s2+s3], $0x80, v4, vm0, $0xb8;
	[tilespmem:$0x1E400] =	vst v63  }
0x121: {  	v3 =	vadd.s32 v1, v3;
	s29 =	simm.s32 $0x3C00  }
0x122: {  	[tilespmem:s29], [sflag:$0x1] =	stream.indirect_vreg.gather [hbm4b:s5+s3], $0x80, v4, vm0, $0xb8;
	[tilespmem:$0x1E400] =	vst v63  }
0x123: {  	s30 =	simm.s32 $0x4400  }
0x124: {  	[tilespmem:s30], [sflag:$0x1] =	stream.indirect_vreg.gather [hbm4b:s6+s3], $0x80, v4, vm0, $0xb8;
	[tilespmem:$0x1E400] =	vst v63  }
0x125: {  	s10 =	simm.s32 $0x4C00  }
0x126: {  	[tilespmem:s10], [sflag:$0x1] =	stream.indirect_vreg.gather [hbm4b:s2+s3], $0x80, v3, vm0, $0xb8;
	[tilespmem:$0x1E400] =	vst v63  }
0x127: {  	s31 =	simm.s32 $0x5400  }
0x128: {  	[tilespmem:s31], [sflag:$0x1] =	stream.indirect_vreg.gather [hbm4b:s5+s3], $0x80, v3, vm0, $0xb8;
	[tilespmem:$0x1E400] =	vst v63  }
0x129: {  	s22 =	simm.s32 $0x5C00  }
0x12a: {  	[tilespmem:s22], [sflag:$0x1] =	stream.indirect_vreg.gather [hbm4b:s6+s3], $0x80, v3, vm0, $0xb8;
	[tilespmem:$0x1E400] =	vst v63  }
0x12b: {  	_ =	swait.ge [sflag:s15], $0x6000  }
0x12c: {  	[sflag:s15] =	ssyncset.done $0x0  }
0x12d: {  	s10 =	simm.s32 $0x12400;
	s4 =	rddreg [dreg:$0x7];
	[sflag:s15] =	ssyncadd.s32 $0xFFFFA000  }
0x12e: {  	[hbm4b:s4+s3] =	stream.linear.scatter [tilespmem:s10], [sflag:$0x9], $0x6000, $0x38;
	[tilespmem:$0x1E400] =	vst v63  }
0x12f: {  	_ =	swait.ge [sflag:s16], $0x6000  }
0x130: {  	[sflag:s16] =	ssyncset.done $0x0  }
0x131: {  	[sflag:s16] =	ssyncadd.s32 $0xFFFFA000  }
0x132: {  	v3 =	vld [tilespmem:$0xC0];
	_ =	sdelay $0x4  }
0x133: {  	v12 =	vshrl.u32 v3, $0x3  }
0x134: {  	v4 =	vmul.u32 $0x30, v12  }
0x135: {  	v3 =	vand.u32 $0x7, v3  }
0x136: {  	v3 =	vor.u32 v3, v4  }
0x137: {  	v4 =	vperm.xlane v3, v0;
	_ =	sdelay $0x1  }
0x138: {  	v4 =	vadd.s32 v1, v4;
	_ =	sdelay $0x3  }
0x139: {  	s23 =	simm.s32 $0x6400;
	v3 =	vperm.xlane v3, v2  }
0x13a: {  	[tilespmem:s23], [sflag:$0x2] =	stream.indirect_vreg.gather [hbm4b:s2+s3], $0x80, v4, vm0, $0xb8;
	[tilespmem:$0x1E400] =	vst v63  }
0x13b: {  	s7 =	simm.s32 $0x6C00;
	v3 =	vadd.s32 v1, v3  }
0x13c: {  	[tilespmem:s7], [sflag:$0x2] =	stream.indirect_vreg.gather [hbm4b:s5+s3], $0x80, v4, vm0, $0xb8;
	[tilespmem:$0x1E400] =	vst v63  }
0x13d: {  	s9 =	simm.s32 $0x7400  }
0x13e: {  	[tilespmem:s9], [sflag:$0x2] =	stream.indirect_vreg.gather [hbm4b:s6+s3], $0x80, v4, vm0, $0xb8;
	[tilespmem:$0x1E400] =	vst v63  }
0x13f: {  	s22 =	simm.s32 $0x7C00  }
0x140: {  	[tilespmem:s22], [sflag:$0x2] =	stream.indirect_vreg.gather [hbm4b:s2+s3], $0x80, v3, vm0, $0xb8;
	[tilespmem:$0x1E400] =	vst v63  }
0x141: {  	s4 =	simm.s32 $0x8400  }
0x142: {  	[tilespmem:s4], [sflag:$0x2] =	stream.indirect_vreg.gather [hbm4b:s5+s3], $0x80, v3, vm0, $0xb8;
	[tilespmem:$0x1E400] =	vst v63  }
0x143: {  	s7 =	simm.s32 $0x8C00  }
0x144: {  	[tilespmem:s7], [sflag:$0x2] =	stream.indirect_vreg.gather [hbm4b:s6+s3], $0x80, v3, vm0, $0xb8;
	[tilespmem:$0x1E400] =	vst v63  }
0x145: {  	v3 =	vld [tilespmem:$0xD0];
	_ =	sdelay $0x4  }
0x146: {  	v13 =	vshrl.u32 v3, $0x3  }
0x147: {  	v4 =	vmul.u32 $0x30, v13  }
0x148: {  	v3 =	vand.u32 $0x7, v3  }
0x149: {  	v3 =	vor.u32 v3, v4  }
0x14a: {  	v4 =	vperm.xlane v3, v0;
	_ =	sdelay $0x1  }
0x14b: {  	v4 =	vadd.s32 v1, v4;
	_ =	sdelay $0x3  }
0x14c: {  	s1 =	simm.s32 $0x9400;
	v3 =	vperm.xlane v3, v2  }
0x14d: {  	[tilespmem:s1], [sflag:$0x2] =	stream.indirect_vreg.gather [hbm4b:s2+s3], $0x80, v4, vm0, $0xb8;
	[tilespmem:$0x1E400] =	vst v63  }
0x14e: {  	s9 =	simm.s32 $0x9C00;
	v3 =	vadd.s32 v1, v3  }
0x14f: {  	[tilespmem:s9], [sflag:$0x2] =	stream.indirect_vreg.gather [hbm4b:s5+s3], $0x80, v4, vm0, $0xb8;
	[tilespmem:$0x1E400] =	vst v63  }
0x150: {  	s22 =	simm.s32 $0xA400  }
0x151: {  	[tilespmem:s22], [sflag:$0x2] =	stream.indirect_vreg.gather [hbm4b:s6+s3], $0x80, v4, vm0, $0xb8;
	[tilespmem:$0x1E400] =	vst v63  }
0x152: {  	s1 =	simm.s32 $0xAC00  }
0x153: {  	[tilespmem:s1], [sflag:$0x2] =	stream.indirect_vreg.gather [hbm4b:s2+s3], $0x80, v3, vm0, $0xb8;
	[tilespmem:$0x1E400] =	vst v63  }
0x154: {  	s4 =	simm.s32 $0xB400  }
0x155: {  	[tilespmem:s4], [sflag:$0x2] =	stream.indirect_vreg.gather [hbm4b:s5+s3], $0x80, v3, vm0, $0xb8;
	[tilespmem:$0x1E400] =	vst v63  }
0x156: {  	s7 =	simm.s32 $0xBC00  }
0x157: {  	[tilespmem:s7], [sflag:$0x2] =	stream.indirect_vreg.gather [hbm4b:s6+s3], $0x80, v3, vm0, $0xb8;
	[tilespmem:$0x1E400] =	vst v63  }
0x158: {  	_ =	swait.ge [sflag:s17], $0x6000  }
0x159: {  	[sflag:s17] =	ssyncset.done $0x0  }
0x15a: {  	s1 =	simm.s32 $0x18400;
	s9 =	rddreg [dreg:$0x8];
	[sflag:s17] =	ssyncadd.s32 $0xFFFFA000  }
0x15b: {  	[hbm4b:s9+s3] =	stream.linear.scatter [tilespmem:s1], [sflag:$0xA], $0x6000, $0x38;
	[tilespmem:$0x1E400] =	vst v63  }
0x15c: {  	_ =	swait.ge [sflag:s18], $0x6000  }
0x15d: {  	[sflag:s18] =	ssyncset.done $0x0  }
0x15e: {  	[sflag:s18] =	ssyncadd.s32 $0xFFFFA000  }
0x15f: {  	v3 =	vld [tilespmem:$0xE0];
	_ =	sdelay $0x4  }
0x160: {  	v14 =	vshrl.u32 v3, $0x3  }
0x161: {  	v4 =	vmul.u32 $0x30, v14  }
0x162: {  	v3 =	vand.u32 $0x7, v3  }
0x163: {  	v3 =	vor.u32 v3, v4  }
0x164: {  	v4 =	vperm.xlane v3, v0;
	_ =	sdelay $0x1  }
0x165: {  	v4 =	vadd.s32 v1, v4;
	_ =	sdelay $0x3  }
0x166: {  	v3 =	vperm.xlane v3, v2  }
0x167: {  	[tilespmem:s12], [sflag:$0x3] =	stream.indirect_vreg.gather [hbm4b:s2+s3], $0x80, v4, vm0, $0xb8;
	[tilespmem:$0x1E400] =	vst v63  }
0x168: {  	s22 =	simm.s32 $0xCC00;
	v3 =	vadd.s32 v1, v3  }
0x169: {  	[tilespmem:s22], [sflag:$0x3] =	stream.indirect_vreg.gather [hbm4b:s5+s3], $0x80, v4, vm0, $0xb8;
	[tilespmem:$0x1E400] =	vst v63  }
0x16a: {  	s4 =	simm.s32 $0xD400  }
0x16b: {  	[tilespmem:s4], [sflag:$0x3] =	stream.indirect_vreg.gather [hbm4b:s6+s3], $0x80, v4, vm0, $0xb8;
	[tilespmem:$0x1E400] =	vst v63  }
0x16c: {  	s7 =	simm.s32 $0xDC00  }
0x16d: {  	[tilespmem:s7], [sflag:$0x3] =	stream.indirect_vreg.gather [hbm4b:s2+s3], $0x80, v3, vm0, $0xb8;
	[tilespmem:$0x1E400] =	vst v63  }
0x16e: {  	s12 =	simm.s32 $0xE400  }
0x16f: {  	[tilespmem:s12], [sflag:$0x3] =	stream.indirect_vreg.gather [hbm4b:s5+s3], $0x80, v3, vm0, $0xb8;
	[tilespmem:$0x1E400] =	vst v63  }
0x170: {  	s22 =	simm.s32 $0xEC00  }
0x171: {  	[tilespmem:s22], [sflag:$0x3] =	stream.indirect_vreg.gather [hbm4b:s6+s3], $0x80, v3, vm0, $0xb8;
	[tilespmem:$0x1E400] =	vst v63  }
0x172: {  	v3 =	vld [tilespmem:$0xF0];
	_ =	sdelay $0x4  }
0x173: {  	v15 =	vshrl.u32 v3, $0x3  }
0x174: {  	v4 =	vmul.u32 $0x30, v15  }
0x175: {  	v3 =	vand.u32 $0x7, v3  }
0x176: {  	v3 =	vor.u32 v3, v4  }
0x177: {  	v4 =	vperm.xlane v3, v0;
	_ =	sdelay $0x1  }
0x178: {  	v4 =	vadd.s32 v1, v4;
	_ =	sdelay $0x3  }
0x179: {  	s4 =	simm.s32 $0xF400;
	v3 =	vperm.xlane v3, v2  }
0x17a: {  	[tilespmem:s4], [sflag:$0x3] =	stream.indirect_vreg.gather [hbm4b:s2+s3], $0x80, v4, vm0, $0xb8;
	[tilespmem:$0x1E400] =	vst v63  }
0x17b: {  	s7 =	simm.s32 $0xFC00;
	v3 =	vadd.s32 v1, v3  }
0x17c: {  	[tilespmem:s7], [sflag:$0x3] =	stream.indirect_vreg.gather [hbm4b:s5+s3], $0x80, v4, vm0, $0xb8;
	[tilespmem:$0x1E400] =	vst v63  }
0x17d: {  	s12 =	simm.s32 $0x10400  }
0x17e: {  	[tilespmem:s12], [sflag:$0x3] =	stream.indirect_vreg.gather [hbm4b:s6+s3], $0x80, v4, vm0, $0xb8;
	[tilespmem:$0x1E400] =	vst v63  }
0x17f: {  	s22 =	simm.s32 $0x10C00  }
0x180: {  	[tilespmem:s22], [sflag:$0x3] =	stream.indirect_vreg.gather [hbm4b:s2+s3], $0x80, v3, vm0, $0xb8;
	[tilespmem:$0x1E400] =	vst v63  }
0x181: {  	s4 =	simm.s32 $0x11400  }
0x182: {  	[tilespmem:s4], [sflag:$0x3] =	stream.indirect_vreg.gather [hbm4b:s5+s3], $0x80, v3, vm0, $0xb8;
	[tilespmem:$0x1E400] =	vst v63  }
0x183: {  	s7 =	simm.s32 $0x11C00  }
0x184: {  	[tilespmem:s7], [sflag:$0x3] =	stream.indirect_vreg.gather [hbm4b:s6+s3], $0x80, v3, vm0, $0xb8;
	[tilespmem:$0x1E400] =	vst v63  }
0x185: {  	_ =	swait.ge [sflag:s8], $0x6000  }
0x186: {  	[sflag:s8] =	ssyncset.done $0x0  }
0x187: {  	s21 =	simm.s32 $0x400;
	s12 =	rddreg [dreg:$0x9];
	[sflag:s8] =	ssyncadd.s32 $0xFFFFA000  }
0x188: {  	[hbm4b:s12+s3] =	stream.linear.scatter [tilespmem:s21], [sflag:$0x6], $0x6000, $0x38;
	[tilespmem:$0x1E400] =	vst v63  }
0x189: {  	_ =	swait.ge [sflag:s19], $0x6000  }
0x18a: {  	[sflag:s19] =	ssyncset.done $0x0  }
0x18b: {  	[sflag:s19] =	ssyncadd.s32 $0xFFFFA000  }
0x18c: {  	v3 =	vld [tilespmem:$0x100];
	_ =	sdelay $0x4  }
0x18d: {  	v16 =	vshrl.u32 v3, $0x3  }
0x18e: {  	v4 =	vmul.u32 $0x30, v16  }
0x18f: {  	v3 =	vand.u32 $0x7, v3  }
0x190: {  	v3 =	vor.u32 v3, v4  }
0x191: {  	v4 =	vperm.xlane v3, v0;
	_ =	sdelay $0x1  }
0x192: {  	v4 =	vadd.s32 v1, v4;
	_ =	sdelay $0x3  }
0x193: {  	v3 =	vperm.xlane v3, v2  }
0x194: {  	[tilespmem:s10], [sflag:$0x4] =	stream.indirect_vreg.gather [hbm4b:s2+s3], $0x80, v4, vm0, $0xb8;
	[tilespmem:$0x1E400] =	vst v63  }
0x195: {  	s22 =	simm.s32 $0x12C00;
	v3 =	vadd.s32 v1, v3  }
0x196: {  	[tilespmem:s22], [sflag:$0x4] =	stream.indirect_vreg.gather [hbm4b:s5+s3], $0x80, v4, vm0, $0xb8;
	[tilespmem:$0x1E400] =	vst v63  }
0x197: {  	s10 =	simm.s32 $0x13400  }
0x198: {  	[tilespmem:s10], [sflag:$0x4] =	stream.indirect_vreg.gather [hbm4b:s6+s3], $0x80, v4, vm0, $0xb8;
	[tilespmem:$0x1E400] =	vst v63  }
0x199: {  	s12 =	simm.s32 $0x13C00  }
0x19a: {  	[tilespmem:s12], [sflag:$0x4] =	stream.indirect_vreg.gather [hbm4b:s2+s3], $0x80, v3, vm0, $0xb8;
	[tilespmem:$0x1E400] =	vst v63  }
0x19b: {  	s21 =	simm.s32 $0x14400  }
0x19c: {  	[tilespmem:s21], [sflag:$0x4] =	stream.indirect_vreg.gather [hbm4b:s5+s3], $0x80, v3, vm0, $0xb8;
	[tilespmem:$0x1E400] =	vst v63  }
0x19d: {  	s22 =	simm.s32 $0x14C00  }
0x19e: {  	[tilespmem:s22], [sflag:$0x4] =	stream.indirect_vreg.gather [hbm4b:s6+s3], $0x80, v3, vm0, $0xb8;
	[tilespmem:$0x1E400] =	vst v63  }
0x19f: {  	v3 =	vld [tilespmem:$0x110];
	_ =	sdelay $0x4  }
0x1a0: {  	v17 =	vshrl.u32 v3, $0x3  }
0x1a1: {  	v4 =	vmul.u32 $0x30, v17  }
0x1a2: {  	v3 =	vand.u32 $0x7, v3  }
0x1a3: {  	v3 =	vor.u32 v3, v4  }
0x1a4: {  	v4 =	vperm.xlane v3, v0;
	_ =	sdelay $0x1  }
0x1a5: {  	v4 =	vadd.s32 v1, v4;
	_ =	sdelay $0x3  }
0x1a6: {  	s10 =	simm.s32 $0x15400;
	v3 =	vperm.xlane v3, v2  }
0x1a7: {  	[tilespmem:s10], [sflag:$0x4] =	stream.indirect_vreg.gather [hbm4b:s2+s3], $0x80, v4, vm0, $0xb8;
	[tilespmem:$0x1E400] =	vst v63  }
0x1a8: {  	s12 =	simm.s32 $0x15C00;
	v3 =	vadd.s32 v1, v3  }
0x1a9: {  	[tilespmem:s12], [sflag:$0x4] =	stream.indirect_vreg.gather [hbm4b:s5+s3], $0x80, v4, vm0, $0xb8;
	[tilespmem:$0x1E400] =	vst v63  }
0x1aa: {  	s21 =	simm.s32 $0x16400  }
0x1ab: {  	[tilespmem:s21], [sflag:$0x4] =	stream.indirect_vreg.gather [hbm4b:s6+s3], $0x80, v4, vm0, $0xb8;
	[tilespmem:$0x1E400] =	vst v63  }
0x1ac: {  	s22 =	simm.s32 $0x16C00  }
0x1ad: {  	[tilespmem:s22], [sflag:$0x4] =	stream.indirect_vreg.gather [hbm4b:s2+s3], $0x80, v3, vm0, $0xb8;
	[tilespmem:$0x1E400] =	vst v63  }
0x1ae: {  	s10 =	simm.s32 $0x17400  }
0x1af: {  	[tilespmem:s10], [sflag:$0x4] =	stream.indirect_vreg.gather [hbm4b:s5+s3], $0x80, v3, vm0, $0xb8;
	[tilespmem:$0x1E400] =	vst v63  }
0x1b0: {  	s12 =	simm.s32 $0x17C00  }
0x1b1: {  	[tilespmem:s12], [sflag:$0x4] =	stream.indirect_vreg.gather [hbm4b:s6+s3], $0x80, v3, vm0, $0xb8;
	[tilespmem:$0x1E400] =	vst v63  }
0x1b2: {  	_ =	swait.ge [sflag:s11], $0x6000  }
0x1b3: {  	[sflag:s11] =	ssyncset.done $0x0  }
0x1b4: {  	s23 =	simm.s32 $0x6400;
	s21 =	rddreg [dreg:$0xa];
	[sflag:s11] =	ssyncadd.s32 $0xFFFFA000  }
0x1b5: {  	[hbm4b:s21+s3] =	stream.linear.scatter [tilespmem:s23], [sflag:$0x7], $0x6000, $0x38;
	[tilespmem:$0x1E400] =	vst v63  }
0x1b6: {  	_ =	swait.ge [sflag:s20], $0x6000  }
0x1b7: {  	[sflag:s20] =	ssyncset.done $0x0  }
0x1b8: {  	[sflag:s20] =	ssyncadd.s32 $0xFFFFA000  }
0x1b9: {  	v3 =	vld [tilespmem:$0x120];
	_ =	sdelay $0x4  }
0x1ba: {  	v18 =	vshrl.u32 v3, $0x3  }
0x1bb: {  	v4 =	vmul.u32 $0x30, v18  }
0x1bc: {  	v3 =	vand.u32 $0x7, v3  }
0x1bd: {  	v3 =	vor.u32 v3, v4  }
0x1be: {  	v4 =	vperm.xlane v3, v0;
	_ =	sdelay $0x1  }
0x1bf: {  	v4 =	vadd.s32 v1, v4;
	_ =	sdelay $0x3  }
0x1c0: {  	v3 =	vperm.xlane v3, v2  }
0x1c1: {  	[tilespmem:s1], [sflag:$0x5] =	stream.indirect_vreg.gather [hbm4b:s2+s3], $0x80, v4, vm0, $0xb8;
	[tilespmem:$0x1E400] =	vst v63  }
0x1c2: {  	s23 =	simm.s32 $0x18C00;
	v3 =	vadd.s32 v1, v3  }
0x1c3: {  	[tilespmem:s23], [sflag:$0x5] =	stream.indirect_vreg.gather [hbm4b:s5+s3], $0x80, v4, vm0, $0xb8;
	[tilespmem:$0x1E400] =	vst v63  }
0x1c4: {  	s10 =	simm.s32 $0x19400  }
0x1c5: {  	[tilespmem:s10], [sflag:$0x5] =	stream.indirect_vreg.gather [hbm4b:s6+s3], $0x80, v4, vm0, $0xb8;
	[tilespmem:$0x1E400] =	vst v63  }
0x1c6: {  	s12 =	simm.s32 $0x19C00  }
0x1c7: {  	[tilespmem:s12], [sflag:$0x5] =	stream.indirect_vreg.gather [hbm4b:s2+s3], $0x80, v3, vm0, $0xb8;
	[tilespmem:$0x1E400] =	vst v63  }
0x1c8: {  	s21 =	simm.s32 $0x1A400  }
0x1c9: {  	[tilespmem:s21], [sflag:$0x5] =	stream.indirect_vreg.gather [hbm4b:s5+s3], $0x80, v3, vm0, $0xb8;
	[tilespmem:$0x1E400] =	vst v63  }
0x1ca: {  	s24 =	simm.s32 $0x1AC00  }
0x1cb: {  	[tilespmem:s24], [sflag:$0x5] =	stream.indirect_vreg.gather [hbm4b:s6+s3], $0x80, v3, vm0, $0xb8;
	[tilespmem:$0x1E400] =	vst v63  }
0x1cc: {  	v3 =	vld [tilespmem:$0x130];
	_ =	sdelay $0x4  }
0x1cd: {  	v19 =	vshrl.u32 v3, $0x3  }
0x1ce: {  	v4 =	vmul.u32 $0x30, v19  }
0x1cf: {  	v3 =	vand.u32 $0x7, v3  }
0x1d0: {  	v3 =	vor.u32 v3, v4  }
0x1d1: {  	v4 =	vperm.xlane v3, v0;
	_ =	sdelay $0x1  }
0x1d2: {  	v4 =	vadd.s32 v1, v4;
	_ =	sdelay $0x3  }
0x1d3: {  	s24 =	simm.s32 $0x1B400;
	v3 =	vperm.xlane v3, v2  }
0x1d4: {  	[tilespmem:s24], [sflag:$0x5] =	stream.indirect_vreg.gather [hbm4b:s2+s3], $0x80, v4, vm0, $0xb8;
	[tilespmem:$0x1E400] =	vst v63  }
0x1d5: {  	s23 =	simm.s32 $0x1BC00;
	v3 =	vadd.s32 v1, v3  }
0x1d6: {  	[tilespmem:s23], [sflag:$0x5] =	stream.indirect_vreg.gather [hbm4b:s5+s3], $0x80, v4, vm0, $0xb8;
	[tilespmem:$0x1E400] =	vst v63  }
0x1d7: {  	s24 =	simm.s32 $0x1C400  }
0x1d8: {  	[tilespmem:s24], [sflag:$0x5] =	stream.indirect_vreg.gather [hbm4b:s6+s3], $0x80, v4, vm0, $0xb8;
	[tilespmem:$0x1E400] =	vst v63  }
0x1d9: {  	s22 =	simm.s32 $0x1CC00  }
0x1da: {  	[tilespmem:s22], [sflag:$0x5] =	stream.indirect_vreg.gather [hbm4b:s2+s3], $0x80, v3, vm0, $0xb8;
	[tilespmem:$0x1E400] =	vst v63  }
0x1db: {  	s22 =	simm.s32 $0x1D400  }
0x1dc: {  	[tilespmem:s22], [sflag:$0x5] =	stream.indirect_vreg.gather [hbm4b:s5+s3], $0x80, v3, vm0, $0xb8;
	[tilespmem:$0x1E400] =	vst v63  }
0x1dd: {  	s26 =	simm.s32 $0x1DC00  }
0x1de: {  	[tilespmem:s26], [sflag:$0x5] =	stream.indirect_vreg.gather [hbm4b:s6+s3], $0x80, v3, vm0, $0xb8;
	[tilespmem:$0x1E400] =	vst v63  }
0x1df: {  	_ =	swait.ge [sflag:s28], $0x6000  }
0x1e0: {  	[sflag:s28] =	ssyncset.done $0x0  }
0x1e1: {  	s9 =	simm.s32 $0xC400;
	s26 =	rddreg [dreg:$0xb];
	[sflag:s28] =	ssyncadd.s32 $0xFFFFA000  }
0x1e2: {  	[hbm4b:s26+s3] =	stream.linear.scatter [tilespmem:s9], [sflag:$0x8], $0x6000, $0x38;
	[tilespmem:$0x1E400] =	vst v63  }
0x1e3: {  	_ =	swait.ge [sflag:s14], $0x6000  }
0x1e4: {  	[sflag:s14] =	ssyncset.done $0x0  }
0x1e5: {  	[sflag:s14] =	ssyncadd.s32 $0xFFFFA000  }
0x1e6: {  	v3 =	vld [tilespmem:$0x140];
	_ =	sdelay $0x4  }
0x1e7: {  	v20 =	vshrl.u32 v3, $0x3  }
0x1e8: {  	v4 =	vmul.u32 $0x30, v20  }
0x1e9: {  	v3 =	vand.u32 $0x7, v3  }
0x1ea: {  	v3 =	vor.u32 v3, v4  }
0x1eb: {  	v4 =	vperm.xlane v3, v0;
	_ =	sdelay $0x1  }
0x1ec: {  	v4 =	vadd.s32 v1, v4;
	_ =	sdelay $0x3  }
0x1ed: {  	s0 =	simm.s32 $0x400;
	v3 =	vperm.xlane v3, v2  }
0x1ee: {  	[tilespmem:s0], [sflag:$0x1] =	stream.indirect_vreg.gather [hbm4b:s2+s3], $0x80, v4, vm0, $0xb8;
	[tilespmem:$0x1E400] =	vst v63  }
0x1ef: {  	s22 =	simm.s32 $0xC00;
	v3 =	vadd.s32 v1, v3  }
0x1f0: {  	[tilespmem:s22], [sflag:$0x1] =	stream.indirect_vreg.gather [hbm4b:s5+s3], $0x80, v4, vm0, $0xb8;
	[tilespmem:$0x1E400] =	vst v63  }
0x1f1: {  	_ = 	snop  }
0x1f2: {  	[tilespmem:s13], [sflag:$0x1] =	stream.indirect_vreg.gather [hbm4b:s6+s3], $0x80, v4, vm0, $0xb8;
	[tilespmem:$0x1E400] =	vst v63  }
0x1f3: {  	_ = 	snop  }
0x1f4: {  	[tilespmem:s25], [sflag:$0x1] =	stream.indirect_vreg.gather [hbm4b:s2+s3], $0x80, v3, vm0, $0xb8;
	[tilespmem:$0x1E400] =	vst v63  }
0x1f5: {  	s22 =	simm.s32 $0x2400  }
0x1f6: {  	[tilespmem:s22], [sflag:$0x1] =	stream.indirect_vreg.gather [hbm4b:s5+s3], $0x80, v3, vm0, $0xb8;
	[tilespmem:$0x1E400] =	vst v63  }
0x1f7: {  	s9 =	simm.s32 $0x2C00  }
0x1f8: {  	[tilespmem:s9], [sflag:$0x1] =	stream.indirect_vreg.gather [hbm4b:s6+s3], $0x80, v3, vm0, $0xb8;
	[tilespmem:$0x1E400] =	vst v63  }
0x1f9: {  	v3 =	vld [tilespmem:$0x150];
	_ =	sdelay $0x4  }
0x1fa: {  	v21 =	vshrl.u32 v3, $0x3  }
0x1fb: {  	v4 =	vmul.u32 $0x30, v21  }
0x1fc: {  	v3 =	vand.u32 $0x7, v3  }
0x1fd: {  	v3 =	vor.u32 v3, v4  }
0x1fe: {  	v4 =	vperm.xlane v3, v0;
	_ =	sdelay $0x1  }
0x1ff: {  	v4 =	vadd.s32 v1, v4;
	_ =	sdelay $0x3  }
0x200: {  	s25 =	simm.s32 $0x3400;
	v3 =	vperm.xlane v3, v2  }
0x201: {  	[tilespmem:s25], [sflag:$0x1] =	stream.indirect_vreg.gather [hbm4b:s2+s3], $0x80, v4, vm0, $0xb8;
	[tilespmem:$0x1E400] =	vst v63  }
0x202: {  	v3 =	vadd.s32 v1, v3  }
0x203: {  	[tilespmem:s29], [sflag:$0x1] =	stream.indirect_vreg.gather [hbm4b:s5+s3], $0x80, v4, vm0, $0xb8;
	[tilespmem:$0x1E400] =	vst v63  }
0x204: {  	_ = 	snop  }
0x205: {  	[tilespmem:s30], [sflag:$0x1] =	stream.indirect_vreg.gather [hbm4b:s6+s3], $0x80, v4, vm0, $0xb8;
	[tilespmem:$0x1E400] =	vst v63  }
0x206: {  	s22 =	simm.s32 $0x4C00  }
0x207: {  	[tilespmem:s22], [sflag:$0x1] =	stream.indirect_vreg.gather [hbm4b:s2+s3], $0x80, v3, vm0, $0xb8;
	[tilespmem:$0x1E400] =	vst v63  }
0x208: {  	_ = 	snop  }
0x209: {  	[tilespmem:s31], [sflag:$0x1] =	stream.indirect_vreg.gather [hbm4b:s5+s3], $0x80, v3, vm0, $0xb8;
	[tilespmem:$0x1E400] =	vst v63  }
0x20a: {  	s25 =	simm.s32 $0x5C00  }
0x20b: {  	[tilespmem:s25], [sflag:$0x1] =	stream.indirect_vreg.gather [hbm4b:s6+s3], $0x80, v3, vm0, $0xb8;
	[tilespmem:$0x1E400] =	vst v63  }
0x20c: {  	_ =	swait.ge [sflag:s15], $0x6000  }
0x20d: {  	[sflag:s15] =	ssyncset.done $0x0  }
0x20e: {  	s7 =	simm.s32 $0x12400;
	s29 =	rddreg [dreg:$0xc];
	[sflag:s15] =	ssyncadd.s32 $0xFFFFA000  }
0x20f: {  	[hbm4b:s29+s3] =	stream.linear.scatter [tilespmem:s7], [sflag:$0x9], $0x6000, $0x38;
	[tilespmem:$0x1E400] =	vst v63  }
0x210: {  	_ =	swait.ge [sflag:s16], $0x6000  }
0x211: {  	[sflag:s16] =	ssyncset.done $0x0  }
0x212: {  	[sflag:s16] =	ssyncadd.s32 $0xFFFFA000  }
0x213: {  	v3 =	vld [tilespmem:$0x160];
	_ =	sdelay $0x4  }
0x214: {  	v22 =	vshrl.u32 v3, $0x3  }
0x215: {  	v4 =	vmul.u32 $0x30, v22  }
0x216: {  	v3 =	vand.u32 $0x7, v3  }
0x217: {  	v3 =	vor.u32 v3, v4  }
0x218: {  	v4 =	vperm.xlane v3, v0;
	_ =	sdelay $0x1  }
0x219: {  	v4 =	vadd.s32 v1, v4;
	_ =	sdelay $0x3  }
0x21a: {  	s4 =	simm.s32 $0x6400;
	v3 =	vperm.xlane v3, v2  }
0x21b: {  	[tilespmem:s4], [sflag:$0x2] =	stream.indirect_vreg.gather [hbm4b:s2+s3], $0x80, v4, vm0, $0xb8;
	[tilespmem:$0x1E400] =	vst v63  }
0x21c: {  	s30 =	simm.s32 $0x6C00;
	v3 =	vadd.s32 v1, v3  }
0x21d: {  	[tilespmem:s30], [sflag:$0x2] =	stream.indirect_vreg.gather [hbm4b:s5+s3], $0x80, v4, vm0, $0xb8;
	[tilespmem:$0x1E400] =	vst v63  }
0x21e: {  	s7 =	simm.s32 $0x7400  }
0x21f: {  	[tilespmem:s7], [sflag:$0x2] =	stream.indirect_vreg.gather [hbm4b:s6+s3], $0x80, v4, vm0, $0xb8;
	[tilespmem:$0x1E400] =	vst v63  }
0x220: {  	s31 =	simm.s32 $0x7C00  }
0x221: {  	[tilespmem:s31], [sflag:$0x2] =	stream.indirect_vreg.gather [hbm4b:s2+s3], $0x80, v3, vm0, $0xb8;
	[tilespmem:$0x1E400] =	vst v63  }
0x222: {  	s22 =	simm.s32 $0x8400  }
0x223: {  	[tilespmem:s22], [sflag:$0x2] =	stream.indirect_vreg.gather [hbm4b:s5+s3], $0x80, v3, vm0, $0xb8;
	[tilespmem:$0x1E400] =	vst v63  }
0x224: {  	s29 =	simm.s32 $0x8C00  }
0x225: {  	[tilespmem:s29], [sflag:$0x2] =	stream.indirect_vreg.gather [hbm4b:s6+s3], $0x80, v3, vm0, $0xb8;
	[tilespmem:$0x1E400] =	vst v63  }
0x226: {  	v3 =	vld [tilespmem:$0x170];
	_ =	sdelay $0x4  }
0x227: {  	v23 =	vshrl.u32 v3, $0x3  }
0x228: {  	v4 =	vmul.u32 $0x30, v23  }
0x229: {  	v3 =	vand.u32 $0x7, v3  }
0x22a: {  	v3 =	vor.u32 v3, v4  }
0x22b: {  	v4 =	vperm.xlane v3, v0;
	_ =	sdelay $0x1  }
0x22c: {  	v4 =	vadd.s32 v1, v4;
	_ =	sdelay $0x3  }
0x22d: {  	s30 =	simm.s32 $0x9400;
	v3 =	vperm.xlane v3, v2  }
0x22e: {  	[tilespmem:s30], [sflag:$0x2] =	stream.indirect_vreg.gather [hbm4b:s2+s3], $0x80, v4, vm0, $0xb8;
	[tilespmem:$0x1E400] =	vst v63  }
0x22f: {  	s31 =	simm.s32 $0x9C00;
	v3 =	vadd.s32 v1, v3  }
0x230: {  	[tilespmem:s31], [sflag:$0x2] =	stream.indirect_vreg.gather [hbm4b:s5+s3], $0x80, v4, vm0, $0xb8;
	[tilespmem:$0x1E400] =	vst v63  }
0x231: {  	s29 =	simm.s32 $0xA400  }
0x232: {  	[tilespmem:s29], [sflag:$0x2] =	stream.indirect_vreg.gather [hbm4b:s6+s3], $0x80, v4, vm0, $0xb8;
	[tilespmem:$0x1E400] =	vst v63  }
0x233: {  	s30 =	simm.s32 $0xAC00  }
0x234: {  	[tilespmem:s30], [sflag:$0x2] =	stream.indirect_vreg.gather [hbm4b:s2+s3], $0x80, v3, vm0, $0xb8;
	[tilespmem:$0x1E400] =	vst v63  }
0x235: {  	s31 =	simm.s32 $0xB400  }
0x236: {  	[tilespmem:s31], [sflag:$0x2] =	stream.indirect_vreg.gather [hbm4b:s5+s3], $0x80, v3, vm0, $0xb8;
	[tilespmem:$0x1E400] =	vst v63  }
0x237: {  	s22 =	simm.s32 $0xBC00  }
0x238: {  	[tilespmem:s22], [sflag:$0x2] =	stream.indirect_vreg.gather [hbm4b:s6+s3], $0x80, v3, vm0, $0xb8;
	[tilespmem:$0x1E400] =	vst v63  }
0x239: {  	_ =	swait.ge [sflag:s17], $0x6000  }
0x23a: {  	[sflag:s17] =	ssyncset.done $0x0  }
0x23b: {  	s1 =	simm.s32 $0x18400;
	s13 =	rddreg [dreg:$0xd];
	[sflag:s17] =	ssyncadd.s32 $0xFFFFA000  }
0x23c: {  	[hbm4b:s13+s3] =	stream.linear.scatter [tilespmem:s1], [sflag:$0xA], $0x6000, $0x38;
	[tilespmem:$0x1E400] =	vst v63  }
0x23d: {  	_ =	swait.ge [sflag:s18], $0x6000  }
0x23e: {  	[sflag:s18] =	ssyncset.done $0x0  }
0x23f: {  	[sflag:s18] =	ssyncadd.s32 $0xFFFFA000  }
0x240: {  	v3 =	vld [tilespmem:$0x180];
	_ =	sdelay $0x4  }
0x241: {  	v24 =	vshrl.u32 v3, $0x3  }
0x242: {  	v4 =	vmul.u32 $0x30, v24  }
0x243: {  	v3 =	vand.u32 $0x7, v3  }
0x244: {  	v3 =	vor.u32 v3, v4  }
0x245: {  	v4 =	vperm.xlane v3, v0;
	_ =	sdelay $0x1  }
0x246: {  	v4 =	vadd.s32 v1, v4;
	_ =	sdelay $0x3  }
0x247: {  	s26 =	simm.s32 $0xC400;
	v3 =	vperm.xlane v3, v2  }
0x248: {  	[tilespmem:s26], [sflag:$0x3] =	stream.indirect_vreg.gather [hbm4b:s2+s3], $0x80, v4, vm0, $0xb8;
	[tilespmem:$0x1E400] =	vst v63  }
0x249: {  	s22 =	simm.s32 $0xCC00;
	v3 =	vadd.s32 v1, v3  }
0x24a: {  	[tilespmem:s22], [sflag:$0x3] =	stream.indirect_vreg.gather [hbm4b:s5+s3], $0x80, v4, vm0, $0xb8;
	[tilespmem:$0x1E400] =	vst v63  }
0x24b: {  	s22 =	simm.s32 $0xD400  }
0x24c: {  	[tilespmem:s22], [sflag:$0x3] =	stream.indirect_vreg.gather [hbm4b:s6+s3], $0x80, v4, vm0, $0xb8;
	[tilespmem:$0x1E400] =	vst v63  }
0x24d: {  	s22 =	simm.s32 $0xDC00  }
0x24e: {  	[tilespmem:s22], [sflag:$0x3] =	stream.indirect_vreg.gather [hbm4b:s2+s3], $0x80, v3, vm0, $0xb8;
	[tilespmem:$0x1E400] =	vst v63  }
0x24f: {  	s22 =	simm.s32 $0xE400  }
0x250: {  	[tilespmem:s22], [sflag:$0x3] =	stream.indirect_vreg.gather [hbm4b:s5+s3], $0x80, v3, vm0, $0xb8;
	[tilespmem:$0x1E400] =	vst v63  }
0x251: {  	s22 =	simm.s32 $0xEC00  }
0x252: {  	[tilespmem:s22], [sflag:$0x3] =	stream.indirect_vreg.gather [hbm4b:s6+s3], $0x80, v3, vm0, $0xb8;
	[tilespmem:$0x1E400] =	vst v63  }
0x253: {  	v3 =	vld [tilespmem:$0x190];
	_ =	sdelay $0x4  }
0x254: {  	v25 =	vshrl.u32 v3, $0x3  }
0x255: {  	v4 =	vmul.u32 $0x30, v25  }
0x256: {  	v3 =	vand.u32 $0x7, v3  }
0x257: {  	v3 =	vor.u32 v3, v4  }
0x258: {  	v4 =	vperm.xlane v3, v0;
	_ =	sdelay $0x1  }
0x259: {  	v4 =	vadd.s32 v1, v4;
	_ =	sdelay $0x3  }
0x25a: {  	s22 =	simm.s32 $0xF400;
	v3 =	vperm.xlane v3, v2  }
0x25b: {  	[tilespmem:s22], [sflag:$0x3] =	stream.indirect_vreg.gather [hbm4b:s2+s3], $0x80, v4, vm0, $0xb8;
	[tilespmem:$0x1E400] =	vst v63  }
0x25c: {  	v3 =	vadd.s32 v1, v3;
	s22 =	simm.s32 $0xFC00  }
0x25d: {  	[tilespmem:s22], [sflag:$0x3] =	stream.indirect_vreg.gather [hbm4b:s5+s3], $0x80, v4, vm0, $0xb8;
	[tilespmem:$0x1E400] =	vst v63  }
0x25e: {  	s22 =	simm.s32 $0x10400  }
0x25f: {  	[tilespmem:s22], [sflag:$0x3] =	stream.indirect_vreg.gather [hbm4b:s6+s3], $0x80, v4, vm0, $0xb8;
	[tilespmem:$0x1E400] =	vst v63  }
0x260: {  	s22 =	simm.s32 $0x10C00  }
0x261: {  	[tilespmem:s22], [sflag:$0x3] =	stream.indirect_vreg.gather [hbm4b:s2+s3], $0x80, v3, vm0, $0xb8;
	[tilespmem:$0x1E400] =	vst v63  }
0x262: {  	s22 =	simm.s32 $0x11400  }
0x263: {  	[tilespmem:s22], [sflag:$0x3] =	stream.indirect_vreg.gather [hbm4b:s5+s3], $0x80, v3, vm0, $0xb8;
	[tilespmem:$0x1E400] =	vst v63  }
0x264: {  	s22 =	simm.s32 $0x11C00  }
0x265: {  	[tilespmem:s22], [sflag:$0x3] =	stream.indirect_vreg.gather [hbm4b:s6+s3], $0x80, v3, vm0, $0xb8;
	[tilespmem:$0x1E400] =	vst v63  }
0x266: {  	_ =	swait.ge [sflag:s8], $0x6000  }
0x267: {  	[sflag:s8] =	ssyncset.done $0x0  }
0x268: {  	s0 =	simm.s32 $0x400;
	s1 =	rddreg [dreg:$0xe];
	[sflag:s8] =	ssyncadd.s32 $0xFFFFA000  }
0x269: {  	[hbm4b:s1+s3] =	stream.linear.scatter [tilespmem:s0], [sflag:$0x6], $0x6000, $0x38;
	[tilespmem:$0x1E400] =	vst v63  }
0x26a: {  	_ =	swait.ge [sflag:s19], $0x6000  }
0x26b: {  	[sflag:s19] =	ssyncset.done $0x0  }
0x26c: {  	[sflag:s19] =	ssyncadd.s32 $0xFFFFA000  }
0x26d: {  	v3 =	vld [tilespmem:$0x1A0];
	_ =	sdelay $0x4  }
0x26e: {  	v26 =	vshrl.u32 v3, $0x3  }
0x26f: {  	v4 =	vmul.u32 $0x30, v26  }
0x270: {  	v3 =	vand.u32 $0x7, v3  }
0x271: {  	v3 =	vor.u32 v3, v4  }
0x272: {  	v4 =	vperm.xlane v3, v0;
	_ =	sdelay $0x1  }
0x273: {  	v4 =	vadd.s32 v1, v4;
	_ =	sdelay $0x3  }
0x274: {  	s25 =	simm.s32 $0x12400;
	v3 =	vperm.xlane v3, v2  }
0x275: {  	[tilespmem:s25], [sflag:$0x4] =	stream.indirect_vreg.gather [hbm4b:s2+s3], $0x80, v4, vm0, $0xb8;
	[tilespmem:$0x1E400] =	vst v63  }
0x276: {  	s22 =	simm.s32 $0x12C00;
	v3 =	vadd.s32 v1, v3  }
0x277: {  	[tilespmem:s22], [sflag:$0x4] =	stream.indirect_vreg.gather [hbm4b:s5+s3], $0x80, v4, vm0, $0xb8;
	[tilespmem:$0x1E400] =	vst v63  }
0x278: {  	s22 =	simm.s32 $0x13400  }
0x279: {  	[tilespmem:s22], [sflag:$0x4] =	stream.indirect_vreg.gather [hbm4b:s6+s3], $0x80, v4, vm0, $0xb8;
	[tilespmem:$0x1E400] =	vst v63  }
0x27a: {  	s22 =	simm.s32 $0x13C00  }
0x27b: {  	[tilespmem:s22], [sflag:$0x4] =	stream.indirect_vreg.gather [hbm4b:s2+s3], $0x80, v3, vm0, $0xb8;
	[tilespmem:$0x1E400] =	vst v63  }
0x27c: {  	s22 =	simm.s32 $0x14400  }
0x27d: {  	[tilespmem:s22], [sflag:$0x4] =	stream.indirect_vreg.gather [hbm4b:s5+s3], $0x80, v3, vm0, $0xb8;
	[tilespmem:$0x1E400] =	vst v63  }
0x27e: {  	s22 =	simm.s32 $0x14C00  }
0x27f: {  	[tilespmem:s22], [sflag:$0x4] =	stream.indirect_vreg.gather [hbm4b:s6+s3], $0x80, v3, vm0, $0xb8;
	[tilespmem:$0x1E400] =	vst v63  }
0x280: {  	v3 =	vld [tilespmem:$0x1B0];
	_ =	sdelay $0x4  }
0x281: {  	v27 =	vshrl.u32 v3, $0x3  }
0x282: {  	v4 =	vmul.u32 $0x30, v27  }
0x283: {  	v3 =	vand.u32 $0x7, v3  }
0x284: {  	v3 =	vor.u32 v3, v4  }
0x285: {  	v4 =	vperm.xlane v3, v0;
	_ =	sdelay $0x1  }
0x286: {  	v4 =	vadd.s32 v1, v4;
	_ =	sdelay $0x3  }
0x287: {  	s22 =	simm.s32 $0x15400;
	v3 =	vperm.xlane v3, v2  }
0x288: {  	[tilespmem:s22], [sflag:$0x4] =	stream.indirect_vreg.gather [hbm4b:s2+s3], $0x80, v4, vm0, $0xb8;
	[tilespmem:$0x1E400] =	vst v63  }
0x289: {  	v3 =	vadd.s32 v1, v3;
	s22 =	simm.s32 $0x15C00  }
0x28a: {  	[tilespmem:s22], [sflag:$0x4] =	stream.indirect_vreg.gather [hbm4b:s5+s3], $0x80, v4, vm0, $0xb8;
	[tilespmem:$0x1E400] =	vst v63  }
0x28b: {  	s22 =	simm.s32 $0x16400  }
0x28c: {  	[tilespmem:s22], [sflag:$0x4] =	stream.indirect_vreg.gather [hbm4b:s6+s3], $0x80, v4, vm0, $0xb8;
	[tilespmem:$0x1E400] =	vst v63  }
0x28d: {  	s22 =	simm.s32 $0x16C00  }
0x28e: {  	[tilespmem:s22], [sflag:$0x4] =	stream.indirect_vreg.gather [hbm4b:s2+s3], $0x80, v3, vm0, $0xb8;
	[tilespmem:$0x1E400] =	vst v63  }
0x28f: {  	s22 =	simm.s32 $0x17400  }
0x290: {  	[tilespmem:s22], [sflag:$0x4] =	stream.indirect_vreg.gather [hbm4b:s5+s3], $0x80, v3, vm0, $0xb8;
	[tilespmem:$0x1E400] =	vst v63  }
0x291: {  	s22 =	simm.s32 $0x17C00  }
0x292: {  	[tilespmem:s22], [sflag:$0x4] =	stream.indirect_vreg.gather [hbm4b:s6+s3], $0x80, v3, vm0, $0xb8;
	[tilespmem:$0x1E400] =	vst v63  }
0x293: {  	_ =	swait.ge [sflag:s11], $0x6000  }
0x294: {  	[sflag:s11] =	ssyncset.done $0x0  }
0x295: {  	s4 =	simm.s32 $0x6400;
	s0 =	rddreg [dreg:$0xf];
	[sflag:s11] =	ssyncadd.s32 $0xFFFFA000  }
0x296: {  	[hbm4b:s0+s3] =	stream.linear.scatter [tilespmem:s4], [sflag:$0x7], $0x6000, $0x38;
	[tilespmem:$0x1E400] =	vst v63  }
0x297: {  	_ =	swait.ge [sflag:s20], $0x6000  }
0x298: {  	[sflag:s20] =	ssyncset.done $0x0  }
0x299: {  	[sflag:s20] =	ssyncadd.s32 $0xFFFFA000  }
0x29a: {  	v3 =	vld [tilespmem:$0x1C0];
	_ =	sdelay $0x4  }
0x29b: {  	v28 =	vshrl.u32 v3, $0x3  }
0x29c: {  	v4 =	vmul.u32 $0x30, v28  }
0x29d: {  	v3 =	vand.u32 $0x7, v3  }
0x29e: {  	v3 =	vor.u32 v3, v4  }
0x29f: {  	v4 =	vperm.xlane v3, v0;
	_ =	sdelay $0x1  }
0x2a0: {  	v4 =	vadd.s32 v1, v4;
	_ =	sdelay $0x3  }
0x2a1: {  	s13 =	simm.s32 $0x18400;
	v3 =	vperm.xlane v3, v2  }
0x2a2: {  	[tilespmem:s13], [sflag:$0x5] =	stream.indirect_vreg.gather [hbm4b:s2+s3], $0x80, v4, vm0, $0xb8;
	[tilespmem:$0x1E400] =	vst v63  }
0x2a3: {  	s22 =	simm.s32 $0x18C00;
	v3 =	vadd.s32 v1, v3  }
0x2a4: {  	[tilespmem:s22], [sflag:$0x5] =	stream.indirect_vreg.gather [hbm4b:s5+s3], $0x80, v4, vm0, $0xb8;
	[tilespmem:$0x1E400] =	vst v63  }
0x2a5: {  	_ = 	snop  }
0x2a6: {  	[tilespmem:s10], [sflag:$0x5] =	stream.indirect_vreg.gather [hbm4b:s6+s3], $0x80, v4, vm0, $0xb8;
	[tilespmem:$0x1E400] =	vst v63  }
0x2a7: {  	_ = 	snop  }
0x2a8: {  	[tilespmem:s12], [sflag:$0x5] =	stream.indirect_vreg.gather [hbm4b:s2+s3], $0x80, v3, vm0, $0xb8;
	[tilespmem:$0x1E400] =	vst v63  }
0x2a9: {  	_ = 	snop  }
0x2aa: {  	[tilespmem:s21], [sflag:$0x5] =	stream.indirect_vreg.gather [hbm4b:s5+s3], $0x80, v3, vm0, $0xb8;
	[tilespmem:$0x1E400] =	vst v63  }
0x2ab: {  	s12 =	simm.s32 $0x1AC00  }
0x2ac: {  	[tilespmem:s12], [sflag:$0x5] =	stream.indirect_vreg.gather [hbm4b:s6+s3], $0x80, v3, vm0, $0xb8;
	[tilespmem:$0x1E400] =	vst v63  }
0x2ad: {  	v3 =	vld [tilespmem:$0x1D0];
	_ =	sdelay $0x4  }
0x2ae: {  	v29 =	vshrl.u32 v3, $0x3  }
0x2af: {  	v4 =	vmul.u32 $0x30, v29  }
0x2b0: {  	v3 =	vand.u32 $0x7, v3  }
0x2b1: {  	v3 =	vor.u32 v3, v4  }
0x2b2: {  	v4 =	vperm.xlane v3, v0;
	_ =	sdelay $0x1  }
0x2b3: {  	v4 =	vadd.s32 v1, v4;
	_ =	sdelay $0x3  }
0x2b4: {  	s22 =	simm.s32 $0x1B400;
	v3 =	vperm.xlane v3, v2  }
0x2b5: {  	[tilespmem:s22], [sflag:$0x5] =	stream.indirect_vreg.gather [hbm4b:s2+s3], $0x80, v4, vm0, $0xb8;
	[tilespmem:$0x1E400] =	vst v63  }
0x2b6: {  	v3 =	vadd.s32 v1, v3  }
0x2b7: {  	[tilespmem:s23], [sflag:$0x5] =	stream.indirect_vreg.gather [hbm4b:s5+s3], $0x80, v4, vm0, $0xb8;
	[tilespmem:$0x1E400] =	vst v63  }
0x2b8: {  	_ = 	snop  }
0x2b9: {  	[tilespmem:s24], [sflag:$0x5] =	stream.indirect_vreg.gather [hbm4b:s6+s3], $0x80, v4, vm0, $0xb8;
	[tilespmem:$0x1E400] =	vst v63  }
0x2ba: {  	s10 =	simm.s32 $0x1CC00  }
0x2bb: {  	[tilespmem:s10], [sflag:$0x5] =	stream.indirect_vreg.gather [hbm4b:s2+s3], $0x80, v3, vm0, $0xb8;
	[tilespmem:$0x1E400] =	vst v63  }
0x2bc: {  	s22 =	simm.s32 $0x1D400  }
0x2bd: {  	[tilespmem:s22], [sflag:$0x5] =	stream.indirect_vreg.gather [hbm4b:s5+s3], $0x80, v3, vm0, $0xb8;
	[tilespmem:$0x1E400] =	vst v63  }
0x2be: {  	s10 =	simm.s32 $0x1DC00  }
0x2bf: {  	[tilespmem:s10], [sflag:$0x5] =	stream.indirect_vreg.gather [hbm4b:s6+s3], $0x80, v3, vm0, $0xb8;
	[tilespmem:$0x1E400] =	vst v63  }
0x2c0: {  	_ =	swait.ge [sflag:s28], $0x6000  }
0x2c1: {  	[sflag:s28] =	ssyncset.done $0x0  }
0x2c2: {  	s26 =	simm.s32 $0xC400;
	s4 =	rddreg [dreg:$0x10];
	[sflag:s28] =	ssyncadd.s32 $0xFFFFA000  }
0x2c3: {  	[hbm4b:s4+s3] =	stream.linear.scatter [tilespmem:s26], [sflag:$0x8], $0x6000, $0x38;
	[tilespmem:$0x1E400] =	vst v63  }
0x2c4: {  	_ =	swait.ge [sflag:s14], $0x6000  }
0x2c5: {  	[sflag:s14] =	ssyncset.done $0x0  }
0x2c6: {  	[sflag:s14] =	ssyncadd.s32 $0xFFFFA000  }
0x2c7: {  	v3 =	vld [tilespmem:$0x1E0];
	_ =	sdelay $0x4  }
0x2c8: {  	v30 =	vshrl.u32 v3, $0x3  }
0x2c9: {  	v4 =	vmul.u32 $0x30, v30  }
0x2ca: {  	v3 =	vand.u32 $0x7, v3  }
0x2cb: {  	v3 =	vor.u32 v3, v4  }
0x2cc: {  	v4 =	vperm.xlane v3, v0;
	_ =	sdelay $0x1  }
0x2cd: {  	v4 =	vadd.s32 v1, v4;
	_ =	sdelay $0x3  }
0x2ce: {  	s1 =	simm.s32 $0x400;
	v3 =	vperm.xlane v3, v2  }
0x2cf: {  	[tilespmem:s1], [sflag:$0x1] =	stream.indirect_vreg.gather [hbm4b:s2+s3], $0x80, v4, vm0, $0xb8;
	[tilespmem:$0x1E400] =	vst v63  }
0x2d0: {  	s26 =	simm.s32 $0xC00;
	v3 =	vadd.s32 v1, v3  }
0x2d1: {  	[tilespmem:s26], [sflag:$0x1] =	stream.indirect_vreg.gather [hbm4b:s5+s3], $0x80, v4, vm0, $0xb8;
	[tilespmem:$0x1E400] =	vst v63  }
0x2d2: {  	s26 =	simm.s32 $0x1400  }
0x2d3: {  	[tilespmem:s26], [sflag:$0x1] =	stream.indirect_vreg.gather [hbm4b:s6+s3], $0x80, v4, vm0, $0xb8;
	[tilespmem:$0x1E400] =	vst v63  }
0x2d4: {  	s26 =	simm.s32 $0x1C00  }
0x2d5: {  	[tilespmem:s26], [sflag:$0x1] =	stream.indirect_vreg.gather [hbm4b:s2+s3], $0x80, v3, vm0, $0xb8;
	[tilespmem:$0x1E400] =	vst v63  }
0x2d6: {  	s26 =	simm.s32 $0x2400  }
0x2d7: {  	[tilespmem:s26], [sflag:$0x1] =	stream.indirect_vreg.gather [hbm4b:s5+s3], $0x80, v3, vm0, $0xb8;
	[tilespmem:$0x1E400] =	vst v63  }
0x2d8: {  	_ = 	snop  }
0x2d9: {  	[tilespmem:s9], [sflag:$0x1] =	stream.indirect_vreg.gather [hbm4b:s6+s3], $0x80, v3, vm0, $0xb8;
	[tilespmem:$0x1E400] =	vst v63  }
0x2da: {  	v3 =	vld [tilespmem:$0x1F0];
	_ =	sdelay $0x4  }
0x2db: {  	v31 =	vshrl.u32 v3, $0x3  }
0x2dc: {  	v4 =	vmul.u32 $0x30, v31  }
0x2dd: {  	v3 =	vand.u32 $0x7, v3  }
0x2de: {  	v3 =	vor.u32 v3, v4  }
0x2df: {  	v4 =	vperm.xlane v3, v0;
	_ =	sdelay $0x1  }
0x2e0: {  	v4 =	vadd.s32 v1, v4;
	_ =	sdelay $0x3  }
0x2e1: {  	s22 =	simm.s32 $0x3400;
	v3 =	vperm.xlane v3, v2  }
0x2e2: {  	[tilespmem:s22], [sflag:$0x1] =	stream.indirect_vreg.gather [hbm4b:s2+s3], $0x80, v4, vm0, $0xb8;
	[tilespmem:$0x1E400] =	vst v63  }
0x2e3: {  	s26 =	simm.s32 $0x3C00;
	v3 =	vadd.s32 v1, v3  }
0x2e4: {  	[tilespmem:s26], [sflag:$0x1] =	stream.indirect_vreg.gather [hbm4b:s5+s3], $0x80, v4, vm0, $0xb8;
	[tilespmem:$0x1E400] =	vst v63  }
0x2e5: {  	s22 =	simm.s32 $0x4400  }
0x2e6: {  	[tilespmem:s22], [sflag:$0x1] =	stream.indirect_vreg.gather [hbm4b:s6+s3], $0x80, v4, vm0, $0xb8;
	[tilespmem:$0x1E400] =	vst v63  }
0x2e7: {  	s26 =	simm.s32 $0x4C00  }
0x2e8: {  	[tilespmem:s26], [sflag:$0x1] =	stream.indirect_vreg.gather [hbm4b:s2+s3], $0x80, v3, vm0, $0xb8;
	[tilespmem:$0x1E400] =	vst v63  }
0x2e9: {  	s22 =	simm.s32 $0x5400  }
0x2ea: {  	[tilespmem:s22], [sflag:$0x1] =	stream.indirect_vreg.gather [hbm4b:s5+s3], $0x80, v3, vm0, $0xb8;
	[tilespmem:$0x1E400] =	vst v63  }
0x2eb: {  	s26 =	simm.s32 $0x5C00  }
0x2ec: {  	[tilespmem:s26], [sflag:$0x1] =	stream.indirect_vreg.gather [hbm4b:s6+s3], $0x80, v3, vm0, $0xb8;
	[tilespmem:$0x1E400] =	vst v63  }
0x2ed: {  	_ =	swait.ge [sflag:s15], $0x6000  }
0x2ee: {  	[sflag:s15] =	ssyncset.done $0x0  }
0x2ef: {  	s25 =	simm.s32 $0x12400;
	s9 =	rddreg [dreg:$0x11];
	[sflag:s15] =	ssyncadd.s32 $0xFFFFA000  }
0x2f0: {  	[hbm4b:s9+s3] =	stream.linear.scatter [tilespmem:s25], [sflag:$0x9], $0x6000, $0x38;
	[tilespmem:$0x1E400] =	vst v63  }
0x2f1: {  	_ =	swait.ge [sflag:s16], $0x6000  }
0x2f2: {  	[sflag:s16] =	ssyncset.done $0x0  }
0x2f3: {  	[sflag:s16] =	ssyncadd.s32 $0xFFFFA000  }
0x2f4: {  	v3 =	vld [tilespmem:$0x200];
	_ =	sdelay $0x4  }
0x2f5: {  	v32 =	vshrl.u32 v3, $0x3  }
0x2f6: {  	v4 =	vmul.u32 $0x30, v32  }
0x2f7: {  	v3 =	vand.u32 $0x7, v3  }
0x2f8: {  	v3 =	vor.u32 v3, v4  }
0x2f9: {  	v4 =	vperm.xlane v3, v0;
	_ =	sdelay $0x1  }
0x2fa: {  	v4 =	vadd.s32 v1, v4;
	_ =	sdelay $0x3  }
0x2fb: {  	s0 =	simm.s32 $0x6400;
	v3 =	vperm.xlane v3, v2  }
0x2fc: {  	[tilespmem:s0], [sflag:$0x2] =	stream.indirect_vreg.gather [hbm4b:s2+s3], $0x80, v4, vm0, $0xb8;
	[tilespmem:$0x1E400] =	vst v63  }
0x2fd: {  	s26 =	simm.s32 $0x6C00;
	v3 =	vadd.s32 v1, v3  }
0x2fe: {  	[tilespmem:s26], [sflag:$0x2] =	stream.indirect_vreg.gather [hbm4b:s5+s3], $0x80, v4, vm0, $0xb8;
	[tilespmem:$0x1E400] =	vst v63  }
0x2ff: {  	_ = 	snop  }
0x300: {  	[tilespmem:s7], [sflag:$0x2] =	stream.indirect_vreg.gather [hbm4b:s6+s3], $0x80, v4, vm0, $0xb8;
	[tilespmem:$0x1E400] =	vst v63  }
0x301: {  	s25 =	simm.s32 $0x7C00  }
0x302: {  	[tilespmem:s25], [sflag:$0x2] =	stream.indirect_vreg.gather [hbm4b:s2+s3], $0x80, v3, vm0, $0xb8;
	[tilespmem:$0x1E400] =	vst v63  }
0x303: {  	s26 =	simm.s32 $0x8400  }
0x304: {  	[tilespmem:s26], [sflag:$0x2] =	stream.indirect_vreg.gather [hbm4b:s5+s3], $0x80, v3, vm0, $0xb8;
	[tilespmem:$0x1E400] =	vst v63  }
0x305: {  	s22 =	simm.s32 $0x8C00  }
0x306: {  	[tilespmem:s22], [sflag:$0x2] =	stream.indirect_vreg.gather [hbm4b:s6+s3], $0x80, v3, vm0, $0xb8;
	[tilespmem:$0x1E400] =	vst v63  }
0x307: {  	v3 =	vld [tilespmem:$0x210];
	_ =	sdelay $0x4  }
0x308: {  	v33 =	vshrl.u32 v3, $0x3  }
0x309: {  	v4 =	vmul.u32 $0x30, v33  }
0x30a: {  	v3 =	vand.u32 $0x7, v3  }
0x30b: {  	v3 =	vor.u32 v3, v4  }
0x30c: {  	v4 =	vperm.xlane v3, v0;
	_ =	sdelay $0x1  }
0x30d: {  	v4 =	vadd.s32 v1, v4;
	_ =	sdelay $0x3  }
0x30e: {  	s22 =	simm.s32 $0x9400;
	v3 =	vperm.xlane v3, v2  }
0x30f: {  	[tilespmem:s22], [sflag:$0x2] =	stream.indirect_vreg.gather [hbm4b:s2+s3], $0x80, v4, vm0, $0xb8;
	[tilespmem:$0x1E400] =	vst v63  }
0x310: {  	v3 =	vadd.s32 v1, v3;
	s22 =	simm.s32 $0x9C00  }
0x311: {  	[tilespmem:s22], [sflag:$0x2] =	stream.indirect_vreg.gather [hbm4b:s5+s3], $0x80, v4, vm0, $0xb8;
	[tilespmem:$0x1E400] =	vst v63  }
0x312: {  	_ = 	snop  }
0x313: {  	[tilespmem:s29], [sflag:$0x2] =	stream.indirect_vreg.gather [hbm4b:s6+s3], $0x80, v4, vm0, $0xb8;
	[tilespmem:$0x1E400] =	vst v63  }
0x314: {  	_ = 	snop  }
0x315: {  	[tilespmem:s30], [sflag:$0x2] =	stream.indirect_vreg.gather [hbm4b:s2+s3], $0x80, v3, vm0, $0xb8;
	[tilespmem:$0x1E400] =	vst v63  }
0x316: {  	_ = 	snop  }
0x317: {  	[tilespmem:s31], [sflag:$0x2] =	stream.indirect_vreg.gather [hbm4b:s5+s3], $0x80, v3, vm0, $0xb8;
	[tilespmem:$0x1E400] =	vst v63  }
0x318: {  	s22 =	simm.s32 $0xBC00  }
0x319: {  	[tilespmem:s22], [sflag:$0x2] =	stream.indirect_vreg.gather [hbm4b:s6+s3], $0x80, v3, vm0, $0xb8;
	[tilespmem:$0x1E400] =	vst v63  }
0x31a: {  	_ =	swait.ge [sflag:s17], $0x6000  }
0x31b: {  	[sflag:s17] =	ssyncset.done $0x0  }
0x31c: {  	s13 =	simm.s32 $0x18400;
	s22 =	rddreg [dreg:$0x12];
	[sflag:s17] =	ssyncadd.s32 $0xFFFFA000  }
0x31d: {  	[hbm4b:s22+s3] =	stream.linear.scatter [tilespmem:s13], [sflag:$0xA], $0x6000, $0x38;
	[tilespmem:$0x1E400] =	vst v63  }
0x31e: {  	_ =	swait.ge [sflag:s18], $0x6000  }
0x31f: {  	[sflag:s18] =	ssyncset.done $0x0  }
0x320: {  	[sflag:s18] =	ssyncadd.s32 $0xFFFFA000  }
0x321: {  	v3 =	vld [tilespmem:$0x220];
	_ =	sdelay $0x4  }
0x322: {  	v34 =	vshrl.u32 v3, $0x3  }
0x323: {  	v4 =	vmul.u32 $0x30, v34  }
0x324: {  	v3 =	vand.u32 $0x7, v3  }
0x325: {  	v3 =	vor.u32 v3, v4  }
0x326: {  	v4 =	vperm.xlane v3, v0;
	_ =	sdelay $0x1  }
0x327: {  	v4 =	vadd.s32 v1, v4;
	_ =	sdelay $0x3  }
0x328: {  	s4 =	simm.s32 $0xC400;
	v3 =	vperm.xlane v3, v2  }
0x329: {  	[tilespmem:s4], [sflag:$0x3] =	stream.indirect_vreg.gather [hbm4b:s2+s3], $0x80, v4, vm0, $0xb8;
	[tilespmem:$0x1E400] =	vst v63  }
0x32a: {  	s22 =	simm.s32 $0xCC00;
	v3 =	vadd.s32 v1, v3  }
0x32b: {  	[tilespmem:s22], [sflag:$0x3] =	stream.indirect_vreg.gather [hbm4b:s5+s3], $0x80, v4, vm0, $0xb8;
	[tilespmem:$0x1E400] =	vst v63  }
0x32c: {  	s22 =	simm.s32 $0xD400  }
0x32d: {  	[tilespmem:s22], [sflag:$0x3] =	stream.indirect_vreg.gather [hbm4b:s6+s3], $0x80, v4, vm0, $0xb8;
	[tilespmem:$0x1E400] =	vst v63  }
0x32e: {  	s22 =	simm.s32 $0xDC00  }
0x32f: {  	[tilespmem:s22], [sflag:$0x3] =	stream.indirect_vreg.gather [hbm4b:s2+s3], $0x80, v3, vm0, $0xb8;
	[tilespmem:$0x1E400] =	vst v63  }
0x330: {  	s22 =	simm.s32 $0xE400  }
0x331: {  	[tilespmem:s22], [sflag:$0x3] =	stream.indirect_vreg.gather [hbm4b:s5+s3], $0x80, v3, vm0, $0xb8;
	[tilespmem:$0x1E400] =	vst v63  }
0x332: {  	s22 =	simm.s32 $0xEC00  }
0x333: {  	[tilespmem:s22], [sflag:$0x3] =	stream.indirect_vreg.gather [hbm4b:s6+s3], $0x80, v3, vm0, $0xb8;
	[tilespmem:$0x1E400] =	vst v63  }
0x334: {  	v3 =	vld [tilespmem:$0x230];
	_ =	sdelay $0x4  }
0x335: {  	v35 =	vshrl.u32 v3, $0x3  }
0x336: {  	v4 =	vmul.u32 $0x30, v35  }
0x337: {  	v3 =	vand.u32 $0x7, v3  }
0x338: {  	v3 =	vor.u32 v3, v4  }
0x339: {  	v4 =	vperm.xlane v3, v0;
	_ =	sdelay $0x1  }
0x33a: {  	v4 =	vadd.s32 v1, v4;
	_ =	sdelay $0x3  }
0x33b: {  	s22 =	simm.s32 $0xF400;
	v3 =	vperm.xlane v3, v2  }
0x33c: {  	[tilespmem:s22], [sflag:$0x3] =	stream.indirect_vreg.gather [hbm4b:s2+s3], $0x80, v4, vm0, $0xb8;
	[tilespmem:$0x1E400] =	vst v63  }
0x33d: {  	v3 =	vadd.s32 v1, v3;
	s22 =	simm.s32 $0xFC00  }
0x33e: {  	[tilespmem:s22], [sflag:$0x3] =	stream.indirect_vreg.gather [hbm4b:s5+s3], $0x80, v4, vm0, $0xb8;
	[tilespmem:$0x1E400] =	vst v63  }
0x33f: {  	s22 =	simm.s32 $0x10400  }
0x340: {  	[tilespmem:s22], [sflag:$0x3] =	stream.indirect_vreg.gather [hbm4b:s6+s3], $0x80, v4, vm0, $0xb8;
	[tilespmem:$0x1E400] =	vst v63  }
0x341: {  	s22 =	simm.s32 $0x10C00  }
0x342: {  	[tilespmem:s22], [sflag:$0x3] =	stream.indirect_vreg.gather [hbm4b:s2+s3], $0x80, v3, vm0, $0xb8;
	[tilespmem:$0x1E400] =	vst v63  }
0x343: {  	s22 =	simm.s32 $0x11400  }
0x344: {  	[tilespmem:s22], [sflag:$0x3] =	stream.indirect_vreg.gather [hbm4b:s5+s3], $0x80, v3, vm0, $0xb8;
	[tilespmem:$0x1E400] =	vst v63  }
0x345: {  	s22 =	simm.s32 $0x11C00  }
0x346: {  	[tilespmem:s22], [sflag:$0x3] =	stream.indirect_vreg.gather [hbm4b:s6+s3], $0x80, v3, vm0, $0xb8;
	[tilespmem:$0x1E400] =	vst v63  }
0x347: {  	_ =	swait.ge [sflag:s8], $0x6000  }
0x348: {  	[sflag:s8] =	ssyncset.done $0x0  }
0x349: {  	s22 =	rddreg [dreg:$0x13];
	[sflag:s8] =	ssyncadd.s32 $0xFFFFA000  }
0x34a: {  	[hbm4b:s22+s3] =	stream.linear.scatter [tilespmem:s1], [sflag:$0x6], $0x6000, $0x38;
	[tilespmem:$0x1E400] =	vst v63  }
0x34b: {  	_ =	swait.ge [sflag:s19], $0x6000  }
0x34c: {  	[sflag:s19] =	ssyncset.done $0x0  }
0x34d: {  	[sflag:s19] =	ssyncadd.s32 $0xFFFFA000  }
0x34e: {  	v3 =	vld [tilespmem:$0x240];
	_ =	sdelay $0x4  }
0x34f: {  	v36 =	vshrl.u32 v3, $0x3  }
0x350: {  	v4 =	vmul.u32 $0x30, v36  }
0x351: {  	v3 =	vand.u32 $0x7, v3  }
0x352: {  	v3 =	vor.u32 v3, v4  }
0x353: {  	v4 =	vperm.xlane v3, v0;
	_ =	sdelay $0x1  }
0x354: {  	v4 =	vadd.s32 v1, v4;
	_ =	sdelay $0x3  }
0x355: {  	s9 =	simm.s32 $0x12400;
	v3 =	vperm.xlane v3, v2  }
0x356: {  	[tilespmem:s9], [sflag:$0x4] =	stream.indirect_vreg.gather [hbm4b:s2+s3], $0x80, v4, vm0, $0xb8;
	[tilespmem:$0x1E400] =	vst v63  }
0x357: {  	s22 =	simm.s32 $0x12C00;
	v3 =	vadd.s32 v1, v3  }
0x358: {  	[tilespmem:s22], [sflag:$0x4] =	stream.indirect_vreg.gather [hbm4b:s5+s3], $0x80, v4, vm0, $0xb8;
	[tilespmem:$0x1E400] =	vst v63  }
0x359: {  	s22 =	simm.s32 $0x13400  }
0x35a: {  	[tilespmem:s22], [sflag:$0x4] =	stream.indirect_vreg.gather [hbm4b:s6+s3], $0x80, v4, vm0, $0xb8;
	[tilespmem:$0x1E400] =	vst v63  }
0x35b: {  	s22 =	simm.s32 $0x13C00  }
0x35c: {  	[tilespmem:s22], [sflag:$0x4] =	stream.indirect_vreg.gather [hbm4b:s2+s3], $0x80, v3, vm0, $0xb8;
	[tilespmem:$0x1E400] =	vst v63  }
0x35d: {  	s22 =	simm.s32 $0x14400  }
0x35e: {  	[tilespmem:s22], [sflag:$0x4] =	stream.indirect_vreg.gather [hbm4b:s5+s3], $0x80, v3, vm0, $0xb8;
	[tilespmem:$0x1E400] =	vst v63  }
0x35f: {  	s22 =	simm.s32 $0x14C00  }
0x360: {  	[tilespmem:s22], [sflag:$0x4] =	stream.indirect_vreg.gather [hbm4b:s6+s3], $0x80, v3, vm0, $0xb8;
	[tilespmem:$0x1E400] =	vst v63  }
0x361: {  	v3 =	vld [tilespmem:$0x250];
	_ =	sdelay $0x4  }
0x362: {  	v37 =	vshrl.u32 v3, $0x3  }
0x363: {  	v4 =	vmul.u32 $0x30, v37  }
0x364: {  	v3 =	vand.u32 $0x7, v3  }
0x365: {  	v3 =	vor.u32 v3, v4  }
0x366: {  	v4 =	vperm.xlane v3, v0;
	_ =	sdelay $0x1  }
0x367: {  	v4 =	vadd.s32 v1, v4;
	_ =	sdelay $0x3  }
0x368: {  	s22 =	simm.s32 $0x15400;
	v3 =	vperm.xlane v3, v2  }
0x369: {  	[tilespmem:s22], [sflag:$0x4] =	stream.indirect_vreg.gather [hbm4b:s2+s3], $0x80, v4, vm0, $0xb8;
	[tilespmem:$0x1E400] =	vst v63  }
0x36a: {  	v3 =	vadd.s32 v1, v3;
	s22 =	simm.s32 $0x15C00  }
0x36b: {  	[tilespmem:s22], [sflag:$0x4] =	stream.indirect_vreg.gather [hbm4b:s5+s3], $0x80, v4, vm0, $0xb8;
	[tilespmem:$0x1E400] =	vst v63  }
0x36c: {  	s22 =	simm.s32 $0x16400  }
0x36d: {  	[tilespmem:s22], [sflag:$0x4] =	stream.indirect_vreg.gather [hbm4b:s6+s3], $0x80, v4, vm0, $0xb8;
	[tilespmem:$0x1E400] =	vst v63  }
0x36e: {  	s22 =	simm.s32 $0x16C00  }
0x36f: {  	[tilespmem:s22], [sflag:$0x4] =	stream.indirect_vreg.gather [hbm4b:s2+s3], $0x80, v3, vm0, $0xb8;
	[tilespmem:$0x1E400] =	vst v63  }
0x370: {  	s22 =	simm.s32 $0x17400  }
0x371: {  	[tilespmem:s22], [sflag:$0x4] =	stream.indirect_vreg.gather [hbm4b:s5+s3], $0x80, v3, vm0, $0xb8;
	[tilespmem:$0x1E400] =	vst v63  }
0x372: {  	s22 =	simm.s32 $0x17C00  }
0x373: {  	[tilespmem:s22], [sflag:$0x4] =	stream.indirect_vreg.gather [hbm4b:s6+s3], $0x80, v3, vm0, $0xb8;
	[tilespmem:$0x1E400] =	vst v63  }
0x374: {  	_ =	swait.ge [sflag:s11], $0x6000  }
0x375: {  	[sflag:s11] =	ssyncset.done $0x0  }
0x376: {  	s22 =	rddreg [dreg:$0x14];
	[sflag:s11] =	ssyncadd.s32 $0xFFFFA000  }
0x377: {  	[hbm4b:s22+s3] =	stream.linear.scatter [tilespmem:s0], [sflag:$0x7], $0x6000, $0x38;
	[tilespmem:$0x1E400] =	vst v63  }
0x378: {  	_ =	swait.ge [sflag:s20], $0x6000  }
0x379: {  	[sflag:s20] =	ssyncset.done $0x0  }
0x37a: {  	[sflag:s20] =	ssyncadd.s32 $0xFFFFA000  }
0x37b: {  	v3 =	vld [tilespmem:$0x260];
	_ =	sdelay $0x4  }
0x37c: {  	v38 =	vshrl.u32 v3, $0x3  }
0x37d: {  	v4 =	vmul.u32 $0x30, v38  }
0x37e: {  	v3 =	vand.u32 $0x7, v3  }
0x37f: {  	v3 =	vor.u32 v3, v4  }
0x380: {  	v4 =	vperm.xlane v3, v0;
	_ =	sdelay $0x1  }
0x381: {  	v4 =	vadd.s32 v1, v4;
	_ =	sdelay $0x3  }
0x382: {  	v3 =	vperm.xlane v3, v2  }
0x383: {  	[tilespmem:s13], [sflag:$0x5] =	stream.indirect_vreg.gather [hbm4b:s2+s3], $0x80, v4, vm0, $0xb8;
	[tilespmem:$0x1E400] =	vst v63  }
0x384: {  	s22 =	simm.s32 $0x18C00;
	v3 =	vadd.s32 v1, v3  }
0x385: {  	[tilespmem:s22], [sflag:$0x5] =	stream.indirect_vreg.gather [hbm4b:s5+s3], $0x80, v4, vm0, $0xb8;
	[tilespmem:$0x1E400] =	vst v63  }
0x386: {  	s22 =	simm.s32 $0x19400  }
0x387: {  	[tilespmem:s22], [sflag:$0x5] =	stream.indirect_vreg.gather [hbm4b:s6+s3], $0x80, v4, vm0, $0xb8;
	[tilespmem:$0x1E400] =	vst v63  }
0x388: {  	s22 =	simm.s32 $0x19C00  }
0x389: {  	[tilespmem:s22], [sflag:$0x5] =	stream.indirect_vreg.gather [hbm4b:s2+s3], $0x80, v3, vm0, $0xb8;
	[tilespmem:$0x1E400] =	vst v63  }
0x38a: {  	s21 =	simm.s32 $0x1A400  }
0x38b: {  	[tilespmem:s21], [sflag:$0x5] =	stream.indirect_vreg.gather [hbm4b:s5+s3], $0x80, v3, vm0, $0xb8;
	[tilespmem:$0x1E400] =	vst v63  }
0x38c: {  	_ = 	snop  }
0x38d: {  	[tilespmem:s12], [sflag:$0x5] =	stream.indirect_vreg.gather [hbm4b:s6+s3], $0x80, v3, vm0, $0xb8;
	[tilespmem:$0x1E400] =	vst v63  }
0x38e: {  	v3 =	vld [tilespmem:$0x270];
	_ =	sdelay $0x4  }
0x38f: {  	v39 =	vshrl.u32 v3, $0x3  }
0x390: {  	v4 =	vmul.u32 $0x30, v39  }
0x391: {  	v3 =	vand.u32 $0x7, v3  }
0x392: {  	v3 =	vor.u32 v3, v4  }
0x393: {  	v4 =	vperm.xlane v3, v0;
	_ =	sdelay $0x1  }
0x394: {  	v4 =	vadd.s32 v1, v4;
	_ =	sdelay $0x3  }
0x395: {  	s22 =	simm.s32 $0x1B400;
	v3 =	vperm.xlane v3, v2  }
0x396: {  	[tilespmem:s22], [sflag:$0x5] =	stream.indirect_vreg.gather [hbm4b:s2+s3], $0x80, v4, vm0, $0xb8;
	[tilespmem:$0x1E400] =	vst v63  }
0x397: {  	s23 =	simm.s32 $0x1BC00;
	v3 =	vadd.s32 v1, v3  }
0x398: {  	[tilespmem:s23], [sflag:$0x5] =	stream.indirect_vreg.gather [hbm4b:s5+s3], $0x80, v4, vm0, $0xb8;
	[tilespmem:$0x1E400] =	vst v63  }
0x399: {  	s24 =	simm.s32 $0x1C400  }
0x39a: {  	[tilespmem:s24], [sflag:$0x5] =	stream.indirect_vreg.gather [hbm4b:s6+s3], $0x80, v4, vm0, $0xb8;
	[tilespmem:$0x1E400] =	vst v63  }
0x39b: {  	s23 =	simm.s32 $0x1CC00  }
0x39c: {  	[tilespmem:s23], [sflag:$0x5] =	stream.indirect_vreg.gather [hbm4b:s2+s3], $0x80, v3, vm0, $0xb8;
	[tilespmem:$0x1E400] =	vst v63  }
0x39d: {  	s24 =	simm.s32 $0x1D400  }
0x39e: {  	[tilespmem:s24], [sflag:$0x5] =	stream.indirect_vreg.gather [hbm4b:s5+s3], $0x80, v3, vm0, $0xb8;
	[tilespmem:$0x1E400] =	vst v63  }
0x39f: {  	_ = 	snop  }
0x3a0: {  	[tilespmem:s10], [sflag:$0x5] =	stream.indirect_vreg.gather [hbm4b:s6+s3], $0x80, v3, vm0, $0xb8;
	[tilespmem:$0x1E400] =	vst v63  }
0x3a1: {  	_ =	swait.ge [sflag:s28], $0x6000  }
0x3a2: {  	[sflag:s28] =	ssyncset.done $0x0  }
0x3a3: {  	s21 =	rddreg [dreg:$0x15];
	[sflag:s28] =	ssyncadd.s32 $0xFFFFA000  }
0x3a4: {  	[hbm4b:s21+s3] =	stream.linear.scatter [tilespmem:s4], [sflag:$0x8], $0x6000, $0x38;
	[tilespmem:$0x1E400] =	vst v63  }
0x3a5: {  	_ =	swait.ge [sflag:s14], $0x6000  }
0x3a6: {  	[sflag:s14] =	ssyncset.done $0x0  }
0x3a7: {  	[sflag:s14] =	ssyncadd.s32 $0xFFFFA000  }
0x3a8: {  	v3 =	vld [tilespmem:$0x280];
	_ =	sdelay $0x4  }
0x3a9: {  	v40 =	vshrl.u32 v3, $0x3  }
0x3aa: {  	v4 =	vmul.u32 $0x30, v40  }
0x3ab: {  	v3 =	vand.u32 $0x7, v3  }
0x3ac: {  	v3 =	vor.u32 v3, v4  }
0x3ad: {  	v4 =	vperm.xlane v3, v0;
	_ =	sdelay $0x1  }
0x3ae: {  	v4 =	vadd.s32 v1, v4;
	_ =	sdelay $0x3  }
0x3af: {  	v3 =	vperm.xlane v3, v2  }
0x3b0: {  	[tilespmem:s1], [sflag:$0x1] =	stream.indirect_vreg.gather [hbm4b:s2+s3], $0x80, v4, vm0, $0xb8;
	[tilespmem:$0x1E400] =	vst v63  }
0x3b1: {  	s23 =	simm.s32 $0xC00;
	v3 =	vadd.s32 v1, v3  }
0x3b2: {  	[tilespmem:s23], [sflag:$0x1] =	stream.indirect_vreg.gather [hbm4b:s5+s3], $0x80, v4, vm0, $0xb8;
	[tilespmem:$0x1E400] =	vst v63  }
0x3b3: {  	s24 =	simm.s32 $0x1400  }
0x3b4: {  	[tilespmem:s24], [sflag:$0x1] =	stream.indirect_vreg.gather [hbm4b:s6+s3], $0x80, v4, vm0, $0xb8;
	[tilespmem:$0x1E400] =	vst v63  }
0x3b5: {  	s22 =	simm.s32 $0x1C00  }
0x3b6: {  	[tilespmem:s22], [sflag:$0x1] =	stream.indirect_vreg.gather [hbm4b:s2+s3], $0x80, v3, vm0, $0xb8;
	[tilespmem:$0x1E400] =	vst v63  }
0x3b7: {  	s23 =	simm.s32 $0x2400  }
0x3b8: {  	[tilespmem:s23], [sflag:$0x1] =	stream.indirect_vreg.gather [hbm4b:s5+s3], $0x80, v3, vm0, $0xb8;
	[tilespmem:$0x1E400] =	vst v63  }
0x3b9: {  	s24 =	simm.s32 $0x2C00  }
0x3ba: {  	[tilespmem:s24], [sflag:$0x1] =	stream.indirect_vreg.gather [hbm4b:s6+s3], $0x80, v3, vm0, $0xb8;
	[tilespmem:$0x1E400] =	vst v63  }
0x3bb: {  	v3 =	vld [tilespmem:$0x290];
	_ =	sdelay $0x4  }
0x3bc: {  	v41 =	vshrl.u32 v3, $0x3  }
0x3bd: {  	v4 =	vmul.u32 $0x30, v41  }
0x3be: {  	v3 =	vand.u32 $0x7, v3  }
0x3bf: {  	v3 =	vor.u32 v3, v4  }
0x3c0: {  	v4 =	vperm.xlane v3, v0;
	_ =	sdelay $0x1  }
0x3c1: {  	v4 =	vadd.s32 v1, v4;
	_ =	sdelay $0x3  }
0x3c2: {  	s22 =	simm.s32 $0x3400;
	v3 =	vperm.xlane v3, v2  }
0x3c3: {  	[tilespmem:s22], [sflag:$0x1] =	stream.indirect_vreg.gather [hbm4b:s2+s3], $0x80, v4, vm0, $0xb8;
	[tilespmem:$0x1E400] =	vst v63  }
0x3c4: {  	s23 =	simm.s32 $0x3C00;
	v3 =	vadd.s32 v1, v3  }
0x3c5: {  	[tilespmem:s23], [sflag:$0x1] =	stream.indirect_vreg.gather [hbm4b:s5+s3], $0x80, v4, vm0, $0xb8;
	[tilespmem:$0x1E400] =	vst v63  }
0x3c6: {  	s24 =	simm.s32 $0x4400  }
0x3c7: {  	[tilespmem:s24], [sflag:$0x1] =	stream.indirect_vreg.gather [hbm4b:s6+s3], $0x80, v4, vm0, $0xb8;
	[tilespmem:$0x1E400] =	vst v63  }
0x3c8: {  	s22 =	simm.s32 $0x4C00  }
0x3c9: {  	[tilespmem:s22], [sflag:$0x1] =	stream.indirect_vreg.gather [hbm4b:s2+s3], $0x80, v3, vm0, $0xb8;
	[tilespmem:$0x1E400] =	vst v63  }
0x3ca: {  	s23 =	simm.s32 $0x5400  }
0x3cb: {  	[tilespmem:s23], [sflag:$0x1] =	stream.indirect_vreg.gather [hbm4b:s5+s3], $0x80, v3, vm0, $0xb8;
	[tilespmem:$0x1E400] =	vst v63  }
0x3cc: {  	s24 =	simm.s32 $0x5C00  }
0x3cd: {  	[tilespmem:s24], [sflag:$0x1] =	stream.indirect_vreg.gather [hbm4b:s6+s3], $0x80, v3, vm0, $0xb8;
	[tilespmem:$0x1E400] =	vst v63  }
0x3ce: {  	_ =	swait.ge [sflag:s15], $0x6000  }
0x3cf: {  	[sflag:s15] =	ssyncset.done $0x0  }
0x3d0: {  	s21 =	rddreg [dreg:$0x16];
	[sflag:s15] =	ssyncadd.s32 $0xFFFFA000  }
0x3d1: {  	[hbm4b:s21+s3] =	stream.linear.scatter [tilespmem:s9], [sflag:$0x9], $0x6000, $0x38;
	[tilespmem:$0x1E400] =	vst v63  }
0x3d2: {  	_ =	swait.ge [sflag:s16], $0x6000  }
0x3d3: {  	[sflag:s16] =	ssyncset.done $0x0  }
0x3d4: {  	[sflag:s16] =	ssyncadd.s32 $0xFFFFA000  }
0x3d5: {  	v3 =	vld [tilespmem:$0x2A0];
	_ =	sdelay $0x4  }
0x3d6: {  	v42 =	vshrl.u32 v3, $0x3  }
0x3d7: {  	v4 =	vmul.u32 $0x30, v42  }
0x3d8: {  	v3 =	vand.u32 $0x7, v3  }
0x3d9: {  	v3 =	vor.u32 v3, v4  }
0x3da: {  	v4 =	vperm.xlane v3, v0;
	_ =	sdelay $0x1  }
0x3db: {  	v4 =	vadd.s32 v1, v4;
	_ =	sdelay $0x3  }
0x3dc: {  	v3 =	vperm.xlane v3, v2  }
0x3dd: {  	[tilespmem:s0], [sflag:$0x2] =	stream.indirect_vreg.gather [hbm4b:s2+s3], $0x80, v4, vm0, $0xb8;
	[tilespmem:$0x1E400] =	vst v63  }
0x3de: {  	s22 =	simm.s32 $0x6C00;
	v3 =	vadd.s32 v1, v3  }
0x3df: {  	[tilespmem:s22], [sflag:$0x2] =	stream.indirect_vreg.gather [hbm4b:s5+s3], $0x80, v4, vm0, $0xb8;
	[tilespmem:$0x1E400] =	vst v63  }
0x3e0: {  	s7 =	simm.s32 $0x7400  }
0x3e1: {  	[tilespmem:s7], [sflag:$0x2] =	stream.indirect_vreg.gather [hbm4b:s6+s3], $0x80, v4, vm0, $0xb8;
	[tilespmem:$0x1E400] =	vst v63  }
0x3e2: {  	s25 =	simm.s32 $0x7C00  }
0x3e3: {  	[tilespmem:s25], [sflag:$0x2] =	stream.indirect_vreg.gather [hbm4b:s2+s3], $0x80, v3, vm0, $0xb8;
	[tilespmem:$0x1E400] =	vst v63  }
0x3e4: {  	s26 =	simm.s32 $0x8400  }
0x3e5: {  	[tilespmem:s26], [sflag:$0x2] =	stream.indirect_vreg.gather [hbm4b:s5+s3], $0x80, v3, vm0, $0xb8;
	[tilespmem:$0x1E400] =	vst v63  }
0x3e6: {  	s23 =	simm.s32 $0x8C00  }
0x3e7: {  	[tilespmem:s23], [sflag:$0x2] =	stream.indirect_vreg.gather [hbm4b:s6+s3], $0x80, v3, vm0, $0xb8;
	[tilespmem:$0x1E400] =	vst v63  }
0x3e8: {  	v3 =	vld [tilespmem:$0x2B0];
	_ =	sdelay $0x4  }
0x3e9: {  	v43 =	vshrl.u32 v3, $0x3  }
0x3ea: {  	v4 =	vmul.u32 $0x30, v43  }
0x3eb: {  	v3 =	vand.u32 $0x7, v3  }
0x3ec: {  	v3 =	vor.u32 v3, v4  }
0x3ed: {  	v4 =	vperm.xlane v3, v0;
	_ =	sdelay $0x1  }
0x3ee: {  	v4 =	vadd.s32 v1, v4;
	_ =	sdelay $0x3  }
0x3ef: {  	s24 =	simm.s32 $0x9400;
	v3 =	vperm.xlane v3, v2  }
0x3f0: {  	[tilespmem:s24], [sflag:$0x2] =	stream.indirect_vreg.gather [hbm4b:s2+s3], $0x80, v4, vm0, $0xb8;
	[tilespmem:$0x1E400] =	vst v63  }
0x3f1: {  	s25 =	simm.s32 $0x9C00;
	v3 =	vadd.s32 v1, v3  }
0x3f2: {  	[tilespmem:s25], [sflag:$0x2] =	stream.indirect_vreg.gather [hbm4b:s5+s3], $0x80, v4, vm0, $0xb8;
	[tilespmem:$0x1E400] =	vst v63  }
0x3f3: {  	s29 =	simm.s32 $0xA400  }
0x3f4: {  	[tilespmem:s29], [sflag:$0x2] =	stream.indirect_vreg.gather [hbm4b:s6+s3], $0x80, v4, vm0, $0xb8;
	[tilespmem:$0x1E400] =	vst v63  }
0x3f5: {  	s30 =	simm.s32 $0xAC00  }
0x3f6: {  	[tilespmem:s30], [sflag:$0x2] =	stream.indirect_vreg.gather [hbm4b:s2+s3], $0x80, v3, vm0, $0xb8;
	[tilespmem:$0x1E400] =	vst v63  }
0x3f7: {  	s31 =	simm.s32 $0xB400  }
0x3f8: {  	[tilespmem:s31], [sflag:$0x2] =	stream.indirect_vreg.gather [hbm4b:s5+s3], $0x80, v3, vm0, $0xb8;
	[tilespmem:$0x1E400] =	vst v63  }
0x3f9: {  	s26 =	simm.s32 $0xBC00  }
0x3fa: {  	[tilespmem:s26], [sflag:$0x2] =	stream.indirect_vreg.gather [hbm4b:s6+s3], $0x80, v3, vm0, $0xb8;
	[tilespmem:$0x1E400] =	vst v63  }
0x3fb: {  	_ =	swait.ge [sflag:s17], $0x6000  }
0x3fc: {  	[sflag:s17] =	ssyncset.done $0x0  }
0x3fd: {  	s29 =	rddreg [dreg:$0x17];
	[sflag:s17] =	ssyncadd.s32 $0xFFFFA000  }
0x3fe: {  	[hbm4b:s29+s3] =	stream.linear.scatter [tilespmem:s13], [sflag:$0xA], $0x6000, $0x38;
	[tilespmem:$0x1E400] =	vst v63  }
0x3ff: {  	_ =	swait.ge [sflag:s18], $0x6000  }
0x400: {  	[sflag:s18] =	ssyncset.done $0x0  }
0x401: {  	[sflag:s18] =	ssyncadd.s32 $0xFFFFA000  }
0x402: {  	v3 =	vld [tilespmem:$0x2C0];
	_ =	sdelay $0x4  }
0x403: {  	v44 =	vshrl.u32 v3, $0x3  }
0x404: {  	v4 =	vmul.u32 $0x30, v44  }
0x405: {  	v3 =	vand.u32 $0x7, v3  }
0x406: {  	v3 =	vor.u32 v3, v4  }
0x407: {  	v4 =	vperm.xlane v3, v0;
	_ =	sdelay $0x1  }
0x408: {  	v4 =	vadd.s32 v1, v4;
	_ =	sdelay $0x3  }
0x409: {  	v3 =	vperm.xlane v3, v2  }
0x40a: {  	[tilespmem:s4], [sflag:$0x3] =	stream.indirect_vreg.gather [hbm4b:s2+s3], $0x80, v4, vm0, $0xb8;
	[tilespmem:$0x1E400] =	vst v63  }
0x40b: {  	s30 =	simm.s32 $0xCC00;
	v3 =	vadd.s32 v1, v3  }
0x40c: {  	[tilespmem:s30], [sflag:$0x3] =	stream.indirect_vreg.gather [hbm4b:s5+s3], $0x80, v4, vm0, $0xb8;
	[tilespmem:$0x1E400] =	vst v63  }
0x40d: {  	s31 =	simm.s32 $0xD400  }
0x40e: {  	[tilespmem:s31], [sflag:$0x3] =	stream.indirect_vreg.gather [hbm4b:s6+s3], $0x80, v4, vm0, $0xb8;
	[tilespmem:$0x1E400] =	vst v63  }
0x40f: {  	s21 =	simm.s32 $0xDC00  }
0x410: {  	[tilespmem:s21], [sflag:$0x3] =	stream.indirect_vreg.gather [hbm4b:s2+s3], $0x80, v3, vm0, $0xb8;
	[tilespmem:$0x1E400] =	vst v63  }
0x411: {  	s22 =	simm.s32 $0xE400  }
0x412: {  	[tilespmem:s22], [sflag:$0x3] =	stream.indirect_vreg.gather [hbm4b:s5+s3], $0x80, v3, vm0, $0xb8;
	[tilespmem:$0x1E400] =	vst v63  }
0x413: {  	s23 =	simm.s32 $0xEC00  }
0x414: {  	[tilespmem:s23], [sflag:$0x3] =	stream.indirect_vreg.gather [hbm4b:s6+s3], $0x80, v3, vm0, $0xb8;
	[tilespmem:$0x1E400] =	vst v63  }
0x415: {  	v3 =	vld [tilespmem:$0x2D0];
	_ =	sdelay $0x4  }
0x416: {  	v45 =	vshrl.u32 v3, $0x3  }
0x417: {  	v4 =	vmul.u32 $0x30, v45  }
0x418: {  	v3 =	vand.u32 $0x7, v3  }
0x419: {  	v3 =	vor.u32 v3, v4  }
0x41a: {  	v4 =	vperm.xlane v3, v0;
	_ =	sdelay $0x1  }
0x41b: {  	v4 =	vadd.s32 v1, v4;
	_ =	sdelay $0x3  }
0x41c: {  	s24 =	simm.s32 $0xF400;
	v3 =	vperm.xlane v3, v2  }
0x41d: {  	[tilespmem:s24], [sflag:$0x3] =	stream.indirect_vreg.gather [hbm4b:s2+s3], $0x80, v4, vm0, $0xb8;
	[tilespmem:$0x1E400] =	vst v63  }
0x41e: {  	s25 =	simm.s32 $0xFC00;
	v3 =	vadd.s32 v1, v3  }
0x41f: {  	[tilespmem:s25], [sflag:$0x3] =	stream.indirect_vreg.gather [hbm4b:s5+s3], $0x80, v4, vm0, $0xb8;
	[tilespmem:$0x1E400] =	vst v63  }
0x420: {  	s26 =	simm.s32 $0x10400  }
0x421: {  	[tilespmem:s26], [sflag:$0x3] =	stream.indirect_vreg.gather [hbm4b:s6+s3], $0x80, v4, vm0, $0xb8;
	[tilespmem:$0x1E400] =	vst v63  }
0x422: {  	s29 =	simm.s32 $0x10C00  }
0x423: {  	[tilespmem:s29], [sflag:$0x3] =	stream.indirect_vreg.gather [hbm4b:s2+s3], $0x80, v3, vm0, $0xb8;
	[tilespmem:$0x1E400] =	vst v63  }
0x424: {  	s30 =	simm.s32 $0x11400  }
0x425: {  	[tilespmem:s30], [sflag:$0x3] =	stream.indirect_vreg.gather [hbm4b:s5+s3], $0x80, v3, vm0, $0xb8;
	[tilespmem:$0x1E400] =	vst v63  }
0x426: {  	s31 =	simm.s32 $0x11C00  }
0x427: {  	[tilespmem:s31], [sflag:$0x3] =	stream.indirect_vreg.gather [hbm4b:s6+s3], $0x80, v3, vm0, $0xb8;
	[tilespmem:$0x1E400] =	vst v63  }
0x428: {  	_ =	swait.ge [sflag:s8], $0x6000  }
0x429: {  	[sflag:s8] =	ssyncset.done $0x0  }
0x42a: {  	s21 =	rddreg [dreg:$0x18];
	[sflag:s8] =	ssyncadd.s32 $0xFFFFA000  }
0x42b: {  	[hbm4b:s21+s3] =	stream.linear.scatter [tilespmem:s1], [sflag:$0x6], $0x6000, $0x38;
	[tilespmem:$0x1E400] =	vst v63  }
0x42c: {  	_ =	swait.ge [sflag:s19], $0x6000  }
0x42d: {  	[sflag:s19] =	ssyncset.done $0x0  }
0x42e: {  	[sflag:s19] =	ssyncadd.s32 $0xFFFFA000  }
0x42f: {  	v3 =	vld [tilespmem:$0x2E0];
	_ =	sdelay $0x4  }
0x430: {  	v46 =	vshrl.u32 v3, $0x3  }
0x431: {  	v4 =	vmul.u32 $0x30, v46  }
0x432: {  	v3 =	vand.u32 $0x7, v3  }
0x433: {  	v3 =	vor.u32 v3, v4  }
0x434: {  	v4 =	vperm.xlane v3, v0;
	_ =	sdelay $0x1  }
0x435: {  	v4 =	vadd.s32 v1, v4;
	_ =	sdelay $0x3  }
0x436: {  	v3 =	vperm.xlane v3, v2  }
0x437: {  	[tilespmem:s9], [sflag:$0x4] =	stream.indirect_vreg.gather [hbm4b:s2+s3], $0x80, v4, vm0, $0xb8;
	[tilespmem:$0x1E400] =	vst v63  }
0x438: {  	s22 =	simm.s32 $0x12C00;
	v3 =	vadd.s32 v1, v3  }
0x439: {  	[tilespmem:s22], [sflag:$0x4] =	stream.indirect_vreg.gather [hbm4b:s5+s3], $0x80, v4, vm0, $0xb8;
	[tilespmem:$0x1E400] =	vst v63  }
0x43a: {  	s23 =	simm.s32 $0x13400  }
0x43b: {  	[tilespmem:s23], [sflag:$0x4] =	stream.indirect_vreg.gather [hbm4b:s6+s3], $0x80, v4, vm0, $0xb8;
	[tilespmem:$0x1E400] =	vst v63  }
0x43c: {  	s24 =	simm.s32 $0x13C00  }
0x43d: {  	[tilespmem:s24], [sflag:$0x4] =	stream.indirect_vreg.gather [hbm4b:s2+s3], $0x80, v3, vm0, $0xb8;
	[tilespmem:$0x1E400] =	vst v63  }
0x43e: {  	s25 =	simm.s32 $0x14400  }
0x43f: {  	[tilespmem:s25], [sflag:$0x4] =	stream.indirect_vreg.gather [hbm4b:s5+s3], $0x80, v3, vm0, $0xb8;
	[tilespmem:$0x1E400] =	vst v63  }
0x440: {  	s26 =	simm.s32 $0x14C00  }
0x441: {  	[tilespmem:s26], [sflag:$0x4] =	stream.indirect_vreg.gather [hbm4b:s6+s3], $0x80, v3, vm0, $0xb8;
	[tilespmem:$0x1E400] =	vst v63  }
0x442: {  	v3 =	vld [tilespmem:$0x2F0];
	_ =	sdelay $0x4  }
0x443: {  	v47 =	vshrl.u32 v3, $0x3  }
0x444: {  	v4 =	vmul.u32 $0x30, v47  }
0x445: {  	v3 =	vand.u32 $0x7, v3  }
0x446: {  	v3 =	vor.u32 v3, v4  }
0x447: {  	v4 =	vperm.xlane v3, v0;
	_ =	sdelay $0x1  }
0x448: {  	v4 =	vadd.s32 v1, v4;
	_ =	sdelay $0x3  }
0x449: {  	s29 =	simm.s32 $0x15400;
	v3 =	vperm.xlane v3, v2  }
0x44a: {  	[tilespmem:s29], [sflag:$0x4] =	stream.indirect_vreg.gather [hbm4b:s2+s3], $0x80, v4, vm0, $0xb8;
	[tilespmem:$0x1E400] =	vst v63  }
0x44b: {  	s30 =	simm.s32 $0x15C00;
	v3 =	vadd.s32 v1, v3  }
0x44c: {  	[tilespmem:s30], [sflag:$0x4] =	stream.indirect_vreg.gather [hbm4b:s5+s3], $0x80, v4, vm0, $0xb8;
	[tilespmem:$0x1E400] =	vst v63  }
0x44d: {  	s31 =	simm.s32 $0x16400  }
0x44e: {  	[tilespmem:s31], [sflag:$0x4] =	stream.indirect_vreg.gather [hbm4b:s6+s3], $0x80, v4, vm0, $0xb8;
	[tilespmem:$0x1E400] =	vst v63  }
0x44f: {  	s21 =	simm.s32 $0x16C00  }
0x450: {  	[tilespmem:s21], [sflag:$0x4] =	stream.indirect_vreg.gather [hbm4b:s2+s3], $0x80, v3, vm0, $0xb8;
	[tilespmem:$0x1E400] =	vst v63  }
0x451: {  	s22 =	simm.s32 $0x17400  }
0x452: {  	[tilespmem:s22], [sflag:$0x4] =	stream.indirect_vreg.gather [hbm4b:s5+s3], $0x80, v3, vm0, $0xb8;
	[tilespmem:$0x1E400] =	vst v63  }
0x453: {  	s23 =	simm.s32 $0x17C00  }
0x454: {  	[tilespmem:s23], [sflag:$0x4] =	stream.indirect_vreg.gather [hbm4b:s6+s3], $0x80, v3, vm0, $0xb8;
	[tilespmem:$0x1E400] =	vst v63  }
0x455: {  	_ =	swait.ge [sflag:s11], $0x6000  }
0x456: {  	[sflag:s11] =	ssyncset.done $0x0  }
0x457: {  	s24 =	rddreg [dreg:$0x19];
	[sflag:s11] =	ssyncadd.s32 $0xFFFFA000  }
0x458: {  	[hbm4b:s24+s3] =	stream.linear.scatter [tilespmem:s0], [sflag:$0x7], $0x6000, $0x38;
	[tilespmem:$0x1E400] =	vst v63  }
0x459: {  	_ =	swait.ge [sflag:s20], $0x6000  }
0x45a: {  	[sflag:s20] =	ssyncset.done $0x0  }
0x45b: {  	[sflag:s20] =	ssyncadd.s32 $0xFFFFA000  }
0x45c: {  	v3 =	vld [tilespmem:$0x300];
	_ =	sdelay $0x4  }
0x45d: {  	v48 =	vshrl.u32 v3, $0x3  }
0x45e: {  	v4 =	vmul.u32 $0x30, v48  }
0x45f: {  	v3 =	vand.u32 $0x7, v3  }
0x460: {  	v3 =	vor.u32 v3, v4  }
0x461: {  	v4 =	vperm.xlane v3, v0;
	_ =	sdelay $0x1  }
0x462: {  	v4 =	vadd.s32 v1, v4;
	_ =	sdelay $0x3  }
0x463: {  	v3 =	vperm.xlane v3, v2  }
0x464: {  	[tilespmem:s13], [sflag:$0x5] =	stream.indirect_vreg.gather [hbm4b:s2+s3], $0x80, v4, vm0, $0xb8;
	[tilespmem:$0x1E400] =	vst v63  }
0x465: {  	s25 =	simm.s32 $0x18C00;
	v3 =	vadd.s32 v1, v3  }
0x466: {  	[tilespmem:s25], [sflag:$0x5] =	stream.indirect_vreg.gather [hbm4b:s5+s3], $0x80, v4, vm0, $0xb8;
	[tilespmem:$0x1E400] =	vst v63  }
0x467: {  	s26 =	simm.s32 $0x19400  }
0x468: {  	[tilespmem:s26], [sflag:$0x5] =	stream.indirect_vreg.gather [hbm4b:s6+s3], $0x80, v4, vm0, $0xb8;
	[tilespmem:$0x1E400] =	vst v63  }
0x469: {  	s29 =	simm.s32 $0x19C00  }
0x46a: {  	[tilespmem:s29], [sflag:$0x5] =	stream.indirect_vreg.gather [hbm4b:s2+s3], $0x80, v3, vm0, $0xb8;
	[tilespmem:$0x1E400] =	vst v63  }
0x46b: {  	s30 =	simm.s32 $0x1A400  }
0x46c: {  	[tilespmem:s30], [sflag:$0x5] =	stream.indirect_vreg.gather [hbm4b:s5+s3], $0x80, v3, vm0, $0xb8;
	[tilespmem:$0x1E400] =	vst v63  }
0x46d: {  	_ = 	snop  }
0x46e: {  	[tilespmem:s12], [sflag:$0x5] =	stream.indirect_vreg.gather [hbm4b:s6+s3], $0x80, v3, vm0, $0xb8;
	[tilespmem:$0x1E400] =	vst v63  }
0x46f: {  	v3 =	vld [tilespmem:$0x310];
	_ =	sdelay $0x4  }
0x470: {  	v49 =	vshrl.u32 v3, $0x3  }
0x471: {  	v4 =	vmul.u32 $0x30, v49  }
0x472: {  	v3 =	vand.u32 $0x7, v3  }
0x473: {  	v3 =	vor.u32 v3, v4  }
0x474: {  	v4 =	vperm.xlane v3, v0;
	_ =	sdelay $0x1  }
0x475: {  	v4 =	vadd.s32 v1, v4;
	_ =	sdelay $0x3  }
0x476: {  	s31 =	simm.s32 $0x1B400;
	v3 =	vperm.xlane v3, v2  }
0x477: {  	[tilespmem:s31], [sflag:$0x5] =	stream.indirect_vreg.gather [hbm4b:s2+s3], $0x80, v4, vm0, $0xb8;
	[tilespmem:$0x1E400] =	vst v63  }
0x478: {  	s25 =	simm.s32 $0x1BC00;
	v3 =	vadd.s32 v1, v3  }
0x479: {  	[tilespmem:s25], [sflag:$0x5] =	stream.indirect_vreg.gather [hbm4b:s5+s3], $0x80, v4, vm0, $0xb8;
	[tilespmem:$0x1E400] =	vst v63  }
0x47a: {  	s26 =	simm.s32 $0x1C400  }
0x47b: {  	[tilespmem:s26], [sflag:$0x5] =	stream.indirect_vreg.gather [hbm4b:s6+s3], $0x80, v4, vm0, $0xb8;
	[tilespmem:$0x1E400] =	vst v63  }
0x47c: {  	s29 =	simm.s32 $0x1CC00  }
0x47d: {  	[tilespmem:s29], [sflag:$0x5] =	stream.indirect_vreg.gather [hbm4b:s2+s3], $0x80, v3, vm0, $0xb8;
	[tilespmem:$0x1E400] =	vst v63  }
0x47e: {  	s30 =	simm.s32 $0x1D400  }
0x47f: {  	[tilespmem:s30], [sflag:$0x5] =	stream.indirect_vreg.gather [hbm4b:s5+s3], $0x80, v3, vm0, $0xb8;
	[tilespmem:$0x1E400] =	vst v63  }
0x480: {  	_ = 	snop  }
0x481: {  	[tilespmem:s10], [sflag:$0x5] =	stream.indirect_vreg.gather [hbm4b:s6+s3], $0x80, v3, vm0, $0xb8;
	[tilespmem:$0x1E400] =	vst v63  }
0x482: {  	_ =	swait.ge [sflag:s28], $0x6000  }
0x483: {  	[sflag:s28] =	ssyncset.done $0x0  }
0x484: {  	s31 =	rddreg [dreg:$0x1a];
	[sflag:s28] =	ssyncadd.s32 $0xFFFFA000  }
0x485: {  	[hbm4b:s31+s3] =	stream.linear.scatter [tilespmem:s4], [sflag:$0x8], $0x6000, $0x38;
	[tilespmem:$0x1E400] =	vst v63  }
0x486: {  	_ =	swait.ge [sflag:s14], $0x6000  }
0x487: {  	[sflag:s14] =	ssyncset.done $0x0  }
0x488: {  	[sflag:s14] =	ssyncadd.s32 $0xFFFFA000  }
0x489: {  	v3 =	vld [tilespmem:$0x320];
	_ =	sdelay $0x4  }
0x48a: {  	v50 =	vshrl.u32 v3, $0x3  }
0x48b: {  	v4 =	vmul.u32 $0x30, v50  }
0x48c: {  	v3 =	vand.u32 $0x7, v3  }
0x48d: {  	v3 =	vor.u32 v3, v4  }
0x48e: {  	v4 =	vperm.xlane v3, v0;
	_ =	sdelay $0x1  }
0x48f: {  	v4 =	vadd.s32 v1, v4;
	_ =	sdelay $0x3  }
0x490: {  	v3 =	vperm.xlane v3, v2  }
0x491: {  	[tilespmem:s1], [sflag:$0x1] =	stream.indirect_vreg.gather [hbm4b:s2+s3], $0x80, v4, vm0, $0xb8;
	[tilespmem:$0x1E400] =	vst v63  }
0x492: {  	s31 =	simm.s32 $0xC00;
	v3 =	vadd.s32 v1, v3  }
0x493: {  	[tilespmem:s31], [sflag:$0x1] =	stream.indirect_vreg.gather [hbm4b:s5+s3], $0x80, v4, vm0, $0xb8;
	[tilespmem:$0x1E400] =	vst v63  }
0x494: {  	s31 =	simm.s32 $0x1400  }
0x495: {  	[tilespmem:s31], [sflag:$0x1] =	stream.indirect_vreg.gather [hbm4b:s6+s3], $0x80, v4, vm0, $0xb8;
	[tilespmem:$0x1E400] =	vst v63  }
0x496: {  	s31 =	simm.s32 $0x1C00  }
0x497: {  	[tilespmem:s31], [sflag:$0x1] =	stream.indirect_vreg.gather [hbm4b:s2+s3], $0x80, v3, vm0, $0xb8;
	[tilespmem:$0x1E400] =	vst v63  }
0x498: {  	s31 =	simm.s32 $0x2400  }
0x499: {  	[tilespmem:s31], [sflag:$0x1] =	stream.indirect_vreg.gather [hbm4b:s5+s3], $0x80, v3, vm0, $0xb8;
	[tilespmem:$0x1E400] =	vst v63  }
0x49a: {  	s31 =	simm.s32 $0x2C00  }
0x49b: {  	[tilespmem:s31], [sflag:$0x1] =	stream.indirect_vreg.gather [hbm4b:s6+s3], $0x80, v3, vm0, $0xb8;
	[tilespmem:$0x1E400] =	vst v63  }
0x49c: {  	v3 =	vld [tilespmem:$0x330];
	_ =	sdelay $0x4  }
0x49d: {  	v51 =	vshrl.u32 v3, $0x3  }
0x49e: {  	v4 =	vmul.u32 $0x30, v51  }
0x49f: {  	v3 =	vand.u32 $0x7, v3  }
0x4a0: {  	v3 =	vor.u32 v3, v4  }
0x4a1: {  	v4 =	vperm.xlane v3, v0;
	_ =	sdelay $0x1  }
0x4a2: {  	v4 =	vadd.s32 v1, v4;
	_ =	sdelay $0x3  }
0x4a3: {  	s31 =	simm.s32 $0x3400;
	v3 =	vperm.xlane v3, v2  }
0x4a4: {  	[tilespmem:s31], [sflag:$0x1] =	stream.indirect_vreg.gather [hbm4b:s2+s3], $0x80, v4, vm0, $0xb8;
	[tilespmem:$0x1E400] =	vst v63  }
0x4a5: {  	v3 =	vadd.s32 v1, v3;
	s31 =	simm.s32 $0x3C00  }
0x4a6: {  	[tilespmem:s31], [sflag:$0x1] =	stream.indirect_vreg.gather [hbm4b:s5+s3], $0x80, v4, vm0, $0xb8;
	[tilespmem:$0x1E400] =	vst v63  }
0x4a7: {  	s31 =	simm.s32 $0x4400  }
0x4a8: {  	[tilespmem:s31], [sflag:$0x1] =	stream.indirect_vreg.gather [hbm4b:s6+s3], $0x80, v4, vm0, $0xb8;
	[tilespmem:$0x1E400] =	vst v63  }
0x4a9: {  	s31 =	simm.s32 $0x4C00  }
0x4aa: {  	[tilespmem:s31], [sflag:$0x1] =	stream.indirect_vreg.gather [hbm4b:s2+s3], $0x80, v3, vm0, $0xb8;
	[tilespmem:$0x1E400] =	vst v63  }
0x4ab: {  	s31 =	simm.s32 $0x5400  }
0x4ac: {  	[tilespmem:s31], [sflag:$0x1] =	stream.indirect_vreg.gather [hbm4b:s5+s3], $0x80, v3, vm0, $0xb8;
	[tilespmem:$0x1E400] =	vst v63  }
0x4ad: {  	s31 =	simm.s32 $0x5C00  }
0x4ae: {  	[tilespmem:s31], [sflag:$0x1] =	stream.indirect_vreg.gather [hbm4b:s6+s3], $0x80, v3, vm0, $0xb8;
	[tilespmem:$0x1E400] =	vst v63  }
0x4af: {  	_ =	swait.ge [sflag:s15], $0x6000  }
0x4b0: {  	[sflag:s15] =	ssyncset.done $0x0  }
0x4b1: {  	s31 =	rddreg [dreg:$0x1b];
	[sflag:s15] =	ssyncadd.s32 $0xFFFFA000  }
0x4b2: {  	[hbm4b:s31+s3] =	stream.linear.scatter [tilespmem:s9], [sflag:$0x9], $0x6000, $0x38;
	[tilespmem:$0x1E400] =	vst v63  }
0x4b3: {  	_ =	swait.ge [sflag:s16], $0x6000  }
0x4b4: {  	[sflag:s16] =	ssyncset.done $0x0  }
0x4b5: {  	[sflag:s16] =	ssyncadd.s32 $0xFFFFA000  }
0x4b6: {  	v3 =	vld [tilespmem:$0x340];
	_ =	sdelay $0x4  }
0x4b7: {  	v52 =	vshrl.u32 v3, $0x3  }
0x4b8: {  	v4 =	vmul.u32 $0x30, v52  }
0x4b9: {  	v3 =	vand.u32 $0x7, v3  }
0x4ba: {  	v3 =	vor.u32 v3, v4  }
0x4bb: {  	v4 =	vperm.xlane v3, v0;
	_ =	sdelay $0x1  }
0x4bc: {  	v4 =	vadd.s32 v1, v4;
	_ =	sdelay $0x3  }
0x4bd: {  	v3 =	vperm.xlane v3, v2  }
0x4be: {  	[tilespmem:s0], [sflag:$0x2] =	stream.indirect_vreg.gather [hbm4b:s2+s3], $0x80, v4, vm0, $0xb8;
	[tilespmem:$0x1E400] =	vst v63  }
0x4bf: {  	s31 =	simm.s32 $0x6C00;
	v3 =	vadd.s32 v1, v3  }
0x4c0: {  	[tilespmem:s31], [sflag:$0x2] =	stream.indirect_vreg.gather [hbm4b:s5+s3], $0x80, v4, vm0, $0xb8;
	[tilespmem:$0x1E400] =	vst v63  }
0x4c1: {  	s31 =	simm.s32 $0x7400  }
0x4c2: {  	[tilespmem:s31], [sflag:$0x2] =	stream.indirect_vreg.gather [hbm4b:s6+s3], $0x80, v4, vm0, $0xb8;
	[tilespmem:$0x1E400] =	vst v63  }
0x4c3: {  	s22 =	simm.s32 $0x7C00  }
0x4c4: {  	[tilespmem:s22], [sflag:$0x2] =	stream.indirect_vreg.gather [hbm4b:s2+s3], $0x80, v3, vm0, $0xb8;
	[tilespmem:$0x1E400] =	vst v63  }
0x4c5: {  	s22 =	simm.s32 $0x8400  }
0x4c6: {  	[tilespmem:s22], [sflag:$0x2] =	stream.indirect_vreg.gather [hbm4b:s5+s3], $0x80, v3, vm0, $0xb8;
	[tilespmem:$0x1E400] =	vst v63  }
0x4c7: {  	s22 =	simm.s32 $0x8C00  }
0x4c8: {  	[tilespmem:s22], [sflag:$0x2] =	stream.indirect_vreg.gather [hbm4b:s6+s3], $0x80, v3, vm0, $0xb8;
	[tilespmem:$0x1E400] =	vst v63  }
0x4c9: {  	v3 =	vld [tilespmem:$0x350];
	_ =	sdelay $0x4  }
0x4ca: {  	v53 =	vshrl.u32 v3, $0x3  }
0x4cb: {  	v4 =	vmul.u32 $0x30, v53  }
0x4cc: {  	v3 =	vand.u32 $0x7, v3  }
0x4cd: {  	v3 =	vor.u32 v3, v4  }
0x4ce: {  	v4 =	vperm.xlane v3, v0;
	_ =	sdelay $0x1  }
0x4cf: {  	v4 =	vadd.s32 v1, v4;
	_ =	sdelay $0x3  }
0x4d0: {  	s22 =	simm.s32 $0x9400;
	v3 =	vperm.xlane v3, v2  }
0x4d1: {  	[tilespmem:s22], [sflag:$0x2] =	stream.indirect_vreg.gather [hbm4b:s2+s3], $0x80, v4, vm0, $0xb8;
	[tilespmem:$0x1E400] =	vst v63  }
0x4d2: {  	v3 =	vadd.s32 v1, v3;
	s22 =	simm.s32 $0x9C00  }
0x4d3: {  	[tilespmem:s22], [sflag:$0x2] =	stream.indirect_vreg.gather [hbm4b:s5+s3], $0x80, v4, vm0, $0xb8;
	[tilespmem:$0x1E400] =	vst v63  }
0x4d4: {  	s22 =	simm.s32 $0xA400  }
0x4d5: {  	[tilespmem:s22], [sflag:$0x2] =	stream.indirect_vreg.gather [hbm4b:s6+s3], $0x80, v4, vm0, $0xb8;
	[tilespmem:$0x1E400] =	vst v63  }
0x4d6: {  	s22 =	simm.s32 $0xAC00  }
0x4d7: {  	[tilespmem:s22], [sflag:$0x2] =	stream.indirect_vreg.gather [hbm4b:s2+s3], $0x80, v3, vm0, $0xb8;
	[tilespmem:$0x1E400] =	vst v63  }
0x4d8: {  	s22 =	simm.s32 $0xB400  }
0x4d9: {  	[tilespmem:s22], [sflag:$0x2] =	stream.indirect_vreg.gather [hbm4b:s5+s3], $0x80, v3, vm0, $0xb8;
	[tilespmem:$0x1E400] =	vst v63  }
0x4da: {  	s22 =	simm.s32 $0xBC00  }
0x4db: {  	[tilespmem:s22], [sflag:$0x2] =	stream.indirect_vreg.gather [hbm4b:s6+s3], $0x80, v3, vm0, $0xb8;
	[tilespmem:$0x1E400] =	vst v63  }
0x4dc: {  	_ =	swait.ge [sflag:s17], $0x6000  }
0x4dd: {  	[sflag:s17] =	ssyncset.done $0x0  }
0x4de: {  	s22 =	rddreg [dreg:$0x1c];
	[sflag:s17] =	ssyncadd.s32 $0xFFFFA000  }
0x4df: {  	[hbm4b:s22+s3] =	stream.linear.scatter [tilespmem:s13], [sflag:$0xA], $0x6000, $0x38;
	[tilespmem:$0x1E400] =	vst v63  }
0x4e0: {  	_ =	swait.ge [sflag:s18], $0x6000  }
0x4e1: {  	[sflag:s18] =	ssyncset.done $0x0  }
0x4e2: {  	[sflag:s18] =	ssyncadd.s32 $0xFFFFA000  }
0x4e3: {  	v3 =	vld [tilespmem:$0x360];
	_ =	sdelay $0x4  }
0x4e4: {  	v54 =	vshrl.u32 v3, $0x3  }
0x4e5: {  	v4 =	vmul.u32 $0x30, v54  }
0x4e6: {  	v3 =	vand.u32 $0x7, v3  }
0x4e7: {  	v3 =	vor.u32 v3, v4  }
0x4e8: {  	v4 =	vperm.xlane v3, v0;
	_ =	sdelay $0x1  }
0x4e9: {  	v4 =	vadd.s32 v1, v4;
	_ =	sdelay $0x3  }
0x4ea: {  	v3 =	vperm.xlane v3, v2  }
0x4eb: {  	[tilespmem:s4], [sflag:$0x3] =	stream.indirect_vreg.gather [hbm4b:s2+s3], $0x80, v4, vm0, $0xb8;
	[tilespmem:$0x1E400] =	vst v63  }
0x4ec: {  	s22 =	simm.s32 $0xCC00;
	v3 =	vadd.s32 v1, v3  }
0x4ed: {  	[tilespmem:s22], [sflag:$0x3] =	stream.indirect_vreg.gather [hbm4b:s5+s3], $0x80, v4, vm0, $0xb8;
	[tilespmem:$0x1E400] =	vst v63  }
0x4ee: {  	s22 =	simm.s32 $0xD400  }
0x4ef: {  	[tilespmem:s22], [sflag:$0x3] =	stream.indirect_vreg.gather [hbm4b:s6+s3], $0x80, v4, vm0, $0xb8;
	[tilespmem:$0x1E400] =	vst v63  }
0x4f0: {  	s22 =	simm.s32 $0xDC00  }
0x4f1: {  	[tilespmem:s22], [sflag:$0x3] =	stream.indirect_vreg.gather [hbm4b:s2+s3], $0x80, v3, vm0, $0xb8;
	[tilespmem:$0x1E400] =	vst v63  }
0x4f2: {  	s22 =	simm.s32 $0xE400  }
0x4f3: {  	[tilespmem:s22], [sflag:$0x3] =	stream.indirect_vreg.gather [hbm4b:s5+s3], $0x80, v3, vm0, $0xb8;
	[tilespmem:$0x1E400] =	vst v63  }
0x4f4: {  	s22 =	simm.s32 $0xEC00  }
0x4f5: {  	[tilespmem:s22], [sflag:$0x3] =	stream.indirect_vreg.gather [hbm4b:s6+s3], $0x80, v3, vm0, $0xb8;
	[tilespmem:$0x1E400] =	vst v63  }
0x4f6: {  	v3 =	vld [tilespmem:$0x370];
	_ =	sdelay $0x4  }
0x4f7: {  	v55 =	vshrl.u32 v3, $0x3  }
0x4f8: {  	v4 =	vmul.u32 $0x30, v55  }
0x4f9: {  	v3 =	vand.u32 $0x7, v3  }
0x4fa: {  	v3 =	vor.u32 v3, v4  }
0x4fb: {  	v4 =	vperm.xlane v3, v0;
	_ =	sdelay $0x1  }
0x4fc: {  	v4 =	vadd.s32 v1, v4;
	_ =	sdelay $0x3  }
0x4fd: {  	s22 =	simm.s32 $0xF400;
	v3 =	vperm.xlane v3, v2  }
0x4fe: {  	[tilespmem:s22], [sflag:$0x3] =	stream.indirect_vreg.gather [hbm4b:s2+s3], $0x80, v4, vm0, $0xb8;
	[tilespmem:$0x1E400] =	vst v63  }
0x4ff: {  	v3 =	vadd.s32 v1, v3;
	s22 =	simm.s32 $0xFC00  }
0x500: {  	[tilespmem:s22], [sflag:$0x3] =	stream.indirect_vreg.gather [hbm4b:s5+s3], $0x80, v4, vm0, $0xb8;
	[tilespmem:$0x1E400] =	vst v63  }
0x501: {  	s22 =	simm.s32 $0x10400  }
0x502: {  	[tilespmem:s22], [sflag:$0x3] =	stream.indirect_vreg.gather [hbm4b:s6+s3], $0x80, v4, vm0, $0xb8;
	[tilespmem:$0x1E400] =	vst v63  }
0x503: {  	s22 =	simm.s32 $0x10C00  }
0x504: {  	[tilespmem:s22], [sflag:$0x3] =	stream.indirect_vreg.gather [hbm4b:s2+s3], $0x80, v3, vm0, $0xb8;
	[tilespmem:$0x1E400] =	vst v63  }
0x505: {  	s22 =	simm.s32 $0x11400  }
0x506: {  	[tilespmem:s22], [sflag:$0x3] =	stream.indirect_vreg.gather [hbm4b:s5+s3], $0x80, v3, vm0, $0xb8;
	[tilespmem:$0x1E400] =	vst v63  }
0x507: {  	s22 =	simm.s32 $0x11C00  }
0x508: {  	[tilespmem:s22], [sflag:$0x3] =	stream.indirect_vreg.gather [hbm4b:s6+s3], $0x80, v3, vm0, $0xb8;
	[tilespmem:$0x1E400] =	vst v63  }
0x509: {  	_ =	swait.ge [sflag:s8], $0x6000  }
0x50a: {  	[sflag:s8] =	ssyncset.done $0x0  }
0x50b: {  	s22 =	rddreg [dreg:$0x1d];
	[sflag:s8] =	ssyncadd.s32 $0xFFFFA000  }
0x50c: {  	[hbm4b:s22+s3] =	stream.linear.scatter [tilespmem:s1], [sflag:$0x6], $0x6000, $0x38;
	[tilespmem:$0x1E400] =	vst v63  }
0x50d: {  	_ =	swait.ge [sflag:s19], $0x6000  }
0x50e: {  	[sflag:s19] =	ssyncset.done $0x0  }
0x50f: {  	[sflag:s19] =	ssyncadd.s32 $0xFFFFA000  }
0x510: {  	v3 =	vld [tilespmem:$0x380];
	_ =	sdelay $0x4  }
0x511: {  	v56 =	vshrl.u32 v3, $0x3  }
0x512: {  	v4 =	vmul.u32 $0x30, v56  }
0x513: {  	v3 =	vand.u32 $0x7, v3  }
0x514: {  	v3 =	vor.u32 v3, v4  }
0x515: {  	v4 =	vperm.xlane v3, v0;
	_ =	sdelay $0x1  }
0x516: {  	v4 =	vadd.s32 v1, v4;
	_ =	sdelay $0x3  }
0x517: {  	v3 =	vperm.xlane v3, v2  }
0x518: {  	[tilespmem:s9], [sflag:$0x4] =	stream.indirect_vreg.gather [hbm4b:s2+s3], $0x80, v4, vm0, $0xb8;
	[tilespmem:$0x1E400] =	vst v63  }
0x519: {  	s22 =	simm.s32 $0x12C00;
	v3 =	vadd.s32 v1, v3  }
0x51a: {  	[tilespmem:s22], [sflag:$0x4] =	stream.indirect_vreg.gather [hbm4b:s5+s3], $0x80, v4, vm0, $0xb8;
	[tilespmem:$0x1E400] =	vst v63  }
0x51b: {  	s22 =	simm.s32 $0x13400  }
0x51c: {  	[tilespmem:s22], [sflag:$0x4] =	stream.indirect_vreg.gather [hbm4b:s6+s3], $0x80, v4, vm0, $0xb8;
	[tilespmem:$0x1E400] =	vst v63  }
0x51d: {  	s22 =	simm.s32 $0x13C00  }
0x51e: {  	[tilespmem:s22], [sflag:$0x4] =	stream.indirect_vreg.gather [hbm4b:s2+s3], $0x80, v3, vm0, $0xb8;
	[tilespmem:$0x1E400] =	vst v63  }
0x51f: {  	s22 =	simm.s32 $0x14400  }
0x520: {  	[tilespmem:s22], [sflag:$0x4] =	stream.indirect_vreg.gather [hbm4b:s5+s3], $0x80, v3, vm0, $0xb8;
	[tilespmem:$0x1E400] =	vst v63  }
0x521: {  	s22 =	simm.s32 $0x14C00  }
0x522: {  	[tilespmem:s22], [sflag:$0x4] =	stream.indirect_vreg.gather [hbm4b:s6+s3], $0x80, v3, vm0, $0xb8;
	[tilespmem:$0x1E400] =	vst v63  }
0x523: {  	v3 =	vld [tilespmem:$0x390];
	_ =	sdelay $0x4  }
0x524: {  	v57 =	vshrl.u32 v3, $0x3  }
0x525: {  	v4 =	vmul.u32 $0x30, v57  }
0x526: {  	v3 =	vand.u32 $0x7, v3  }
0x527: {  	v3 =	vor.u32 v3, v4  }
0x528: {  	v4 =	vperm.xlane v3, v0;
	_ =	sdelay $0x1  }
0x529: {  	v4 =	vadd.s32 v1, v4;
	_ =	sdelay $0x3  }
0x52a: {  	s22 =	simm.s32 $0x15400;
	v3 =	vperm.xlane v3, v2  }
0x52b: {  	[tilespmem:s22], [sflag:$0x4] =	stream.indirect_vreg.gather [hbm4b:s2+s3], $0x80, v4, vm0, $0xb8;
	[tilespmem:$0x1E400] =	vst v63  }
0x52c: {  	v3 =	vadd.s32 v1, v3;
	s22 =	simm.s32 $0x15C00  }
0x52d: {  	[tilespmem:s22], [sflag:$0x4] =	stream.indirect_vreg.gather [hbm4b:s5+s3], $0x80, v4, vm0, $0xb8;
	[tilespmem:$0x1E400] =	vst v63  }
0x52e: {  	s22 =	simm.s32 $0x16400  }
0x52f: {  	[tilespmem:s22], [sflag:$0x4] =	stream.indirect_vreg.gather [hbm4b:s6+s3], $0x80, v4, vm0, $0xb8;
	[tilespmem:$0x1E400] =	vst v63  }
0x530: {  	s22 =	simm.s32 $0x16C00  }
0x531: {  	[tilespmem:s22], [sflag:$0x4] =	stream.indirect_vreg.gather [hbm4b:s2+s3], $0x80, v3, vm0, $0xb8;
	[tilespmem:$0x1E400] =	vst v63  }
0x532: {  	s22 =	simm.s32 $0x17400  }
0x533: {  	[tilespmem:s22], [sflag:$0x4] =	stream.indirect_vreg.gather [hbm4b:s5+s3], $0x80, v3, vm0, $0xb8;
	[tilespmem:$0x1E400] =	vst v63  }
0x534: {  	s22 =	simm.s32 $0x17C00  }
0x535: {  	[tilespmem:s22], [sflag:$0x4] =	stream.indirect_vreg.gather [hbm4b:s6+s3], $0x80, v3, vm0, $0xb8;
	[tilespmem:$0x1E400] =	vst v63  }
0x536: {  	_ =	swait.ge [sflag:s11], $0x6000  }
0x537: {  	[sflag:s11] =	ssyncset.done $0x0  }
0x538: {  	s22 =	rddreg [dreg:$0x1e];
	[sflag:s11] =	ssyncadd.s32 $0xFFFFA000  }
0x539: {  	[hbm4b:s22+s3] =	stream.linear.scatter [tilespmem:s0], [sflag:$0x7], $0x6000, $0x38;
	[tilespmem:$0x1E400] =	vst v63  }
0x53a: {  	_ =	swait.ge [sflag:s20], $0x6000  }
0x53b: {  	[sflag:s20] =	ssyncset.done $0x0  }
0x53c: {  	[sflag:s20] =	ssyncadd.s32 $0xFFFFA000  }
0x53d: {  	v3 =	vld [tilespmem:$0x3A0];
	_ =	sdelay $0x4  }
0x53e: {  	v58 =	vshrl.u32 v3, $0x3  }
0x53f: {  	v4 =	vmul.u32 $0x30, v58  }
0x540: {  	v3 =	vand.u32 $0x7, v3  }
0x541: {  	v3 =	vor.u32 v3, v4  }
0x542: {  	v4 =	vperm.xlane v3, v0;
	_ =	sdelay $0x1  }
0x543: {  	v4 =	vadd.s32 v1, v4;
	_ =	sdelay $0x3  }
0x544: {  	v3 =	vperm.xlane v3, v2  }
0x545: {  	[tilespmem:s13], [sflag:$0x5] =	stream.indirect_vreg.gather [hbm4b:s2+s3], $0x80, v4, vm0, $0xb8;
	[tilespmem:$0x1E400] =	vst v63  }
0x546: {  	s7 =	simm.s32 $0x18C00;
	v3 =	vadd.s32 v1, v3  }
0x547: {  	[tilespmem:s7], [sflag:$0x5] =	stream.indirect_vreg.gather [hbm4b:s5+s3], $0x80, v4, vm0, $0xb8;
	[tilespmem:$0x1E400] =	vst v63  }
0x548: {  	s21 =	simm.s32 $0x19400  }
0x549: {  	[tilespmem:s21], [sflag:$0x5] =	stream.indirect_vreg.gather [hbm4b:s6+s3], $0x80, v4, vm0, $0xb8;
	[tilespmem:$0x1E400] =	vst v63  }
0x54a: {  	s23 =	simm.s32 $0x19C00  }
0x54b: {  	[tilespmem:s23], [sflag:$0x5] =	stream.indirect_vreg.gather [hbm4b:s2+s3], $0x80, v3, vm0, $0xb8;
	[tilespmem:$0x1E400] =	vst v63  }
0x54c: {  	s24 =	simm.s32 $0x1A400  }
0x54d: {  	[tilespmem:s24], [sflag:$0x5] =	stream.indirect_vreg.gather [hbm4b:s5+s3], $0x80, v3, vm0, $0xb8;
	[tilespmem:$0x1E400] =	vst v63  }
0x54e: {  	s12 =	simm.s32 $0x1AC00  }
0x54f: {  	[tilespmem:s12], [sflag:$0x5] =	stream.indirect_vreg.gather [hbm4b:s6+s3], $0x80, v3, vm0, $0xb8;
	[tilespmem:$0x1E400] =	vst v63  }
0x550: {  	v3 =	vld [tilespmem:$0x3B0];
	_ =	sdelay $0x4  }
0x551: {  	v59 =	vshrl.u32 v3, $0x3  }
0x552: {  	v4 =	vmul.u32 $0x30, v59  }
0x553: {  	v3 =	vand.u32 $0x7, v3  }
0x554: {  	v3 =	vor.u32 v3, v4  }
0x555: {  	v4 =	vperm.xlane v3, v0;
	_ =	sdelay $0x1  }
0x556: {  	v4 =	vadd.s32 v1, v4;
	_ =	sdelay $0x3  }
0x557: {  	s24 =	simm.s32 $0x1B400;
	v3 =	vperm.xlane v3, v2  }
0x558: {  	[tilespmem:s24], [sflag:$0x5] =	stream.indirect_vreg.gather [hbm4b:s2+s3], $0x80, v4, vm0, $0xb8;
	[tilespmem:$0x1E400] =	vst v63  }
0x559: {  	s25 =	simm.s32 $0x1BC00;
	v3 =	vadd.s32 v1, v3  }
0x55a: {  	[tilespmem:s25], [sflag:$0x5] =	stream.indirect_vreg.gather [hbm4b:s5+s3], $0x80, v4, vm0, $0xb8;
	[tilespmem:$0x1E400] =	vst v63  }
0x55b: {  	s26 =	simm.s32 $0x1C400  }
0x55c: {  	[tilespmem:s26], [sflag:$0x5] =	stream.indirect_vreg.gather [hbm4b:s6+s3], $0x80, v4, vm0, $0xb8;
	[tilespmem:$0x1E400] =	vst v63  }
0x55d: {  	s29 =	simm.s32 $0x1CC00  }
0x55e: {  	[tilespmem:s29], [sflag:$0x5] =	stream.indirect_vreg.gather [hbm4b:s2+s3], $0x80, v3, vm0, $0xb8;
	[tilespmem:$0x1E400] =	vst v63  }
0x55f: {  	s30 =	simm.s32 $0x1D400  }
0x560: {  	[tilespmem:s30], [sflag:$0x5] =	stream.indirect_vreg.gather [hbm4b:s5+s3], $0x80, v3, vm0, $0xb8;
	[tilespmem:$0x1E400] =	vst v63  }
0x561: {  	s10 =	simm.s32 $0x1DC00  }
0x562: {  	[tilespmem:s10], [sflag:$0x5] =	stream.indirect_vreg.gather [hbm4b:s6+s3], $0x80, v3, vm0, $0xb8;
	[tilespmem:$0x1E400] =	vst v63  }
0x563: {  	_ =	swait.ge [sflag:s28], $0x6000  }
0x564: {  	[sflag:s28] =	ssyncset.done $0x0  }
0x565: {  	s29 =	rddreg [dreg:$0x1f];
	[sflag:s28] =	ssyncadd.s32 $0xFFFFA000  }
0x566: {  	[hbm4b:s29+s3] =	stream.linear.scatter [tilespmem:s4], [sflag:$0x8], $0x6000, $0x38;
	[tilespmem:$0x1E400] =	vst v63  }
0x567: {  	_ =	swait.ge [sflag:s14], $0x6000  }
0x568: {  	[sflag:s14] =	ssyncset.done $0x0  }
0x569: {  	[sflag:s14] =	ssyncadd.s32 $0xFFFFA000  }
0x56a: {  	v3 =	vld [tilespmem:$0x3C0];
	_ =	sdelay $0x4  }
0x56b: {  	v60 =	vshrl.u32 v3, $0x3  }
0x56c: {  	v4 =	vmul.u32 $0x30, v60  }
0x56d: {  	v3 =	vand.u32 $0x7, v3  }
0x56e: {  	v3 =	vor.u32 v3, v4  }
0x56f: {  	v4 =	vperm.xlane v3, v0;
	_ =	sdelay $0x1  }
0x570: {  	v4 =	vadd.s32 v1, v4;
	_ =	sdelay $0x3  }
0x571: {  	v3 =	vperm.xlane v3, v2  }
0x572: {  	[tilespmem:s1], [sflag:$0x1] =	stream.indirect_vreg.gather [hbm4b:s2+s3], $0x80, v4, vm0, $0xb8;
	[tilespmem:$0x1E400] =	vst v63  }
0x573: {  	s30 =	simm.s32 $0xC00;
	v3 =	vadd.s32 v1, v3  }
0x574: {  	[tilespmem:s30], [sflag:$0x1] =	stream.indirect_vreg.gather [hbm4b:s5+s3], $0x80, v4, vm0, $0xb8;
	[tilespmem:$0x1E400] =	vst v63  }
0x575: {  	s4 =	simm.s32 $0x1400  }
0x576: {  	[tilespmem:s4], [sflag:$0x1] =	stream.indirect_vreg.gather [hbm4b:s6+s3], $0x80, v4, vm0, $0xb8;
	[tilespmem:$0x1E400] =	vst v63  }
0x577: {  	s7 =	simm.s32 $0x1C00  }
0x578: {  	[tilespmem:s7], [sflag:$0x1] =	stream.indirect_vreg.gather [hbm4b:s2+s3], $0x80, v3, vm0, $0xb8;
	[tilespmem:$0x1E400] =	vst v63  }
0x579: {  	s10 =	simm.s32 $0x2400  }
0x57a: {  	[tilespmem:s10], [sflag:$0x1] =	stream.indirect_vreg.gather [hbm4b:s5+s3], $0x80, v3, vm0, $0xb8;
	[tilespmem:$0x1E400] =	vst v63  }
0x57b: {  	s12 =	simm.s32 $0x2C00  }
0x57c: {  	[tilespmem:s12], [sflag:$0x1] =	stream.indirect_vreg.gather [hbm4b:s6+s3], $0x80, v3, vm0, $0xb8;
	[tilespmem:$0x1E400] =	vst v63  }
0x57d: {  	v3 =	vld [tilespmem:$0x3D0];
	_ =	sdelay $0x4  }
0x57e: {  	v61 =	vshrl.u32 v3, $0x3  }
0x57f: {  	v4 =	vmul.u32 $0x30, v61  }
0x580: {  	v3 =	vand.u32 $0x7, v3  }
0x581: {  	v3 =	vor.u32 v3, v4  }
0x582: {  	v4 =	vperm.xlane v3, v0;
	_ =	sdelay $0x1  }
0x583: {  	v4 =	vadd.s32 v1, v4;
	_ =	sdelay $0x3  }
0x584: {  	s21 =	simm.s32 $0x3400;
	v3 =	vperm.xlane v3, v2  }
0x585: {  	[tilespmem:s21], [sflag:$0x1] =	stream.indirect_vreg.gather [hbm4b:s2+s3], $0x80, v4, vm0, $0xb8;
	[tilespmem:$0x1E400] =	vst v63  }
0x586: {  	s22 =	simm.s32 $0x3C00;
	v3 =	vadd.s32 v1, v3  }
0x587: {  	[tilespmem:s22], [sflag:$0x1] =	stream.indirect_vreg.gather [hbm4b:s5+s3], $0x80, v4, vm0, $0xb8;
	[tilespmem:$0x1E400] =	vst v63  }
0x588: {  	s23 =	simm.s32 $0x4400  }
0x589: {  	[tilespmem:s23], [sflag:$0x1] =	stream.indirect_vreg.gather [hbm4b:s6+s3], $0x80, v4, vm0, $0xb8;
	[tilespmem:$0x1E400] =	vst v63  }
0x58a: {  	s24 =	simm.s32 $0x4C00  }
0x58b: {  	[tilespmem:s24], [sflag:$0x1] =	stream.indirect_vreg.gather [hbm4b:s2+s3], $0x80, v3, vm0, $0xb8;
	[tilespmem:$0x1E400] =	vst v63  }
0x58c: {  	s25 =	simm.s32 $0x5400  }
0x58d: {  	[tilespmem:s25], [sflag:$0x1] =	stream.indirect_vreg.gather [hbm4b:s5+s3], $0x80, v3, vm0, $0xb8;
	[tilespmem:$0x1E400] =	vst v63  }
0x58e: {  	s26 =	simm.s32 $0x5C00  }
0x58f: {  	[tilespmem:s26], [sflag:$0x1] =	stream.indirect_vreg.gather [hbm4b:s6+s3], $0x80, v3, vm0, $0xb8;
	[tilespmem:$0x1E400] =	vst v63  }
0x590: {  	s4 =	sld [smem:$0x7F6];
	_ =	swait.ge [sflag:s15], $0x6000  }
0x591: {  	s29 =	sld [smem:$0x7F8]  }
0x592: {  	[sflag:s15] =	ssyncset.done $0x0  }
0x593: {  	[sflag:s15] =	ssyncadd.s32 $0xFFFFA000  }
0x594: {  	[hbm4b:s29+s3] =	stream.linear.scatter [tilespmem:s9], [sflag:$0x9], $0x6000, $0x38;
	[tilespmem:$0x1E400] =	vst v63  }
0x595: {  	_ =	swait.ge [sflag:s16], $0x6000  }
0x596: {  	[sflag:s16] =	ssyncset.done $0x0  }
0x597: {  	[sflag:s16] =	ssyncadd.s32 $0xFFFFA000  }
0x598: {  	v3 =	vld [tilespmem:$0x3E0];
	_ =	sdelay $0x4  }
0x599: {  	v62 =	vshrl.u32 v3, $0x3  }
0x59a: {  	v4 =	vmul.u32 $0x30, v62  }
0x59b: {  	v3 =	vand.u32 $0x7, v3  }
0x59c: {  	v3 =	vor.u32 v3, v4  }
0x59d: {  	v4 =	vperm.xlane v3, v0;
	_ =	sdelay $0x1  }
0x59e: {  	v4 =	vadd.s32 v1, v4;
	_ =	sdelay $0x3  }
0x59f: {  	s9 =	simm.s32 $0x6400;
	v3 =	vperm.xlane v3, v2  }
0x5a0: {  	[tilespmem:s9], [sflag:$0x2] =	stream.indirect_vreg.gather [hbm4b:s2+s3], $0x80, v4, vm0, $0xb8;
	[tilespmem:$0x1E400] =	vst v63  }
0x5a1: {  	s30 =	simm.s32 $0x6C00;
	v3 =	vadd.s32 v1, v3  }
0x5a2: {  	[tilespmem:s30], [sflag:$0x2] =	stream.indirect_vreg.gather [hbm4b:s5+s3], $0x80, v4, vm0, $0xb8;
	[tilespmem:$0x1E400] =	vst v63  }
0x5a3: {  	s31 =	simm.s32 $0x7400  }
0x5a4: {  	[tilespmem:s31], [sflag:$0x2] =	stream.indirect_vreg.gather [hbm4b:s6+s3], $0x80, v4, vm0, $0xb8;
	[tilespmem:$0x1E400] =	vst v63  }
0x5a5: {  	s7 =	simm.s32 $0x7C00  }
0x5a6: {  	[tilespmem:s7], [sflag:$0x2] =	stream.indirect_vreg.gather [hbm4b:s2+s3], $0x80, v3, vm0, $0xb8;
	[tilespmem:$0x1E400] =	vst v63  }
0x5a7: {  	s10 =	simm.s32 $0x8400  }
0x5a8: {  	[tilespmem:s10], [sflag:$0x2] =	stream.indirect_vreg.gather [hbm4b:s5+s3], $0x80, v3, vm0, $0xb8;
	[tilespmem:$0x1E400] =	vst v63  }
0x5a9: {  	s12 =	simm.s32 $0x8C00  }
0x5aa: {  	[tilespmem:s12], [sflag:$0x2] =	stream.indirect_vreg.gather [hbm4b:s6+s3], $0x80, v3, vm0, $0xb8;
	[tilespmem:$0x1E400] =	vst v63  }
0x5ab: {  	v3 =	vld [tilespmem:$0x3F0];
	_ =	sdelay $0x4  }
0x5ac: {  	v63 =	vshrl.u32 v3, $0x3  }
0x5ad: {  	v4 =	vmul.u32 $0x30, v63  }
0x5ae: {  	v3 =	vand.u32 $0x7, v3  }
0x5af: {  	v3 =	vor.u32 v3, v4  }
0x5b0: {  	v4 =	vperm.xlane v3, v0;
	_ =	sdelay $0x1  }
0x5b1: {  	v4 =	vadd.s32 v1, v4;
	_ =	sdelay $0x3  }
0x5b2: {  	s21 =	simm.s32 $0x9400;
	v3 =	vperm.xlane v3, v2  }
0x5b3: {  	[tilespmem:s21], [sflag:$0x2] =	stream.indirect_vreg.gather [hbm4b:s2+s3], $0x80, v4, vm0, $0xb8;
	[tilespmem:$0x1E400] =	vst v63  }
0x5b4: {  	s22 =	simm.s32 $0x9C00;
	v3 =	vadd.s32 v1, v3  }
0x5b5: {  	[tilespmem:s22], [sflag:$0x2] =	stream.indirect_vreg.gather [hbm4b:s5+s3], $0x80, v4, vm0, $0xb8;
	[tilespmem:$0x1E400] =	vst v63  }
0x5b6: {  	s23 =	simm.s32 $0xA400  }
0x5b7: {  	[tilespmem:s23], [sflag:$0x2] =	stream.indirect_vreg.gather [hbm4b:s6+s3], $0x80, v4, vm0, $0xb8;
	[tilespmem:$0x1E400] =	vst v63  }
0x5b8: {  	s24 =	simm.s32 $0xAC00  }
0x5b9: {  	[tilespmem:s24], [sflag:$0x2] =	stream.indirect_vreg.gather [hbm4b:s2+s3], $0x80, v3, vm0, $0xb8;
	[tilespmem:$0x1E400] =	vst v63  }
0x5ba: {  	s25 =	simm.s32 $0xB400  }
0x5bb: {  	[tilespmem:s25], [sflag:$0x2] =	stream.indirect_vreg.gather [hbm4b:s5+s3], $0x80, v3, vm0, $0xb8;
	[tilespmem:$0x1E400] =	vst v63  }
0x5bc: {  	s26 =	simm.s32 $0xBC00  }
0x5bd: {  	[tilespmem:s26], [sflag:$0x2] =	stream.indirect_vreg.gather [hbm4b:s6+s3], $0x80, v3, vm0, $0xb8;
	[tilespmem:$0x1E400] =	vst v63  }
0x5be: {  	_ =	swait.ge [sflag:s17], $0x6000  }
0x5bf: {  	s29 =	sld [smem:$0x7F9]  }
0x5c0: {  	[sflag:s17] =	ssyncset.done $0x0  }
0x5c1: {  	[sflag:s17] =	ssyncadd.s32 $0xFFFFA000  }
0x5c2: {  	[hbm4b:s29+s3] =	stream.linear.scatter [tilespmem:s13], [sflag:$0xA], $0x6000, $0x38;
	[tilespmem:$0x1E400] =	vst v63  }
0x5c3: {  	_ =	swait.ge [sflag:s8], $0x6000  }
0x5c4: {  	s30 =	sld [smem:$0x7FA]  }
0x5c5: {  	[sflag:s8] =	ssyncset.done $0x0  }
0x5c6: {  	[sflag:s8] =	ssyncadd.s32 $0xFFFFA000  }
0x5c7: {  	[hbm4b:s30+s3] =	stream.linear.scatter [tilespmem:s1], [sflag:$0x6], $0x6000, $0x38;
	[tilespmem:$0x1E400] =	vst v63  }
0x5c8: {  	_ =	swait.ge [sflag:s11], $0x6000  }
0x5c9: {  	s31 =	sld [smem:$0x7FB]  }
0x5ca: {  	[sflag:s11] =	ssyncset.done $0x0  }
0x5cb: {  	[sflag:s11] =	ssyncadd.s32 $0xFFFFA000  }
0x5cc: {  	[hbm4b:s31+s3] =	stream.linear.scatter [tilespmem:s9], [sflag:$0x7], $0x6000, $0x38;
	[tilespmem:$0x1E400] =	vst v63  }
0x5cd: {  	_ =	swait.ge [sflag:s14], $0x6000  }
0x5ce: {  	[sflag:s14] =	ssyncset.done $0x0  }
0x5cf: {  	[sflag:s14] =	ssyncadd.s32 $0xFFFFA000  }
0x5d0: {  	_ =	swait.ge [sflag:s16], $0x6000  }
0x5d1: {  	[sflag:s16] =	ssyncset.done $0x0  }
0x5d2: {  	[sflag:s16] =	ssyncadd.s32 $0xFFFFA000  }
0x5d3: {  	_ =	swait.ge [sflag:s18], $0x6000  }
0x5d4: {  	[sflag:s18] =	ssyncset.done $0x0  }
0x5d5: {  	[sflag:s18] =	ssyncadd.s32 $0xFFFFA000  }
0x5d6: {  	p0 =	sne.s32 s4, $0x1;
	_ =	swait.ge [sflag:s19], $0x6000  }
.Ltmp0:
0x5d7: {  	[sflag:s19] =	ssyncset.done $0x0;
	(pc) =	sbr.rel @p0 .LBB2_1-.Ltmp0, $4  }
0x5d8: {  	[sflag:s19] =	ssyncadd.s32 $0xFFFFA000  }
0x5d9: {  	_ =	swait.ge [sflag:s20], $0x6000  }
0x5da: {  	[sflag:s20] =	ssyncset.done $0x0  }
0x5db: {  	s4 =	sadd.s32 $0xFFFFFFFF, s4;
	[sflag:s20] =	ssyncadd.s32 $0xFFFFA000  }
0x5dc: {  	_ =	sfence.sel $0x180000  }
0x5dd: {  	[bflag:$0x0] =	sbarrier.arrive $0xFFFF  }
0x5de: {  	_ =	strace $0x90000047  }
0x5df: {  	s0 =	stileid.u32;
	[bflag:$0x2] =	sbarrier.arrive $0xFFFF  }
0x5e0: {  	p0 =	sne.s32 s0, $0x0;
	s0 =	rddreg [dreg:$0x3]  }
0x5e1: {  	s0 =	sadd.s32 @!p0 $0x100000, s0  }
0x5e2: {  	[sflag:s0] =	ssyncadd.tile.s32 @!p0 $0x1;
	_ =	shalt  }
.Lfunc_end2:
_tile_overlayer_lowered:
.L_overlay_start_2:
0x5e3: {  	(tag) =	ssettag $0x2  }
0x5e4: {  	s0 =	rddreg [dreg:$0x0];
	s2 =	stileid.u32  }
0x5e5: {  	s1 =	rddreg [dreg:$0x1];
	p0 =	sne.s32 s2, $0x0  }
0x5e6: {  	s3 =	rddreg [dreg:$0x2];
	[bflag:$0x3] =	sbarrier.arrive $0xFFFF;
	s2 =	simm.s32 @!p0 $0x1C0B  }
0x5e7: {  	[timem:s3], [sflag:s2] =	dma.local @!p0 [hbm:s0], s1  }
0x5e8: {  	s0 =	simm.s32 @!p0 $0xB  }
0x5e9: {  	_ =	swait.ge @!p0 [sflag:s0], s1  }
0x5ea: {  	s1 =	ssub.s32 @!p0 $0x0, s1;
	[sflag:s0] =	ssyncset.done @!p0 $0x0  }
0x5eb: {  	[sflag:s0] =	ssyncadd.s32 @!p0 s1  }
0x5ec: {  	[bflag:$0x3] =	sbarrier.arrive $0xFFFF  }
0x5ed: {  	_ =	shalt  }

</sc_bundles>
